<compile_context>
chip_gen: v7x
topology: tpu7x:2x2x1
jax: 0.10.2.dev20260603
libtpu: 0.0.44.dev20260713+nightly
codegen_flags: <defaults>
</compile_context>

<pallas_src>
import functools

import jax
import jax.numpy as jnp
from jax import lax
from jax.experimental import pallas as pl
from jax.experimental.pallas import tpu as pltpu
from jax.experimental.pallas import tpu_sc as plsc

N = 10000
E = 320000
D = 128
NP = 10240

NC = 2
NS = 16
NW = NC * NS
EPW = E // NW
K = 40
NCHUNK = EPW // K
NB = 5
NG = NCHUNK // NB
RPT = NP // NS
NH = 128

_mesh = plsc.VectorSubcoreMesh(
    core_axis_name="c", subcore_axis_name="s", num_cores=NC, num_subcores=NS
)


HRPT = NH // NS


@functools.partial(
    pl.kernel,
    out_type=jax.ShapeDtypeStruct((NC, 2, NH, 128), jnp.float32),
    mesh=_mesh,
    scratch_types=[
        pltpu.VMEM((EPW,), jnp.int32),
        pltpu.VMEM((EPW,), jnp.int32),
        pltpu.VMEM((NH, 128), jnp.float32),
        pltpu.VMEM((NH, 128), jnp.float32),
        pltpu.VMEM((NH,), jnp.int32),
        pltpu.VMEM_SHARED((NH, 128), jnp.float32),
        pltpu.VMEM_SHARED((NH, 128), jnp.float32),
    ],
    compiler_params=pltpu.CompilerParams(needs_layout_passes=False,
                                         skip_device_barrier=True),
)
def _deg_kernel(src_hbm, dst_hbm, z_hbm, iota_hbm, out_hbm,
                sidx, didx, h_o, h_i, irows, s_o, s_i):
    cid = lax.axis_index("c")
    sid = lax.axis_index("s")
    wid = sid * NC + cid
    r0 = sid * HRPT
    pltpu.sync_copy(z_hbm, h_o)
    pltpu.sync_copy(z_hbm, h_i)
    pltpu.sync_copy(iota_hbm, irows)
    pltpu.sync_copy(src_hbm.at[pl.ds(wid * EPW, EPW)], sidx)
    pltpu.sync_copy(dst_hbm.at[pl.ds(wid * EPW, EPW)], didx)
    pltpu.sync_copy(z_hbm.at[pl.ds(r0, HRPT)], s_o.at[pl.ds(r0, HRPT)])
    pltpu.sync_copy(z_hbm.at[pl.ds(r0, HRPT)], s_i.at[pl.ds(r0, HRPT)])

    ones = jnp.ones((16,), jnp.float32)

    @pl.loop(0, EPW // 16)
    def _vec(j):
        iv = sidx[pl.ds(j * 16, 16)]
        plsc.addupdate_scatter(h_o, [iv >> 7, iv & 127], ones)
        dv = didx[pl.ds(j * 16, 16)]
        plsc.addupdate_scatter(h_i, [dv >> 7, dv & 127], ones)

    plsc.subcore_barrier()
    pltpu.sync_copy(h_o, s_o.at[irows], add=True)
    pltpu.sync_copy(h_i, s_i.at[irows], add=True)
    plsc.subcore_barrier()
    pltpu.sync_copy(s_o.at[pl.ds(r0, HRPT)], out_hbm.at[cid, 0, pl.ds(r0, HRPT)])
    pltpu.sync_copy(s_i.at[pl.ds(r0, HRPT)], out_hbm.at[cid, 1, pl.ds(r0, HRPT)])


@functools.partial(
    pl.kernel,
    out_type=jax.ShapeDtypeStruct((NC, NP, D), jnp.float32),
    mesh=_mesh,
    scratch_types=[
        pltpu.VMEM((EPW,), jnp.int32),
        pltpu.VMEM_SHARED((NP, D), jnp.float32),
    ]
    + [pltpu.VMEM((K, D), jnp.float32) for _ in range(NB)]
    + [pltpu.VMEM((K,), jnp.int32) for _ in range(NB)]
    + [pltpu.SemaphoreType.DMA for _ in range(2 * NB)],
    compiler_params=pltpu.CompilerParams(skip_device_barrier=True),
)
def _agg_kernel(h_hbm, src_hbm, dst_hbm, z_hbm, out_hbm,
                sidx, acc, *rest):
    rows = rest[:NB]
    didx = rest[NB:2 * NB]
    gsem = rest[2 * NB:3 * NB]
    isem = rest[3 * NB:]
    cid = lax.axis_index("c")
    sid = lax.axis_index("s")
    wid = sid * NC + cid
    r0 = sid * RPT
    ebase = wid * EPW
    pltpu.sync_copy(src_hbm.at[pl.ds(ebase, EPW)], sidx)
    pltpu.sync_copy(z_hbm.at[pl.ds(r0, RPT)], acc.at[pl.ds(r0, RPT)])

    for b in range(NB):
        pltpu.async_copy(dst_hbm.at[pl.ds(ebase + b * K, K)], didx[b], isem[b])
        pltpu.async_copy(h_hbm.at[sidx.at[pl.ds(b * K, K)]], rows[b], gsem[b])
    plsc.subcore_barrier()

    @pl.loop(0, NG - 1)
    def _group(g):
        c0 = g * NB
        for b in range(NB):
            pltpu.make_async_copy(h_hbm.at[pl.ds(0, K)], rows[b], gsem[b]).wait()
            pltpu.make_async_copy(dst_hbm.at[pl.ds(0, K)], didx[b], isem[b]).wait()
            pltpu.sync_copy(rows[b], acc.at[didx[b]], add=True)
            nxt = (c0 + b + NB) * K
            pltpu.async_copy(dst_hbm.at[pl.ds(ebase + nxt, K)], didx[b], isem[b])
            pltpu.async_copy(h_hbm.at[sidx.at[pl.ds(nxt, K)]], rows[b], gsem[b])

    for b in range(NB):
        pltpu.make_async_copy(h_hbm.at[pl.ds(0, K)], rows[b], gsem[b]).wait()
        pltpu.make_async_copy(dst_hbm.at[pl.ds(0, K)], didx[b], isem[b]).wait()
        pltpu.sync_copy(rows[b], acc.at[didx[b]], add=True)

    plsc.subcore_barrier()
    pltpu.sync_copy(acc.at[pl.ds(r0, RPT)], out_hbm.at[cid, pl.ds(r0, RPT)])


B = 2048


def _norm_body(degs_ref, o_ref):
    d_o = degs_ref[0, 0] + degs_ref[1, 0]
    d_i = degs_ref[0, 1] + degs_ref[1, 1]
    o_ref[0] = lax.rsqrt(jnp.maximum(d_o, 1.0))
    o_ref[1] = lax.rsqrt(jnp.maximum(d_i, 1.0))


_norm = pl.pallas_call(
    _norm_body,
    out_shape=jax.ShapeDtypeStruct((2, NH, 128), jnp.float32))


def _mm0_body(x_ref, w_ref, o_ref):
    o_ref[...] = jnp.dot(x_ref[...], w_ref[...],
                         preferred_element_type=jnp.float32)


def _scale_body(m_ref, no_ref, o_ref):
    o_ref[...] = m_ref[...] * no_ref[...]


def _mid_body(a_ref, ni_ref, no_ref, b_ref, w_ref, o_ref):
    a = a_ref[0] + a_ref[1]
    h = jax.nn.sigmoid(a * ni_ref[...] + b_ref[...])
    o_ref[...] = jnp.dot(h * no_ref[...], w_ref[...],
                         preferred_element_type=jnp.float32)


def _final_body(a_ref, ni_ref, b_ref, o_ref):
    a = a_ref[0] + a_ref[1]
    o_ref[...] = jax.nn.sigmoid(a * ni_ref[...] + b_ref[...])


_acc_spec = pl.BlockSpec((NC, B, D), lambda i: (0, i, 0))
_row_spec = pl.BlockSpec((B, D), lambda i: (i, 0))
_w_spec = pl.BlockSpec((D, D), lambda i: (0, 0))
_b_spec = pl.BlockSpec((1, D), lambda i: (0, 0))
_out_t = jax.ShapeDtypeStruct((NP, D), jnp.float32)
_grid = (NP // B,)

_mm0 = pl.pallas_call(
    _mm0_body, grid=_grid,
    in_specs=[_row_spec, _w_spec],
    out_specs=_row_spec, out_shape=_out_t)

_scale = pl.pallas_call(
    _scale_body, grid=_grid,
    in_specs=[_row_spec, _row_spec],
    out_specs=_row_spec, out_shape=_out_t)

_mid = pl.pallas_call(
    _mid_body, grid=_grid,
    in_specs=[_acc_spec, _row_spec, _row_spec, _b_spec, _w_spec],
    out_specs=_row_spec, out_shape=_out_t)

_final = pl.pallas_call(
    _final_body, grid=_grid,
    in_specs=[_acc_spec, _row_spec, _b_spec],
    out_specs=_row_spec, out_shape=_out_t)


def kernel(x, edge_index, W0, b0, W1, b1, W2, b2):
    src = edge_index[0]
    dst = edge_index[1]
    xp = jnp.pad(x, ((0, NP - N), (0, 0)))
    zh = jnp.zeros((NH, 128), jnp.float32)
    iota = jnp.arange(NH, dtype=jnp.int32)
    z128 = jnp.zeros((NP, D), jnp.float32)
    b0 = b0.reshape(1, D)
    b1 = b1.reshape(1, D)
    b2 = b2.reshape(1, D)

    m0 = _mm0(xp, W0)
    degs = _deg_kernel(src, dst, zh, iota)
    norms = _norm(degs)
    n_o = jnp.broadcast_to(norms[0].reshape(NH * 128)[:NP, None], (NP, D))
    n_i = jnp.broadcast_to(norms[1].reshape(NH * 128)[:NP, None], (NP, D))

    h = _scale(m0, n_o)
    a = _agg_kernel(h, src, dst, z128)
    h = _mid(a, n_i, n_o, b0, W1)
    a = _agg_kernel(h, src, dst, z128)
    h = _mid(a, n_i, n_o, b1, W2)
    a = _agg_kernel(h, src, dst, z128)
    return _final(a, n_i, b2)[:N]

# --- scband reference (transcript-rebuilt; emitter-appended) ---
"""Pipeline reference for scband-multi-gcn-66606352826433 (READ-ONLY COPY).

The authoritative reference and input builder live on the scoring server;
editing this copy changes nothing except your own understanding.
"""

import jax, jax.numpy as jnp
import numpy as np

N = 10000
E = 320000
D = 128


def setup_inputs(seed: int = 0) -> dict:
    key = jax.random.key(seed)
    ks = jax.random.split(key, 9)
    x = jax.random.normal(ks[0], (N, D), dtype=jnp.float32)
    edge_index = jax.random.randint(ks[1], (2, E), 0, N)
    s = 1.0 / np.sqrt(D)
    W0 = jax.random.normal(ks[2], (D, D), dtype=jnp.float32) * s
    b0 = jax.random.normal(ks[3], (D,), dtype=jnp.float32) * 0.01
    W1 = jax.random.normal(ks[4], (D, D), dtype=jnp.float32) * s
    b1 = jax.random.normal(ks[5], (D,), dtype=jnp.float32) * 0.01
    W2 = jax.random.normal(ks[6], (D, D), dtype=jnp.float32) * s
    b2 = jax.random.normal(ks[7], (D,), dtype=jnp.float32) * 0.01
    return {"x": x, "edge_index": edge_index, "W0": W0, "b0": b0, "W1": W1, "b1": b1, "W2": W2, "b2": b2}


def _gcn_layer(x, W, b, src, dst):
    # DGL GraphConv norm='both': D_out^{-1/2} on source side, D_in^{-1/2} on dest side,
    # degrees clamped to min 1; sigmoid activation (activate=True).
    ones_e = jnp.ones(src.shape[0], dtype=jnp.float32)
    deg_out = jax.ops.segment_sum(ones_e, src, num_segments=N)
    deg_in = jax.ops.segment_sum(ones_e, dst, num_segments=N)
    norm_o = jnp.maximum(deg_out, 1.0) ** -0.5
    norm_i = jnp.maximum(deg_in, 1.0) ** -0.5
    h = x * norm_o[:, None]
    h = h @ W
    agg = jax.ops.segment_sum(h[src], dst, num_segments=N)
    out = agg * norm_i[:, None] + b
    return jax.nn.sigmoid(out)


def reference(x, edge_index, W0, b0, W1, b1, W2, b2):
    src = edge_index[0]
    dst = edge_index[1]
    h = _gcn_layer(x, W0, b0, src, dst)   # input layer
    h = _gcn_layer(h, W1, b1, src, dst)   # hidden layer (hidden_layer=1)
    h = _gcn_layer(h, W2, b2, src, dst)   # output layer
    return h

if __name__ == "__main__":
    import jax
    _d = setup_inputs()
    print(jax.jit(kernel)(*tuple(_d.values())))

</pallas_src>

<mosaic_0001>
#map = affine_map<(d0, d1) -> (0, 0)>
#map1 = affine_map<(d0, d1) -> (0)>
#map2 = affine_map<(d0, d1) -> (0, 0, 0)>
module attributes {stable_mosaic.version = 14 : i64} {
  func.func @_agg_kernel(%arg0: i32, %arg1: i32, %arg2: memref<10240x128xf32, #tpu.memory_space<hbm>>, %arg3: memref<320000xi32, #tpu.memory_space<hbm>>, %arg4: memref<320000xi32, #tpu.memory_space<hbm>>, %arg5: memref<10240x128xf32, #tpu.memory_space<hbm>>, %arg6: memref<2x10240x128xf32, #tpu.memory_space<hbm>>, %arg7: memref<10000xi32, #tpu.memory_space<vmem>>, %arg8: memref<10240x128xf32, #tpu.memory_space<vmem_shared>>, %arg9: memref<40x128xf32, #tpu.memory_space<vmem>>, %arg10: memref<40x128xf32, #tpu.memory_space<vmem>>, %arg11: memref<40x128xf32, #tpu.memory_space<vmem>>, %arg12: memref<40x128xf32, #tpu.memory_space<vmem>>, %arg13: memref<40x128xf32, #tpu.memory_space<vmem>>, %arg14: memref<40xi32, #tpu.memory_space<vmem>>, %arg15: memref<40xi32, #tpu.memory_space<vmem>>, %arg16: memref<40xi32, #tpu.memory_space<vmem>>, %arg17: memref<40xi32, #tpu.memory_space<vmem>>, %arg18: memref<40xi32, #tpu.memory_space<vmem>>, %arg19: memref<!tpu.dma_semaphore, #tpu.memory_space<semaphore_mem>>, %arg20: memref<!tpu.dma_semaphore, #tpu.memory_space<semaphore_mem>>, %arg21: memref<!tpu.dma_semaphore, #tpu.memory_space<semaphore_mem>>, %arg22: memref<!tpu.dma_semaphore, #tpu.memory_space<semaphore_mem>>, %arg23: memref<!tpu.dma_semaphore, #tpu.memory_space<semaphore_mem>>, %arg24: memref<!tpu.dma_semaphore, #tpu.memory_space<semaphore_mem>>, %arg25: memref<!tpu.dma_semaphore, #tpu.memory_space<semaphore_mem>>, %arg26: memref<!tpu.dma_semaphore, #tpu.memory_space<semaphore_mem>>, %arg27: memref<!tpu.dma_semaphore, #tpu.memory_space<semaphore_mem>>, %arg28: memref<!tpu.dma_semaphore, #tpu.memory_space<semaphore_mem>>) attributes {dimension_semantics = [#tpu.dimension_semantics<core_parallel>, #tpu.dimension_semantics<subcore_parallel>], iteration_bounds = array<i64: 2, 16>, scalar_prefetch = 0 : i64, scratch_operands = 22 : i64, tpu.core_type = #tpu.core_type<sc_vector_subcore>, window_params = [{transform_indices = #map}, {transform_indices = #map1}, {transform_indices = #map1}, {transform_indices = #map}, {transform_indices = #map2}]} {
    %mul3A = arith.constant 2 : i32
    %mul3A_0 = arith.muli %arg1, %mul3A : i32
    %add3A = arith.addi %mul3A_0, %arg0 : i32
    %mul3A_1 = arith.constant 640 : i32
    %mul3A_2 = arith.muli %arg1, %mul3A_1 : i32
    %mul3A_3 = arith.constant 10000 : i32
    %mul3A_4 = arith.muli %add3A, %mul3A_3 : i32
    "tpu.region"() ({
      %run_scoped3A = tpu.sem_alloc : memref<!tpu.dma_semaphore, #tpu.memory_space<semaphore_mem>>
      %dma_start3A_103 = tpu.memref_slice %arg3[%mul3A_4] : memref<320000xi32, #tpu.memory_space<hbm>> -> memref<10000xi32, #tpu.memory_space<hbm>>
      %dma_start3A_104 = tpu.memref_slice %arg3[%mul3A_4] : memref<320000xi32, #tpu.memory_space<hbm>> -> memref<10000xi32, #tpu.memory_space<hbm>>
      tpu.enqueue_dma source(%dma_start3A_104 : memref<10000xi32, #tpu.memory_space<hbm>>) target(%arg7 : memref<10000xi32, #tpu.memory_space<vmem>>) target_semaphore(%run_scoped3A : memref<!tpu.dma_semaphore, #tpu.memory_space<semaphore_mem>>)
      %dma_wait3A_105 = tpu.memref_slice %arg3[%mul3A_4] : memref<320000xi32, #tpu.memory_space<hbm>> -> memref<10000xi32, #tpu.memory_space<hbm>>
      %dma_wait3A_106 = tpu.memref_slice %arg3[%mul3A_4] : memref<320000xi32, #tpu.memory_space<hbm>> -> memref<10000xi32, #tpu.memory_space<hbm>>
      tpu.wait_dma2 semaphore(%run_scoped3A : memref<!tpu.dma_semaphore, #tpu.memory_space<semaphore_mem>>) src(%dma_wait3A_106 : memref<10000xi32, #tpu.memory_space<hbm>>) dst(%arg7 : memref<10000xi32, #tpu.memory_space<vmem>>)
      tpu.yield
    }) : () -> ()
    "tpu.region"() ({
      %run_scoped3A = tpu.sem_alloc : memref<!tpu.dma_semaphore, #tpu.memory_space<semaphore_mem>>
      %dma_start3A_103 = arith.constant 0 : i32
      %dma_start3A_104 = tpu.memref_slice %arg8[%mul3A_2, %dma_start3A_103] : memref<10240x128xf32, #tpu.memory_space<vmem_shared>> -> memref<640x128xf32, #tpu.memory_space<vmem_shared>>
      %dma_start3A_105 = arith.constant 0 : i32
      %dma_start3A_106 = tpu.memref_slice %arg5[%mul3A_2, %dma_start3A_105] : memref<10240x128xf32, #tpu.memory_space<hbm>> -> memref<640x128xf32, #tpu.memory_space<hbm>>
      tpu.enqueue_dma source(%dma_start3A_106 : memref<640x128xf32, #tpu.memory_space<hbm>>) target(%dma_start3A_104 : memref<640x128xf32, #tpu.memory_space<vmem_shared>>) target_semaphore(%run_scoped3A : memref<!tpu.dma_semaphore, #tpu.memory_space<semaphore_mem>>)
      %dma_wait3A_107 = arith.constant 0 : i32
      %dma_wait3A_108 = tpu.memref_slice %arg8[%mul3A_2, %dma_wait3A_107] : memref<10240x128xf32, #tpu.memory_space<vmem_shared>> -> memref<640x128xf32, #tpu.memory_space<vmem_shared>>
      %dma_wait3A_109 = arith.constant 0 : i32
      %dma_wait3A_110 = tpu.memref_slice %arg5[%mul3A_2, %dma_wait3A_109] : memref<10240x128xf32, #tpu.memory_space<hbm>> -> memref<640x128xf32, #tpu.memory_space<hbm>>
      tpu.wait_dma2 semaphore(%run_scoped3A : memref<!tpu.dma_semaphore, #tpu.memory_space<semaphore_mem>>) src(%dma_wait3A_110 : memref<640x128xf32, #tpu.memory_space<hbm>>) dst(%dma_wait3A_108 : memref<640x128xf32, #tpu.memory_space<vmem_shared>>)
      tpu.yield
    }) : () -> ()
    %add3A_5 = arith.constant 0 : i32
    %add3A_6 = arith.addi %mul3A_4, %add3A_5 : i32
    %dma_start3A = tpu.memref_slice %arg4[%add3A_6] : memref<320000xi32, #tpu.memory_space<hbm>> -> memref<40xi32, #tpu.memory_space<hbm>>
    %dma_start3A_7 = tpu.memref_slice %arg4[%add3A_6] : memref<320000xi32, #tpu.memory_space<hbm>> -> memref<40xi32, #tpu.memory_space<hbm>>
    tpu.enqueue_dma source(%dma_start3A_7 : memref<40xi32, #tpu.memory_space<hbm>>) target(%arg14 : memref<40xi32, #tpu.memory_space<vmem>>) target_semaphore(%arg24 : memref<!tpu.dma_semaphore, #tpu.memory_space<semaphore_mem>>)
    %dma_start3A_8 = arith.constant 0 : i32
    %dma_start3A_9 = tpu.memref_slice %arg7[%dma_start3A_8] : memref<10000xi32, #tpu.memory_space<vmem>> -> memref<40xi32, #tpu.memory_space<vmem>>
    %dma_start3A_10 = arith.constant 0 : i32
    %dma_start3A_11 = arith.constant 0 : i32
    %dma_start3A_12 = tpu.memref_slice %arg2[%dma_start3A_10, %dma_start3A_11] : memref<10240x128xf32, #tpu.memory_space<hbm>> -> memref<10240x128xf32, #tpu.memory_space<hbm>>
    tpu.enqueue_indirect_dma source(%dma_start3A_12 : memref<10240x128xf32, #tpu.memory_space<hbm>>) target(%arg9 : memref<40x128xf32, #tpu.memory_space<vmem>>) offsets(%dma_start3A_9 : memref<40xi32, #tpu.memory_space<vmem>>) semaphore(%arg19 : memref<!tpu.dma_semaphore, #tpu.memory_space<semaphore_mem>>)
    %add3A_13 = arith.constant 40 : i32
    %add3A_14 = arith.addi %mul3A_4, %add3A_13 : i32
    %dma_start3A_15 = tpu.memref_slice %arg4[%add3A_14] : memref<320000xi32, #tpu.memory_space<hbm>> -> memref<40xi32, #tpu.memory_space<hbm>>
    %dma_start3A_16 = tpu.memref_slice %arg4[%add3A_14] : memref<320000xi32, #tpu.memory_space<hbm>> -> memref<40xi32, #tpu.memory_space<hbm>>
    tpu.enqueue_dma source(%dma_start3A_16 : memref<40xi32, #tpu.memory_space<hbm>>) target(%arg15 : memref<40xi32, #tpu.memory_space<vmem>>) target_semaphore(%arg25 : memref<!tpu.dma_semaphore, #tpu.memory_space<semaphore_mem>>)
    %dma_start3A_17 = arith.constant 40 : i32
    %dma_start3A_18 = tpu.memref_slice %arg7[%dma_start3A_17] : memref<10000xi32, #tpu.memory_space<vmem>> -> memref<40xi32, #tpu.memory_space<vmem>>
    %dma_start3A_19 = arith.constant 0 : i32
    %dma_start3A_20 = arith.constant 0 : i32
    %dma_start3A_21 = tpu.memref_slice %arg2[%dma_start3A_19, %dma_start3A_20] : memref<10240x128xf32, #tpu.memory_space<hbm>> -> memref<10240x128xf32, #tpu.memory_space<hbm>>
    tpu.enqueue_indirect_dma source(%dma_start3A_21 : memref<10240x128xf32, #tpu.memory_space<hbm>>) target(%arg10 : memref<40x128xf32, #tpu.memory_space<vmem>>) offsets(%dma_start3A_18 : memref<40xi32, #tpu.memory_space<vmem>>) semaphore(%arg20 : memref<!tpu.dma_semaphore, #tpu.memory_space<semaphore_mem>>)
    %add3A_22 = arith.constant 80 : i32
    %add3A_23 = arith.addi %mul3A_4, %add3A_22 : i32
    %dma_start3A_24 = tpu.memref_slice %arg4[%add3A_23] : memref<320000xi32, #tpu.memory_space<hbm>> -> memref<40xi32, #tpu.memory_space<hbm>>
    %dma_start3A_25 = tpu.memref_slice %arg4[%add3A_23] : memref<320000xi32, #tpu.memory_space<hbm>> -> memref<40xi32, #tpu.memory_space<hbm>>
    tpu.enqueue_dma source(%dma_start3A_25 : memref<40xi32, #tpu.memory_space<hbm>>) target(%arg16 : memref<40xi32, #tpu.memory_space<vmem>>) target_semaphore(%arg26 : memref<!tpu.dma_semaphore, #tpu.memory_space<semaphore_mem>>)
    %dma_start3A_26 = arith.constant 80 : i32
    %dma_start3A_27 = tpu.memref_slice %arg7[%dma_start3A_26] : memref<10000xi32, #tpu.memory_space<vmem>> -> memref<40xi32, #tpu.memory_space<vmem>>
    %dma_start3A_28 = arith.constant 0 : i32
    %dma_start3A_29 = arith.constant 0 : i32
    %dma_start3A_30 = tpu.memref_slice %arg2[%dma_start3A_28, %dma_start3A_29] : memref<10240x128xf32, #tpu.memory_space<hbm>> -> memref<10240x128xf32, #tpu.memory_space<hbm>>
    tpu.enqueue_indirect_dma source(%dma_start3A_30 : memref<10240x128xf32, #tpu.memory_space<hbm>>) target(%arg11 : memref<40x128xf32, #tpu.memory_space<vmem>>) offsets(%dma_start3A_27 : memref<40xi32, #tpu.memory_space<vmem>>) semaphore(%arg21 : memref<!tpu.dma_semaphore, #tpu.memory_space<semaphore_mem>>)
    %add3A_31 = arith.constant 120 : i32
    %add3A_32 = arith.addi %mul3A_4, %add3A_31 : i32
    %dma_start3A_33 = tpu.memref_slice %arg4[%add3A_32] : memref<320000xi32, #tpu.memory_space<hbm>> -> memref<40xi32, #tpu.memory_space<hbm>>
    %dma_start3A_34 = tpu.memref_slice %arg4[%add3A_32] : memref<320000xi32, #tpu.memory_space<hbm>> -> memref<40xi32, #tpu.memory_space<hbm>>
    tpu.enqueue_dma source(%dma_start3A_34 : memref<40xi32, #tpu.memory_space<hbm>>) target(%arg17 : memref<40xi32, #tpu.memory_space<vmem>>) target_semaphore(%arg27 : memref<!tpu.dma_semaphore, #tpu.memory_space<semaphore_mem>>)
    %dma_start3A_35 = arith.constant 120 : i32
    %dma_start3A_36 = tpu.memref_slice %arg7[%dma_start3A_35] : memref<10000xi32, #tpu.memory_space<vmem>> -> memref<40xi32, #tpu.memory_space<vmem>>
    %dma_start3A_37 = arith.constant 0 : i32
    %dma_start3A_38 = arith.constant 0 : i32
    %dma_start3A_39 = tpu.memref_slice %arg2[%dma_start3A_37, %dma_start3A_38] : memref<10240x128xf32, #tpu.memory_space<hbm>> -> memref<10240x128xf32, #tpu.memory_space<hbm>>
    tpu.enqueue_indirect_dma source(%dma_start3A_39 : memref<10240x128xf32, #tpu.memory_space<hbm>>) target(%arg12 : memref<40x128xf32, #tpu.memory_space<vmem>>) offsets(%dma_start3A_36 : memref<40xi32, #tpu.memory_space<vmem>>) semaphore(%arg22 : memref<!tpu.dma_semaphore, #tpu.memory_space<semaphore_mem>>)
    %add3A_40 = arith.constant 160 : i32
    %add3A_41 = arith.addi %mul3A_4, %add3A_40 : i32
    %dma_start3A_42 = tpu.memref_slice %arg4[%add3A_41] : memref<320000xi32, #tpu.memory_space<hbm>> -> memref<40xi32, #tpu.memory_space<hbm>>
    %dma_start3A_43 = tpu.memref_slice %arg4[%add3A_41] : memref<320000xi32, #tpu.memory_space<hbm>> -> memref<40xi32, #tpu.memory_space<hbm>>
    tpu.enqueue_dma source(%dma_start3A_43 : memref<40xi32, #tpu.memory_space<hbm>>) target(%arg18 : memref<40xi32, #tpu.memory_space<vmem>>) target_semaphore(%arg28 : memref<!tpu.dma_semaphore, #tpu.memory_space<semaphore_mem>>)
    %dma_start3A_44 = arith.constant 160 : i32
    %dma_start3A_45 = tpu.memref_slice %arg7[%dma_start3A_44] : memref<10000xi32, #tpu.memory_space<vmem>> -> memref<40xi32, #tpu.memory_space<vmem>>
    %dma_start3A_46 = arith.constant 0 : i32
    %dma_start3A_47 = arith.constant 0 : i32
    %dma_start3A_48 = tpu.memref_slice %arg2[%dma_start3A_46, %dma_start3A_47] : memref<10240x128xf32, #tpu.memory_space<hbm>> -> memref<10240x128xf32, #tpu.memory_space<hbm>>
    tpu.enqueue_indirect_dma source(%dma_start3A_48 : memref<10240x128xf32, #tpu.memory_space<hbm>>) target(%arg13 : memref<40x128xf32, #tpu.memory_space<vmem>>) offsets(%dma_start3A_45 : memref<40xi32, #tpu.memory_space<vmem>>) semaphore(%arg23 : memref<!tpu.dma_semaphore, #tpu.memory_space<semaphore_mem>>)
    %barrier3A = arith.constant 0 : index
    tpu.barrier barrier_id(%barrier3A)
    %scan3A = arith.constant 0 : i32
    %scan3A_49 = arith.constant 49 : i32
    %scan3A_50 = arith.addi %scan3A, %scan3A_49 : i32
    %scan3A_51 = arith.constant 1 : i32
    scf.for %scan3A_103 = %scan3A to %scan3A_50 step %scan3A_51  : i32 {
      %mul3A_104 = arith.constant 1 : i32
      %mul3A_105 = arith.muli %scan3A_103, %mul3A_104 : i32
      %add3A_106 = arith.constant 0 : i32
      %add3A_107 = arith.addi %add3A_106, %mul3A_105 : i32
      %mul3A_108 = arith.constant 5 : i32
      %mul3A_109 = arith.muli %add3A_107, %mul3A_108 : i32
      %dma_wait3A_110 = arith.constant 0 : i32
      %dma_wait3A_111 = arith.constant 0 : i32
      %dma_wait3A_112 = tpu.memref_slice %arg2[%dma_wait3A_110, %dma_wait3A_111] : memref<10240x128xf32, #tpu.memory_space<hbm>> -> memref<40x128xf32, #tpu.memory_space<hbm>>
      %dma_wait3A_113 = arith.constant 0 : i32
      %dma_wait3A_114 = arith.constant 0 : i32
      %dma_wait3A_115 = tpu.memref_slice %arg2[%dma_wait3A_113, %dma_wait3A_114] : memref<10240x128xf32, #tpu.memory_space<hbm>> -> memref<40x128xf32, #tpu.memory_space<hbm>>
      tpu.wait_dma2 semaphore(%arg19 : memref<!tpu.dma_semaphore, #tpu.memory_space<semaphore_mem>>) src(%dma_wait3A_115 : memref<40x128xf32, #tpu.memory_space<hbm>>) dst(%arg9 : memref<40x128xf32, #tpu.memory_space<vmem>>)
      %dma_wait3A_116 = arith.constant 0 : i32
      %dma_wait3A_117 = tpu.memref_slice %arg4[%dma_wait3A_116] : memref<320000xi32, #tpu.memory_space<hbm>> -> memref<40xi32, #tpu.memory_space<hbm>>
      %dma_wait3A_118 = arith.constant 0 : i32
      %dma_wait3A_119 = tpu.memref_slice %arg4[%dma_wait3A_118] : memref<320000xi32, #tpu.memory_space<hbm>> -> memref<40xi32, #tpu.memory_space<hbm>>
      tpu.wait_dma2 semaphore(%arg24 : memref<!tpu.dma_semaphore, #tpu.memory_space<semaphore_mem>>) src(%dma_wait3A_119 : memref<40xi32, #tpu.memory_space<hbm>>) dst(%arg14 : memref<40xi32, #tpu.memory_space<vmem>>)
      "tpu.region"() ({
        %run_scoped3A = tpu.sem_alloc : memref<!tpu.dma_semaphore, #tpu.memory_space<semaphore_mem>>
        %dma_start3A_225 = arith.constant 0 : i32
        %dma_start3A_226 = arith.constant 0 : i32
        %dma_start3A_227 = tpu.memref_slice %arg8[%dma_start3A_225, %dma_start3A_226] : memref<10240x128xf32, #tpu.memory_space<vmem_shared>> -> memref<10240x128xf32, #tpu.memory_space<vmem_shared>>
        tpu.enqueue_indirect_dma source(%arg9 : memref<40x128xf32, #tpu.memory_space<vmem>>) target(%dma_start3A_227 : memref<10240x128xf32, #tpu.memory_space<vmem_shared>>) offsets(%arg14 : memref<40xi32, #tpu.memory_space<vmem>>) semaphore(%run_scoped3A : memref<!tpu.dma_semaphore, #tpu.memory_space<semaphore_mem>>) {add = true}
        %dma_wait3A_228 = arith.constant 0 : i32
        %dma_wait3A_229 = arith.constant 0 : i32
        %dma_wait3A_230 = tpu.memref_slice %arg8[%dma_wait3A_228, %dma_wait3A_229] : memref<10240x128xf32, #tpu.memory_space<vmem_shared>> -> memref<10240x128xf32, #tpu.memory_space<vmem_shared>>
        tpu.wait_indirect_dma semaphore(%run_scoped3A : memref<!tpu.dma_semaphore, #tpu.memory_space<semaphore_mem>>) src(%arg9 : memref<40x128xf32, #tpu.memory_space<vmem>>) dst(%dma_wait3A_230 : memref<10240x128xf32, #tpu.memory_space<vmem_shared>>)
        tpu.yield
      }) : () -> ()
      %add3A_120 = arith.constant 0 : i32
      %add3A_121 = arith.addi %mul3A_109, %add3A_120 : i32
      %add3A_122 = arith.constant 5 : i32
      %add3A_123 = arith.addi %add3A_121, %add3A_122 : i32
      %mul3A_124 = arith.constant 40 : i32
      %mul3A_125 = arith.muli %add3A_123, %mul3A_124 : i32
      %add3A_126 = arith.addi %mul3A_4, %mul3A_125 : i32
      %dma_start3A_127 = tpu.memref_slice %arg4[%add3A_126] : memref<320000xi32, #tpu.memory_space<hbm>> -> memref<40xi32, #tpu.memory_space<hbm>>
      %dma_start3A_128 = tpu.memref_slice %arg4[%add3A_126] : memref<320000xi32, #tpu.memory_space<hbm>> -> memref<40xi32, #tpu.memory_space<hbm>>
      tpu.enqueue_dma source(%dma_start3A_128 : memref<40xi32, #tpu.memory_space<hbm>>) target(%arg14 : memref<40xi32, #tpu.memory_space<vmem>>) target_semaphore(%arg24 : memref<!tpu.dma_semaphore, #tpu.memory_space<semaphore_mem>>)
      %dma_start3A_129 = tpu.memref_slice %arg7[%mul3A_125] : memref<10000xi32, #tpu.memory_space<vmem>> -> memref<40xi32, #tpu.memory_space<vmem>>
      %dma_start3A_130 = arith.constant 0 : i32
      %dma_start3A_131 = arith.constant 0 : i32
      %dma_start3A_132 = tpu.memref_slice %arg2[%dma_start3A_130, %dma_start3A_131] : memref<10240x128xf32, #tpu.memory_space<hbm>> -> memref<10240x128xf32, #tpu.memory_space<hbm>>
      tpu.enqueue_indirect_dma source(%dma_start3A_132 : memref<10240x128xf32, #tpu.memory_space<hbm>>) target(%arg9 : memref<40x128xf32, #tpu.memory_space<vmem>>) offsets(%dma_start3A_129 : memref<40xi32, #tpu.memory_space<vmem>>) semaphore(%arg19 : memref<!tpu.dma_semaphore, #tpu.memory_space<semaphore_mem>>)
      %dma_wait3A_133 = arith.constant 0 : i32
      %dma_wait3A_134 = arith.constant 0 : i32
      %dma_wait3A_135 = tpu.memref_slice %arg2[%dma_wait3A_133, %dma_wait3A_134] : memref<10240x128xf32, #tpu.memory_space<hbm>> -> memref<40x128xf32, #tpu.memory_space<hbm>>
      %dma_wait3A_136 = arith.constant 0 : i32
      %dma_wait3A_137 = arith.constant 0 : i32
      %dma_wait3A_138 = tpu.memref_slice %arg2[%dma_wait3A_136, %dma_wait3A_137] : memref<10240x128xf32, #tpu.memory_space<hbm>> -> memref<40x128xf32, #tpu.memory_space<hbm>>
      tpu.wait_dma2 semaphore(%arg20 : memref<!tpu.dma_semaphore, #tpu.memory_space<semaphore_mem>>) src(%dma_wait3A_138 : memref<40x128xf32, #tpu.memory_space<hbm>>) dst(%arg10 : memref<40x128xf32, #tpu.memory_space<vmem>>)
      %dma_wait3A_139 = arith.constant 0 : i32
      %dma_wait3A_140 = tpu.memref_slice %arg4[%dma_wait3A_139] : memref<320000xi32, #tpu.memory_space<hbm>> -> memref<40xi32, #tpu.memory_space<hbm>>
      %dma_wait3A_141 = arith.constant 0 : i32
      %dma_wait3A_142 = tpu.memref_slice %arg4[%dma_wait3A_141] : memref<320000xi32, #tpu.memory_space<hbm>> -> memref<40xi32, #tpu.memory_space<hbm>>
      tpu.wait_dma2 semaphore(%arg25 : memref<!tpu.dma_semaphore, #tpu.memory_space<semaphore_mem>>) src(%dma_wait3A_142 : memref<40xi32, #tpu.memory_space<hbm>>) dst(%arg15 : memref<40xi32, #tpu.memory_space<vmem>>)
      "tpu.region"() ({
        %run_scoped3A = tpu.sem_alloc : memref<!tpu.dma_semaphore, #tpu.memory_space<semaphore_mem>>
        %dma_start3A_225 = arith.constant 0 : i32
        %dma_start3A_226 = arith.constant 0 : i32
        %dma_start3A_227 = tpu.memref_slice %arg8[%dma_start3A_225, %dma_start3A_226] : memref<10240x128xf32, #tpu.memory_space<vmem_shared>> -> memref<10240x128xf32, #tpu.memory_space<vmem_shared>>
        tpu.enqueue_indirect_dma source(%arg10 : memref<40x128xf32, #tpu.memory_space<vmem>>) target(%dma_start3A_227 : memref<10240x128xf32, #tpu.memory_space<vmem_shared>>) offsets(%arg15 : memref<40xi32, #tpu.memory_space<vmem>>) semaphore(%run_scoped3A : memref<!tpu.dma_semaphore, #tpu.memory_space<semaphore_mem>>) {add = true}
        %dma_wait3A_228 = arith.constant 0 : i32
        %dma_wait3A_229 = arith.constant 0 : i32
        %dma_wait3A_230 = tpu.memref_slice %arg8[%dma_wait3A_228, %dma_wait3A_229] : memref<10240x128xf32, #tpu.memory_space<vmem_shared>> -> memref<10240x128xf32, #tpu.memory_space<vmem_shared>>
        tpu.wait_indirect_dma semaphore(%run_scoped3A : memref<!tpu.dma_semaphore, #tpu.memory_space<semaphore_mem>>) src(%arg10 : memref<40x128xf32, #tpu.memory_space<vmem>>) dst(%dma_wait3A_230 : memref<10240x128xf32, #tpu.memory_space<vmem_shared>>)
        tpu.yield
      }) : () -> ()
      %add3A_143 = arith.constant 1 : i32
      %add3A_144 = arith.addi %mul3A_109, %add3A_143 : i32
      %add3A_145 = arith.constant 5 : i32
      %add3A_146 = arith.addi %add3A_144, %add3A_145 : i32
      %mul3A_147 = arith.constant 40 : i32
      %mul3A_148 = arith.muli %add3A_146, %mul3A_147 : i32
      %add3A_149 = arith.addi %mul3A_4, %mul3A_148 : i32
      %dma_start3A_150 = tpu.memref_slice %arg4[%add3A_149] : memref<320000xi32, #tpu.memory_space<hbm>> -> memref<40xi32, #tpu.memory_space<hbm>>
      %dma_start3A_151 = tpu.memref_slice %arg4[%add3A_149] : memref<320000xi32, #tpu.memory_space<hbm>> -> memref<40xi32, #tpu.memory_space<hbm>>
      tpu.enqueue_dma source(%dma_start3A_151 : memref<40xi32, #tpu.memory_space<hbm>>) target(%arg15 : memref<40xi32, #tpu.memory_space<vmem>>) target_semaphore(%arg25 : memref<!tpu.dma_semaphore, #tpu.memory_space<semaphore_mem>>)
      %dma_start3A_152 = tpu.memref_slice %arg7[%mul3A_148] : memref<10000xi32, #tpu.memory_space<vmem>> -> memref<40xi32, #tpu.memory_space<vmem>>
      %dma_start3A_153 = arith.constant 0 : i32
      %dma_start3A_154 = arith.constant 0 : i32
      %dma_start3A_155 = tpu.memref_slice %arg2[%dma_start3A_153, %dma_start3A_154] : memref<10240x128xf32, #tpu.memory_space<hbm>> -> memref<10240x128xf32, #tpu.memory_space<hbm>>
      tpu.enqueue_indirect_dma source(%dma_start3A_155 : memref<10240x128xf32, #tpu.memory_space<hbm>>) target(%arg10 : memref<40x128xf32, #tpu.memory_space<vmem>>) offsets(%dma_start3A_152 : memref<40xi32, #tpu.memory_space<vmem>>) semaphore(%arg20 : memref<!tpu.dma_semaphore, #tpu.memory_space<semaphore_mem>>)
      %dma_wait3A_156 = arith.constant 0 : i32
      %dma_wait3A_157 = arith.constant 0 : i32
      %dma_wait3A_158 = tpu.memref_slice %arg2[%dma_wait3A_156, %dma_wait3A_157] : memref<10240x128xf32, #tpu.memory_space<hbm>> -> memref<40x128xf32, #tpu.memory_space<hbm>>
      %dma_wait3A_159 = arith.constant 0 : i32
      %dma_wait3A_160 = arith.constant 0 : i32
      %dma_wait3A_161 = tpu.memref_slice %arg2[%dma_wait3A_159, %dma_wait3A_160] : memref<10240x128xf32, #tpu.memory_space<hbm>> -> memref<40x128xf32, #tpu.memory_space<hbm>>
      tpu.wait_dma2 semaphore(%arg21 : memref<!tpu.dma_semaphore, #tpu.memory_space<semaphore_mem>>) src(%dma_wait3A_161 : memref<40x128xf32, #tpu.memory_space<hbm>>) dst(%arg11 : memref<40x128xf32, #tpu.memory_space<vmem>>)
      %dma_wait3A_162 = arith.constant 0 : i32
      %dma_wait3A_163 = tpu.memref_slice %arg4[%dma_wait3A_162] : memref<320000xi32, #tpu.memory_space<hbm>> -> memref<40xi32, #tpu.memory_space<hbm>>
      %dma_wait3A_164 = arith.constant 0 : i32
      %dma_wait3A_165 = tpu.memref_slice %arg4[%dma_wait3A_164] : memref<320000xi32, #tpu.memory_space<hbm>> -> memref<40xi32, #tpu.memory_space<hbm>>
      tpu.wait_dma2 semaphore(%arg26 : memref<!tpu.dma_semaphore, #tpu.memory_space<semaphore_mem>>) src(%dma_wait3A_165 : memref<40xi32, #tpu.memory_space<hbm>>) dst(%arg16 : memref<40xi32, #tpu.memory_space<vmem>>)
      "tpu.region"() ({
        %run_scoped3A = tpu.sem_alloc : memref<!tpu.dma_semaphore, #tpu.memory_space<semaphore_mem>>
        %dma_start3A_225 = arith.constant 0 : i32
        %dma_start3A_226 = arith.constant 0 : i32
        %dma_start3A_227 = tpu.memref_slice %arg8[%dma_start3A_225, %dma_start3A_226] : memref<10240x128xf32, #tpu.memory_space<vmem_shared>> -> memref<10240x128xf32, #tpu.memory_space<vmem_shared>>
        tpu.enqueue_indirect_dma source(%arg11 : memref<40x128xf32, #tpu.memory_space<vmem>>) target(%dma_start3A_227 : memref<10240x128xf32, #tpu.memory_space<vmem_shared>>) offsets(%arg16 : memref<40xi32, #tpu.memory_space<vmem>>) semaphore(%run_scoped3A : memref<!tpu.dma_semaphore, #tpu.memory_space<semaphore_mem>>) {add = true}
        %dma_wait3A_228 = arith.constant 0 : i32
        %dma_wait3A_229 = arith.constant 0 : i32
        %dma_wait3A_230 = tpu.memref_slice %arg8[%dma_wait3A_228, %dma_wait3A_229] : memref<10240x128xf32, #tpu.memory_space<vmem_shared>> -> memref<10240x128xf32, #tpu.memory_space<vmem_shared>>
        tpu.wait_indirect_dma semaphore(%run_scoped3A : memref<!tpu.dma_semaphore, #tpu.memory_space<semaphore_mem>>) src(%arg11 : memref<40x128xf32, #tpu.memory_space<vmem>>) dst(%dma_wait3A_230 : memref<10240x128xf32, #tpu.memory_space<vmem_shared>>)
        tpu.yield
      }) : () -> ()
      %add3A_166 = arith.constant 2 : i32
      %add3A_167 = arith.addi %mul3A_109, %add3A_166 : i32
      %add3A_168 = arith.constant 5 : i32
      %add3A_169 = arith.addi %add3A_167, %add3A_168 : i32
      %mul3A_170 = arith.constant 40 : i32
      %mul3A_171 = arith.muli %add3A_169, %mul3A_170 : i32
      %add3A_172 = arith.addi %mul3A_4, %mul3A_171 : i32
      %dma_start3A_173 = tpu.memref_slice %arg4[%add3A_172] : memref<320000xi32, #tpu.memory_space<hbm>> -> memref<40xi32, #tpu.memory_space<hbm>>
      %dma_start3A_174 = tpu.memref_slice %arg4[%add3A_172] : memref<320000xi32, #tpu.memory_space<hbm>> -> memref<40xi32, #tpu.memory_space<hbm>>
      tpu.enqueue_dma source(%dma_start3A_174 : memref<40xi32, #tpu.memory_space<hbm>>) target(%arg16 : memref<40xi32, #tpu.memory_space<vmem>>) target_semaphore(%arg26 : memref<!tpu.dma_semaphore, #tpu.memory_space<semaphore_mem>>)
      %dma_start3A_175 = tpu.memref_slice %arg7[%mul3A_171] : memref<10000xi32, #tpu.memory_space<vmem>> -> memref<40xi32, #tpu.memory_space<vmem>>
      %dma_start3A_176 = arith.constant 0 : i32
      %dma_start3A_177 = arith.constant 0 : i32
      %dma_start3A_178 = tpu.memref_slice %arg2[%dma_start3A_176, %dma_start3A_177] : memref<10240x128xf32, #tpu.memory_space<hbm>> -> memref<10240x128xf32, #tpu.memory_space<hbm>>
      tpu.enqueue_indirect_dma source(%dma_start3A_178 : memref<10240x128xf32, #tpu.memory_space<hbm>>) target(%arg11 : memref<40x128xf32, #tpu.memory_space<vmem>>) offsets(%dma_start3A_175 : memref<40xi32, #tpu.memory_space<vmem>>) semaphore(%arg21 : memref<!tpu.dma_semaphore, #tpu.memory_space<semaphore_mem>>)
      %dma_wait3A_179 = arith.constant 0 : i32
      %dma_wait3A_180 = arith.constant 0 : i32
      %dma_wait3A_181 = tpu.memref_slice %arg2[%dma_wait3A_179, %dma_wait3A_180] : memref<10240x128xf32, #tpu.memory_space<hbm>> -> memref<40x128xf32, #tpu.memory_space<hbm>>
      %dma_wait3A_182 = arith.constant 0 : i32
      %dma_wait3A_183 = arith.constant 0 : i32
      %dma_wait3A_184 = tpu.memref_slice %arg2[%dma_wait3A_182, %dma_wait3A_183] : memref<10240x128xf32, #tpu.memory_space<hbm>> -> memref<40x128xf32, #tpu.memory_space<hbm>>
      tpu.wait_dma2 semaphore(%arg22 : memref<!tpu.dma_semaphore, #tpu.memory_space<semaphore_mem>>) src(%dma_wait3A_184 : memref<40x128xf32, #tpu.memory_space<hbm>>) dst(%arg12 : memref<40x128xf32, #tpu.memory_space<vmem>>)
      %dma_wait3A_185 = arith.constant 0 : i32
      %dma_wait3A_186 = tpu.memref_slice %arg4[%dma_wait3A_185] : memref<320000xi32, #tpu.memory_space<hbm>> -> memref<40xi32, #tpu.memory_space<hbm>>
      %dma_wait3A_187 = arith.constant 0 : i32
      %dma_wait3A_188 = tpu.memref_slice %arg4[%dma_wait3A_187] : memref<320000xi32, #tpu.memory_space<hbm>> -> memref<40xi32, #tpu.memory_space<hbm>>
      tpu.wait_dma2 semaphore(%arg27 : memref<!tpu.dma_semaphore, #tpu.memory_space<semaphore_mem>>) src(%dma_wait3A_188 : memref<40xi32, #tpu.memory_space<hbm>>) dst(%arg17 : memref<40xi32, #tpu.memory_space<vmem>>)
      "tpu.region"() ({
        %run_scoped3A = tpu.sem_alloc : memref<!tpu.dma_semaphore, #tpu.memory_space<semaphore_mem>>
        %dma_start3A_225 = arith.constant 0 : i32
        %dma_start3A_226 = arith.constant 0 : i32
        %dma_start3A_227 = tpu.memref_slice %arg8[%dma_start3A_225, %dma_start3A_226] : memref<10240x128xf32, #tpu.memory_space<vmem_shared>> -> memref<10240x128xf32, #tpu.memory_space<vmem_shared>>
        tpu.enqueue_indirect_dma source(%arg12 : memref<40x128xf32, #tpu.memory_space<vmem>>) target(%dma_start3A_227 : memref<10240x128xf32, #tpu.memory_space<vmem_shared>>) offsets(%arg17 : memref<40xi32, #tpu.memory_space<vmem>>) semaphore(%run_scoped3A : memref<!tpu.dma_semaphore, #tpu.memory_space<semaphore_mem>>) {add = true}
        %dma_wait3A_228 = arith.constant 0 : i32
        %dma_wait3A_229 = arith.constant 0 : i32
        %dma_wait3A_230 = tpu.memref_slice %arg8[%dma_wait3A_228, %dma_wait3A_229] : memref<10240x128xf32, #tpu.memory_space<vmem_shared>> -> memref<10240x128xf32, #tpu.memory_space<vmem_shared>>
        tpu.wait_indirect_dma semaphore(%run_scoped3A : memref<!tpu.dma_semaphore, #tpu.memory_space<semaphore_mem>>) src(%arg12 : memref<40x128xf32, #tpu.memory_space<vmem>>) dst(%dma_wait3A_230 : memref<10240x128xf32, #tpu.memory_space<vmem_shared>>)
        tpu.yield
      }) : () -> ()
      %add3A_189 = arith.constant 3 : i32
      %add3A_190 = arith.addi %mul3A_109, %add3A_189 : i32
      %add3A_191 = arith.constant 5 : i32
      %add3A_192 = arith.addi %add3A_190, %add3A_191 : i32
      %mul3A_193 = arith.constant 40 : i32
      %mul3A_194 = arith.muli %add3A_192, %mul3A_193 : i32
      %add3A_195 = arith.addi %mul3A_4, %mul3A_194 : i32
      %dma_start3A_196 = tpu.memref_slice %arg4[%add3A_195] : memref<320000xi32, #tpu.memory_space<hbm>> -> memref<40xi32, #tpu.memory_space<hbm>>
      %dma_start3A_197 = tpu.memref_slice %arg4[%add3A_195] : memref<320000xi32, #tpu.memory_space<hbm>> -> memref<40xi32, #tpu.memory_space<hbm>>
      tpu.enqueue_dma source(%dma_start3A_197 : memref<40xi32, #tpu.memory_space<hbm>>) target(%arg17 : memref<40xi32, #tpu.memory_space<vmem>>) target_semaphore(%arg27 : memref<!tpu.dma_semaphore, #tpu.memory_space<semaphore_mem>>)
      %dma_start3A_198 = tpu.memref_slice %arg7[%mul3A_194] : memref<10000xi32, #tpu.memory_space<vmem>> -> memref<40xi32, #tpu.memory_space<vmem>>
      %dma_start3A_199 = arith.constant 0 : i32
      %dma_start3A_200 = arith.constant 0 : i32
      %dma_start3A_201 = tpu.memref_slice %arg2[%dma_start3A_199, %dma_start3A_200] : memref<10240x128xf32, #tpu.memory_space<hbm>> -> memref<10240x128xf32, #tpu.memory_space<hbm>>
      tpu.enqueue_indirect_dma source(%dma_start3A_201 : memref<10240x128xf32, #tpu.memory_space<hbm>>) target(%arg12 : memref<40x128xf32, #tpu.memory_space<vmem>>) offsets(%dma_start3A_198 : memref<40xi32, #tpu.memory_space<vmem>>) semaphore(%arg22 : memref<!tpu.dma_semaphore, #tpu.memory_space<semaphore_mem>>)
      %dma_wait3A_202 = arith.constant 0 : i32
      %dma_wait3A_203 = arith.constant 0 : i32
      %dma_wait3A_204 = tpu.memref_slice %arg2[%dma_wait3A_202, %dma_wait3A_203] : memref<10240x128xf32, #tpu.memory_space<hbm>> -> memref<40x128xf32, #tpu.memory_space<hbm>>
      %dma_wait3A_205 = arith.constant 0 : i32
      %dma_wait3A_206 = arith.constant 0 : i32
      %dma_wait3A_207 = tpu.memref_slice %arg2[%dma_wait3A_205, %dma_wait3A_206] : memref<10240x128xf32, #tpu.memory_space<hbm>> -> memref<40x128xf32, #tpu.memory_space<hbm>>
      tpu.wait_dma2 semaphore(%arg23 : memref<!tpu.dma_semaphore, #tpu.memory_space<semaphore_mem>>) src(%dma_wait3A_207 : memref<40x128xf32, #tpu.memory_space<hbm>>) dst(%arg13 : memref<40x128xf32, #tpu.memory_space<vmem>>)
      %dma_wait3A_208 = arith.constant 0 : i32
      %dma_wait3A_209 = tpu.memref_slice %arg4[%dma_wait3A_208] : memref<320000xi32, #tpu.memory_space<hbm>> -> memref<40xi32, #tpu.memory_space<hbm>>
      %dma_wait3A_210 = arith.constant 0 : i32
      %dma_wait3A_211 = tpu.memref_slice %arg4[%dma_wait3A_210] : memref<320000xi32, #tpu.memory_space<hbm>> -> memref<40xi32, #tpu.memory_space<hbm>>
      tpu.wait_dma2 semaphore(%arg28 : memref<!tpu.dma_semaphore, #tpu.memory_space<semaphore_mem>>) src(%dma_wait3A_211 : memref<40xi32, #tpu.memory_space<hbm>>) dst(%arg18 : memref<40xi32, #tpu.memory_space<vmem>>)
      "tpu.region"() ({
        %run_scoped3A = tpu.sem_alloc : memref<!tpu.dma_semaphore, #tpu.memory_space<semaphore_mem>>
        %dma_start3A_225 = arith.constant 0 : i32
        %dma_start3A_226 = arith.constant 0 : i32
        %dma_start3A_227 = tpu.memref_slice %arg8[%dma_start3A_225, %dma_start3A_226] : memref<10240x128xf32, #tpu.memory_space<vmem_shared>> -> memref<10240x128xf32, #tpu.memory_space<vmem_shared>>
        tpu.enqueue_indirect_dma source(%arg13 : memref<40x128xf32, #tpu.memory_space<vmem>>) target(%dma_start3A_227 : memref<10240x128xf32, #tpu.memory_space<vmem_shared>>) offsets(%arg18 : memref<40xi32, #tpu.memory_space<vmem>>) semaphore(%run_scoped3A : memref<!tpu.dma_semaphore, #tpu.memory_space<semaphore_mem>>) {add = true}
        %dma_wait3A_228 = arith.constant 0 : i32
        %dma_wait3A_229 = arith.constant 0 : i32
        %dma_wait3A_230 = tpu.memref_slice %arg8[%dma_wait3A_228, %dma_wait3A_229] : memref<10240x128xf32, #tpu.memory_space<vmem_shared>> -> memref<10240x128xf32, #tpu.memory_space<vmem_shared>>
        tpu.wait_indirect_dma semaphore(%run_scoped3A : memref<!tpu.dma_semaphore, #tpu.memory_space<semaphore_mem>>) src(%arg13 : memref<40x128xf32, #tpu.memory_space<vmem>>) dst(%dma_wait3A_230 : memref<10240x128xf32, #tpu.memory_space<vmem_shared>>)
        tpu.yield
      }) : () -> ()
      %add3A_212 = arith.constant 4 : i32
      %add3A_213 = arith.addi %mul3A_109, %add3A_212 : i32
      %add3A_214 = arith.constant 5 : i32
      %add3A_215 = arith.addi %add3A_213, %add3A_214 : i32
      %mul3A_216 = arith.constant 40 : i32
      %mul3A_217 = arith.muli %add3A_215, %mul3A_216 : i32
      %add3A_218 = arith.addi %mul3A_4, %mul3A_217 : i32
      %dma_start3A_219 = tpu.memref_slice %arg4[%add3A_218] : memref<320000xi32, #tpu.memory_space<hbm>> -> memref<40xi32, #tpu.memory_space<hbm>>
      %dma_start3A_220 = tpu.memref_slice %arg4[%add3A_218] : memref<320000xi32, #tpu.memory_space<hbm>> -> memref<40xi32, #tpu.memory_space<hbm>>
      tpu.enqueue_dma source(%dma_start3A_220 : memref<40xi32, #tpu.memory_space<hbm>>) target(%arg18 : memref<40xi32, #tpu.memory_space<vmem>>) target_semaphore(%arg28 : memref<!tpu.dma_semaphore, #tpu.memory_space<semaphore_mem>>)
      %dma_start3A_221 = tpu.memref_slice %arg7[%mul3A_217] : memref<10000xi32, #tpu.memory_space<vmem>> -> memref<40xi32, #tpu.memory_space<vmem>>
      %dma_start3A_222 = arith.constant 0 : i32
      %dma_start3A_223 = arith.constant 0 : i32
      %dma_start3A_224 = tpu.memref_slice %arg2[%dma_start3A_222, %dma_start3A_223] : memref<10240x128xf32, #tpu.memory_space<hbm>> -> memref<10240x128xf32, #tpu.memory_space<hbm>>
      tpu.enqueue_indirect_dma source(%dma_start3A_224 : memref<10240x128xf32, #tpu.memory_space<hbm>>) target(%arg13 : memref<40x128xf32, #tpu.memory_space<vmem>>) offsets(%dma_start3A_221 : memref<40xi32, #tpu.memory_space<vmem>>) semaphore(%arg23 : memref<!tpu.dma_semaphore, #tpu.memory_space<semaphore_mem>>)
    }
    %scan3A_52 = arith.constant 49 : i32
    %dma_wait3A = arith.constant 0 : i32
    %dma_wait3A_53 = arith.constant 0 : i32
    %dma_wait3A_54 = tpu.memref_slice %arg2[%dma_wait3A, %dma_wait3A_53] : memref<10240x128xf32, #tpu.memory_space<hbm>> -> memref<40x128xf32, #tpu.memory_space<hbm>>
    %dma_wait3A_55 = arith.constant 0 : i32
    %dma_wait3A_56 = arith.constant 0 : i32
    %dma_wait3A_57 = tpu.memref_slice %arg2[%dma_wait3A_55, %dma_wait3A_56] : memref<10240x128xf32, #tpu.memory_space<hbm>> -> memref<40x128xf32, #tpu.memory_space<hbm>>
    tpu.wait_dma2 semaphore(%arg19 : memref<!tpu.dma_semaphore, #tpu.memory_space<semaphore_mem>>) src(%dma_wait3A_57 : memref<40x128xf32, #tpu.memory_space<hbm>>) dst(%arg9 : memref<40x128xf32, #tpu.memory_space<vmem>>)
    %dma_wait3A_58 = arith.constant 0 : i32
    %dma_wait3A_59 = tpu.memref_slice %arg4[%dma_wait3A_58] : memref<320000xi32, #tpu.memory_space<hbm>> -> memref<40xi32, #tpu.memory_space<hbm>>
    %dma_wait3A_60 = arith.constant 0 : i32
    %dma_wait3A_61 = tpu.memref_slice %arg4[%dma_wait3A_60] : memref<320000xi32, #tpu.memory_space<hbm>> -> memref<40xi32, #tpu.memory_space<hbm>>
    tpu.wait_dma2 semaphore(%arg24 : memref<!tpu.dma_semaphore, #tpu.memory_space<semaphore_mem>>) src(%dma_wait3A_61 : memref<40xi32, #tpu.memory_space<hbm>>) dst(%arg14 : memref<40xi32, #tpu.memory_space<vmem>>)
    "tpu.region"() ({
      %run_scoped3A = tpu.sem_alloc : memref<!tpu.dma_semaphore, #tpu.memory_space<semaphore_mem>>
      %dma_start3A_103 = arith.constant 0 : i32
      %dma_start3A_104 = arith.constant 0 : i32
      %dma_start3A_105 = tpu.memref_slice %arg8[%dma_start3A_103, %dma_start3A_104] : memref<10240x128xf32, #tpu.memory_space<vmem_shared>> -> memref<10240x128xf32, #tpu.memory_space<vmem_shared>>
      tpu.enqueue_indirect_dma source(%arg9 : memref<40x128xf32, #tpu.memory_space<vmem>>) target(%dma_start3A_105 : memref<10240x128xf32, #tpu.memory_space<vmem_shared>>) offsets(%arg14 : memref<40xi32, #tpu.memory_space<vmem>>) semaphore(%run_scoped3A : memref<!tpu.dma_semaphore, #tpu.memory_space<semaphore_mem>>) {add = true}
      %dma_wait3A_106 = arith.constant 0 : i32
      %dma_wait3A_107 = arith.constant 0 : i32
      %dma_wait3A_108 = tpu.memref_slice %arg8[%dma_wait3A_106, %dma_wait3A_107] : memref<10240x128xf32, #tpu.memory_space<vmem_shared>> -> memref<10240x128xf32, #tpu.memory_space<vmem_shared>>
      tpu.wait_indirect_dma semaphore(%run_scoped3A : memref<!tpu.dma_semaphore, #tpu.memory_space<semaphore_mem>>) src(%arg9 : memref<40x128xf32, #tpu.memory_space<vmem>>) dst(%dma_wait3A_108 : memref<10240x128xf32, #tpu.memory_space<vmem_shared>>)
      tpu.yield
    }) : () -> ()
    %dma_wait3A_62 = arith.constant 0 : i32
    %dma_wait3A_63 = arith.constant 0 : i32
    %dma_wait3A_64 = tpu.memref_slice %arg2[%dma_wait3A_62, %dma_wait3A_63] : memref<10240x128xf32, #tpu.memory_space<hbm>> -> memref<40x128xf32, #tpu.memory_space<hbm>>
    %dma_wait3A_65 = arith.constant 0 : i32
    %dma_wait3A_66 = arith.constant 0 : i32
    %dma_wait3A_67 = tpu.memref_slice %arg2[%dma_wait3A_65, %dma_wait3A_66] : memref<10240x128xf32, #tpu.memory_space<hbm>> -> memref<40x128xf32, #tpu.memory_space<hbm>>
    tpu.wait_dma2 semaphore(%arg20 : memref<!tpu.dma_semaphore, #tpu.memory_space<semaphore_mem>>) src(%dma_wait3A_67 : memref<40x128xf32, #tpu.memory_space<hbm>>) dst(%arg10 : memref<40x128xf32, #tpu.memory_space<vmem>>)
    %dma_wait3A_68 = arith.constant 0 : i32
    %dma_wait3A_69 = tpu.memref_slice %arg4[%dma_wait3A_68] : memref<320000xi32, #tpu.memory_space<hbm>> -> memref<40xi32, #tpu.memory_space<hbm>>
    %dma_wait3A_70 = arith.constant 0 : i32
    %dma_wait3A_71 = tpu.memref_slice %arg4[%dma_wait3A_70] : memref<320000xi32, #tpu.memory_space<hbm>> -> memref<40xi32, #tpu.memory_space<hbm>>
    tpu.wait_dma2 semaphore(%arg25 : memref<!tpu.dma_semaphore, #tpu.memory_space<semaphore_mem>>) src(%dma_wait3A_71 : memref<40xi32, #tpu.memory_space<hbm>>) dst(%arg15 : memref<40xi32, #tpu.memory_space<vmem>>)
    "tpu.region"() ({
      %run_scoped3A = tpu.sem_alloc : memref<!tpu.dma_semaphore, #tpu.memory_space<semaphore_mem>>
      %dma_start3A_103 = arith.constant 0 : i32
      %dma_start3A_104 = arith.constant 0 : i32
      %dma_start3A_105 = tpu.memref_slice %arg8[%dma_start3A_103, %dma_start3A_104] : memref<10240x128xf32, #tpu.memory_space<vmem_shared>> -> memref<10240x128xf32, #tpu.memory_space<vmem_shared>>
      tpu.enqueue_indirect_dma source(%arg10 : memref<40x128xf32, #tpu.memory_space<vmem>>) target(%dma_start3A_105 : memref<10240x128xf32, #tpu.memory_space<vmem_shared>>) offsets(%arg15 : memref<40xi32, #tpu.memory_space<vmem>>) semaphore(%run_scoped3A : memref<!tpu.dma_semaphore, #tpu.memory_space<semaphore_mem>>) {add = true}
      %dma_wait3A_106 = arith.constant 0 : i32
      %dma_wait3A_107 = arith.constant 0 : i32
      %dma_wait3A_108 = tpu.memref_slice %arg8[%dma_wait3A_106, %dma_wait3A_107] : memref<10240x128xf32, #tpu.memory_space<vmem_shared>> -> memref<10240x128xf32, #tpu.memory_space<vmem_shared>>
      tpu.wait_indirect_dma semaphore(%run_scoped3A : memref<!tpu.dma_semaphore, #tpu.memory_space<semaphore_mem>>) src(%arg10 : memref<40x128xf32, #tpu.memory_space<vmem>>) dst(%dma_wait3A_108 : memref<10240x128xf32, #tpu.memory_space<vmem_shared>>)
      tpu.yield
    }) : () -> ()
    %dma_wait3A_72 = arith.constant 0 : i32
    %dma_wait3A_73 = arith.constant 0 : i32
    %dma_wait3A_74 = tpu.memref_slice %arg2[%dma_wait3A_72, %dma_wait3A_73] : memref<10240x128xf32, #tpu.memory_space<hbm>> -> memref<40x128xf32, #tpu.memory_space<hbm>>
    %dma_wait3A_75 = arith.constant 0 : i32
    %dma_wait3A_76 = arith.constant 0 : i32
    %dma_wait3A_77 = tpu.memref_slice %arg2[%dma_wait3A_75, %dma_wait3A_76] : memref<10240x128xf32, #tpu.memory_space<hbm>> -> memref<40x128xf32, #tpu.memory_space<hbm>>
    tpu.wait_dma2 semaphore(%arg21 : memref<!tpu.dma_semaphore, #tpu.memory_space<semaphore_mem>>) src(%dma_wait3A_77 : memref<40x128xf32, #tpu.memory_space<hbm>>) dst(%arg11 : memref<40x128xf32, #tpu.memory_space<vmem>>)
    %dma_wait3A_78 = arith.constant 0 : i32
    %dma_wait3A_79 = tpu.memref_slice %arg4[%dma_wait3A_78] : memref<320000xi32, #tpu.memory_space<hbm>> -> memref<40xi32, #tpu.memory_space<hbm>>
    %dma_wait3A_80 = arith.constant 0 : i32
    %dma_wait3A_81 = tpu.memref_slice %arg4[%dma_wait3A_80] : memref<320000xi32, #tpu.memory_space<hbm>> -> memref<40xi32, #tpu.memory_space<hbm>>
    tpu.wait_dma2 semaphore(%arg26 : memref<!tpu.dma_semaphore, #tpu.memory_space<semaphore_mem>>) src(%dma_wait3A_81 : memref<40xi32, #tpu.memory_space<hbm>>) dst(%arg16 : memref<40xi32, #tpu.memory_space<vmem>>)
    "tpu.region"() ({
      %run_scoped3A = tpu.sem_alloc : memref<!tpu.dma_semaphore, #tpu.memory_space<semaphore_mem>>
      %dma_start3A_103 = arith.constant 0 : i32
      %dma_start3A_104 = arith.constant 0 : i32
      %dma_start3A_105 = tpu.memref_slice %arg8[%dma_start3A_103, %dma_start3A_104] : memref<10240x128xf32, #tpu.memory_space<vmem_shared>> -> memref<10240x128xf32, #tpu.memory_space<vmem_shared>>
      tpu.enqueue_indirect_dma source(%arg11 : memref<40x128xf32, #tpu.memory_space<vmem>>) target(%dma_start3A_105 : memref<10240x128xf32, #tpu.memory_space<vmem_shared>>) offsets(%arg16 : memref<40xi32, #tpu.memory_space<vmem>>) semaphore(%run_scoped3A : memref<!tpu.dma_semaphore, #tpu.memory_space<semaphore_mem>>) {add = true}
      %dma_wait3A_106 = arith.constant 0 : i32
      %dma_wait3A_107 = arith.constant 0 : i32
      %dma_wait3A_108 = tpu.memref_slice %arg8[%dma_wait3A_106, %dma_wait3A_107] : memref<10240x128xf32, #tpu.memory_space<vmem_shared>> -> memref<10240x128xf32, #tpu.memory_space<vmem_shared>>
      tpu.wait_indirect_dma semaphore(%run_scoped3A : memref<!tpu.dma_semaphore, #tpu.memory_space<semaphore_mem>>) src(%arg11 : memref<40x128xf32, #tpu.memory_space<vmem>>) dst(%dma_wait3A_108 : memref<10240x128xf32, #tpu.memory_space<vmem_shared>>)
      tpu.yield
    }) : () -> ()
    %dma_wait3A_82 = arith.constant 0 : i32
    %dma_wait3A_83 = arith.constant 0 : i32
    %dma_wait3A_84 = tpu.memref_slice %arg2[%dma_wait3A_82, %dma_wait3A_83] : memref<10240x128xf32, #tpu.memory_space<hbm>> -> memref<40x128xf32, #tpu.memory_space<hbm>>
    %dma_wait3A_85 = arith.constant 0 : i32
    %dma_wait3A_86 = arith.constant 0 : i32
    %dma_wait3A_87 = tpu.memref_slice %arg2[%dma_wait3A_85, %dma_wait3A_86] : memref<10240x128xf32, #tpu.memory_space<hbm>> -> memref<40x128xf32, #tpu.memory_space<hbm>>
    tpu.wait_dma2 semaphore(%arg22 : memref<!tpu.dma_semaphore, #tpu.memory_space<semaphore_mem>>) src(%dma_wait3A_87 : memref<40x128xf32, #tpu.memory_space<hbm>>) dst(%arg12 : memref<40x128xf32, #tpu.memory_space<vmem>>)
    %dma_wait3A_88 = arith.constant 0 : i32
    %dma_wait3A_89 = tpu.memref_slice %arg4[%dma_wait3A_88] : memref<320000xi32, #tpu.memory_space<hbm>> -> memref<40xi32, #tpu.memory_space<hbm>>
    %dma_wait3A_90 = arith.constant 0 : i32
    %dma_wait3A_91 = tpu.memref_slice %arg4[%dma_wait3A_90] : memref<320000xi32, #tpu.memory_space<hbm>> -> memref<40xi32, #tpu.memory_space<hbm>>
    tpu.wait_dma2 semaphore(%arg27 : memref<!tpu.dma_semaphore, #tpu.memory_space<semaphore_mem>>) src(%dma_wait3A_91 : memref<40xi32, #tpu.memory_space<hbm>>) dst(%arg17 : memref<40xi32, #tpu.memory_space<vmem>>)
    "tpu.region"() ({
      %run_scoped3A = tpu.sem_alloc : memref<!tpu.dma_semaphore, #tpu.memory_space<semaphore_mem>>
      %dma_start3A_103 = arith.constant 0 : i32
      %dma_start3A_104 = arith.constant 0 : i32
      %dma_start3A_105 = tpu.memref_slice %arg8[%dma_start3A_103, %dma_start3A_104] : memref<10240x128xf32, #tpu.memory_space<vmem_shared>> -> memref<10240x128xf32, #tpu.memory_space<vmem_shared>>
      tpu.enqueue_indirect_dma source(%arg12 : memref<40x128xf32, #tpu.memory_space<vmem>>) target(%dma_start3A_105 : memref<10240x128xf32, #tpu.memory_space<vmem_shared>>) offsets(%arg17 : memref<40xi32, #tpu.memory_space<vmem>>) semaphore(%run_scoped3A : memref<!tpu.dma_semaphore, #tpu.memory_space<semaphore_mem>>) {add = true}
      %dma_wait3A_106 = arith.constant 0 : i32
      %dma_wait3A_107 = arith.constant 0 : i32
      %dma_wait3A_108 = tpu.memref_slice %arg8[%dma_wait3A_106, %dma_wait3A_107] : memref<10240x128xf32, #tpu.memory_space<vmem_shared>> -> memref<10240x128xf32, #tpu.memory_space<vmem_shared>>
      tpu.wait_indirect_dma semaphore(%run_scoped3A : memref<!tpu.dma_semaphore, #tpu.memory_space<semaphore_mem>>) src(%arg12 : memref<40x128xf32, #tpu.memory_space<vmem>>) dst(%dma_wait3A_108 : memref<10240x128xf32, #tpu.memory_space<vmem_shared>>)
      tpu.yield
    }) : () -> ()
    %dma_wait3A_92 = arith.constant 0 : i32
    %dma_wait3A_93 = arith.constant 0 : i32
    %dma_wait3A_94 = tpu.memref_slice %arg2[%dma_wait3A_92, %dma_wait3A_93] : memref<10240x128xf32, #tpu.memory_space<hbm>> -> memref<40x128xf32, #tpu.memory_space<hbm>>
    %dma_wait3A_95 = arith.constant 0 : i32
    %dma_wait3A_96 = arith.constant 0 : i32
    %dma_wait3A_97 = tpu.memref_slice %arg2[%dma_wait3A_95, %dma_wait3A_96] : memref<10240x128xf32, #tpu.memory_space<hbm>> -> memref<40x128xf32, #tpu.memory_space<hbm>>
    tpu.wait_dma2 semaphore(%arg23 : memref<!tpu.dma_semaphore, #tpu.memory_space<semaphore_mem>>) src(%dma_wait3A_97 : memref<40x128xf32, #tpu.memory_space<hbm>>) dst(%arg13 : memref<40x128xf32, #tpu.memory_space<vmem>>)
    %dma_wait3A_98 = arith.constant 0 : i32
    %dma_wait3A_99 = tpu.memref_slice %arg4[%dma_wait3A_98] : memref<320000xi32, #tpu.memory_space<hbm>> -> memref<40xi32, #tpu.memory_space<hbm>>
    %dma_wait3A_100 = arith.constant 0 : i32
    %dma_wait3A_101 = tpu.memref_slice %arg4[%dma_wait3A_100] : memref<320000xi32, #tpu.memory_space<hbm>> -> memref<40xi32, #tpu.memory_space<hbm>>
    tpu.wait_dma2 semaphore(%arg28 : memref<!tpu.dma_semaphore, #tpu.memory_space<semaphore_mem>>) src(%dma_wait3A_101 : memref<40xi32, #tpu.memory_space<hbm>>) dst(%arg18 : memref<40xi32, #tpu.memory_space<vmem>>)
    "tpu.region"() ({
      %run_scoped3A = tpu.sem_alloc : memref<!tpu.dma_semaphore, #tpu.memory_space<semaphore_mem>>
      %dma_start3A_103 = arith.constant 0 : i32
      %dma_start3A_104 = arith.constant 0 : i32
      %dma_start3A_105 = tpu.memref_slice %arg8[%dma_start3A_103, %dma_start3A_104] : memref<10240x128xf32, #tpu.memory_space<vmem_shared>> -> memref<10240x128xf32, #tpu.memory_space<vmem_shared>>
      tpu.enqueue_indirect_dma source(%arg13 : memref<40x128xf32, #tpu.memory_space<vmem>>) target(%dma_start3A_105 : memref<10240x128xf32, #tpu.memory_space<vmem_shared>>) offsets(%arg18 : memref<40xi32, #tpu.memory_space<vmem>>) semaphore(%run_scoped3A : memref<!tpu.dma_semaphore, #tpu.memory_space<semaphore_mem>>) {add = true}
      %dma_wait3A_106 = arith.constant 0 : i32
      %dma_wait3A_107 = arith.constant 0 : i32
      %dma_wait3A_108 = tpu.memref_slice %arg8[%dma_wait3A_106, %dma_wait3A_107] : memref<10240x128xf32, #tpu.memory_space<vmem_shared>> -> memref<10240x128xf32, #tpu.memory_space<vmem_shared>>
      tpu.wait_indirect_dma semaphore(%run_scoped3A : memref<!tpu.dma_semaphore, #tpu.memory_space<semaphore_mem>>) src(%arg13 : memref<40x128xf32, #tpu.memory_space<vmem>>) dst(%dma_wait3A_108 : memref<10240x128xf32, #tpu.memory_space<vmem_shared>>)
      tpu.yield
    }) : () -> ()
    %barrier3A_102 = arith.constant 0 : index
    tpu.barrier barrier_id(%barrier3A_102)
    "tpu.region"() ({
      %run_scoped3A = tpu.sem_alloc : memref<!tpu.dma_semaphore, #tpu.memory_space<semaphore_mem>>
      %dma_start3A_103 = arith.constant 0 : i32
      %dma_start3A_104 = tpu.memref_slice %arg6[%arg0, %mul3A_2, %dma_start3A_103] : memref<2x10240x128xf32, #tpu.memory_space<hbm>> -> memref<1x640x128xf32, #tpu.memory_space<hbm>>
      %dma_start3A_105 = tpu.memref_squeeze %dma_start3A_104 : memref<1x640x128xf32, #tpu.memory_space<hbm>> -> memref<640x128xf32, #tpu.memory_space<hbm>>
      %dma_start3A_106 = arith.constant 0 : i32
      %dma_start3A_107 = tpu.memref_slice %arg8[%mul3A_2, %dma_start3A_106] : memref<10240x128xf32, #tpu.memory_space<vmem_shared>> -> memref<640x128xf32, #tpu.memory_space<vmem_shared>>
      tpu.enqueue_dma source(%dma_start3A_107 : memref<640x128xf32, #tpu.memory_space<vmem_shared>>) target(%dma_start3A_105 : memref<640x128xf32, #tpu.memory_space<hbm>>) target_semaphore(%run_scoped3A : memref<!tpu.dma_semaphore, #tpu.memory_space<semaphore_mem>>)
      %dma_wait3A_108 = arith.constant 0 : i32
      %dma_wait3A_109 = tpu.memref_slice %arg6[%arg0, %mul3A_2, %dma_wait3A_108] : memref<2x10240x128xf32, #tpu.memory_space<hbm>> -> memref<1x640x128xf32, #tpu.memory_space<hbm>>
      %dma_wait3A_110 = tpu.memref_squeeze %dma_wait3A_109 : memref<1x640x128xf32, #tpu.memory_space<hbm>> -> memref<640x128xf32, #tpu.memory_space<hbm>>
      %dma_wait3A_111 = arith.constant 0 : i32
      %dma_wait3A_112 = tpu.memref_slice %arg8[%mul3A_2, %dma_wait3A_111] : memref<10240x128xf32, #tpu.memory_space<vmem_shared>> -> memref<640x128xf32, #tpu.memory_space<vmem_shared>>
      tpu.wait_dma2 semaphore(%run_scoped3A : memref<!tpu.dma_semaphore, #tpu.memory_space<semaphore_mem>>) src(%dma_wait3A_112 : memref<640x128xf32, #tpu.memory_space<vmem_shared>>) dst(%dma_wait3A_110 : memref<640x128xf32, #tpu.memory_space<hbm>>)
      tpu.yield
    }) : () -> ()
    return
  }
}

#map = affine_map<(d0, d1) -> (0)>
#map1 = affine_map<(d0, d1) -> (0, 0)>
#map2 = affine_map<(d0, d1) -> (0, 0, 0, 0)>
module attributes {stable_mosaic.version = 14 : i64} {
  func.func @_deg_kernel(%arg0: i32, %arg1: i32, %arg2: memref<320000xi32, #tpu.memory_space<hbm>>, %arg3: memref<320000xi32, #tpu.memory_space<hbm>>, %arg4: memref<128x128xf32, #tpu.memory_space<hbm>>, %arg5: memref<128xi32, #tpu.memory_space<hbm>>, %arg6: memref<2x2x128x128xf32, #tpu.memory_space<hbm>>, %arg7: memref<10000xi32, #tpu.memory_space<vmem>>, %arg8: memref<10000xi32, #tpu.memory_space<vmem>>, %arg9: memref<128x128xf32, #tpu.memory_space<vmem>>, %arg10: memref<128x128xf32, #tpu.memory_space<vmem>>, %arg11: memref<128xi32, #tpu.memory_space<vmem>>, %arg12: memref<128x128xf32, #tpu.memory_space<vmem_shared>>, %arg13: memref<128x128xf32, #tpu.memory_space<vmem_shared>>) attributes {dimension_semantics = [#tpu.dimension_semantics<core_parallel>, #tpu.dimension_semantics<subcore_parallel>], iteration_bounds = array<i64: 2, 16>, scalar_prefetch = 0 : i64, scratch_operands = 7 : i64, tpu.core_type = #tpu.core_type<sc_vector_subcore>, window_params = [{transform_indices = #map}, {transform_indices = #map}, {transform_indices = #map1}, {transform_indices = #map}, {transform_indices = #map2}]} {
    %mul3A = arith.constant 2 : i32
    %mul3A_0 = arith.muli %arg1, %mul3A : i32
    %add3A = arith.addi %mul3A_0, %arg0 : i32
    %mul3A_1 = arith.constant 8 : i32
    %mul3A_2 = arith.muli %arg1, %mul3A_1 : i32
    "tpu.region"() ({
      %run_scoped3A_14 = tpu.sem_alloc : memref<!tpu.dma_semaphore, #tpu.memory_space<semaphore_mem>>
      tpu.enqueue_dma source(%arg4 : memref<128x128xf32, #tpu.memory_space<hbm>>) target(%arg9 : memref<128x128xf32, #tpu.memory_space<vmem>>) target_semaphore(%run_scoped3A_14 : memref<!tpu.dma_semaphore, #tpu.memory_space<semaphore_mem>>)
      tpu.wait_dma2 semaphore(%run_scoped3A_14 : memref<!tpu.dma_semaphore, #tpu.memory_space<semaphore_mem>>) src(%arg4 : memref<128x128xf32, #tpu.memory_space<hbm>>) dst(%arg9 : memref<128x128xf32, #tpu.memory_space<vmem>>)
      tpu.yield
    }) : () -> ()
    "tpu.region"() ({
      %run_scoped3A_14 = tpu.sem_alloc : memref<!tpu.dma_semaphore, #tpu.memory_space<semaphore_mem>>
      tpu.enqueue_dma source(%arg4 : memref<128x128xf32, #tpu.memory_space<hbm>>) target(%arg10 : memref<128x128xf32, #tpu.memory_space<vmem>>) target_semaphore(%run_scoped3A_14 : memref<!tpu.dma_semaphore, #tpu.memory_space<semaphore_mem>>)
      tpu.wait_dma2 semaphore(%run_scoped3A_14 : memref<!tpu.dma_semaphore, #tpu.memory_space<semaphore_mem>>) src(%arg4 : memref<128x128xf32, #tpu.memory_space<hbm>>) dst(%arg10 : memref<128x128xf32, #tpu.memory_space<vmem>>)
      tpu.yield
    }) : () -> ()
    "tpu.region"() ({
      %run_scoped3A_14 = tpu.sem_alloc : memref<!tpu.dma_semaphore, #tpu.memory_space<semaphore_mem>>
      tpu.enqueue_dma source(%arg5 : memref<128xi32, #tpu.memory_space<hbm>>) target(%arg11 : memref<128xi32, #tpu.memory_space<vmem>>) target_semaphore(%run_scoped3A_14 : memref<!tpu.dma_semaphore, #tpu.memory_space<semaphore_mem>>)
      tpu.wait_dma2 semaphore(%run_scoped3A_14 : memref<!tpu.dma_semaphore, #tpu.memory_space<semaphore_mem>>) src(%arg5 : memref<128xi32, #tpu.memory_space<hbm>>) dst(%arg11 : memref<128xi32, #tpu.memory_space<vmem>>)
      tpu.yield
    }) : () -> ()
    %mul3A_3 = arith.constant 10000 : i32
    %mul3A_4 = arith.muli %add3A, %mul3A_3 : i32
    "tpu.region"() ({
      %run_scoped3A_14 = tpu.sem_alloc : memref<!tpu.dma_semaphore, #tpu.memory_space<semaphore_mem>>
      %dma_start3A = tpu.memref_slice %arg2[%mul3A_4] : memref<320000xi32, #tpu.memory_space<hbm>> -> memref<10000xi32, #tpu.memory_space<hbm>>
      %dma_start3A_15 = tpu.memref_slice %arg2[%mul3A_4] : memref<320000xi32, #tpu.memory_space<hbm>> -> memref<10000xi32, #tpu.memory_space<hbm>>
      tpu.enqueue_dma source(%dma_start3A_15 : memref<10000xi32, #tpu.memory_space<hbm>>) target(%arg7 : memref<10000xi32, #tpu.memory_space<vmem>>) target_semaphore(%run_scoped3A_14 : memref<!tpu.dma_semaphore, #tpu.memory_space<semaphore_mem>>)
      %dma_wait3A = tpu.memref_slice %arg2[%mul3A_4] : memref<320000xi32, #tpu.memory_space<hbm>> -> memref<10000xi32, #tpu.memory_space<hbm>>
      %dma_wait3A_16 = tpu.memref_slice %arg2[%mul3A_4] : memref<320000xi32, #tpu.memory_space<hbm>> -> memref<10000xi32, #tpu.memory_space<hbm>>
      tpu.wait_dma2 semaphore(%run_scoped3A_14 : memref<!tpu.dma_semaphore, #tpu.memory_space<semaphore_mem>>) src(%dma_wait3A_16 : memref<10000xi32, #tpu.memory_space<hbm>>) dst(%arg7 : memref<10000xi32, #tpu.memory_space<vmem>>)
      tpu.yield
    }) : () -> ()
    %mul3A_5 = arith.constant 10000 : i32
    %mul3A_6 = arith.muli %add3A, %mul3A_5 : i32
    "tpu.region"() ({
      %run_scoped3A_14 = tpu.sem_alloc : memref<!tpu.dma_semaphore, #tpu.memory_space<semaphore_mem>>
      %dma_start3A = tpu.memref_slice %arg3[%mul3A_6] : memref<320000xi32, #tpu.memory_space<hbm>> -> memref<10000xi32, #tpu.memory_space<hbm>>
      %dma_start3A_15 = tpu.memref_slice %arg3[%mul3A_6] : memref<320000xi32, #tpu.memory_space<hbm>> -> memref<10000xi32, #tpu.memory_space<hbm>>
      tpu.enqueue_dma source(%dma_start3A_15 : memref<10000xi32, #tpu.memory_space<hbm>>) target(%arg8 : memref<10000xi32, #tpu.memory_space<vmem>>) target_semaphore(%run_scoped3A_14 : memref<!tpu.dma_semaphore, #tpu.memory_space<semaphore_mem>>)
      %dma_wait3A = tpu.memref_slice %arg3[%mul3A_6] : memref<320000xi32, #tpu.memory_space<hbm>> -> memref<10000xi32, #tpu.memory_space<hbm>>
      %dma_wait3A_16 = tpu.memref_slice %arg3[%mul3A_6] : memref<320000xi32, #tpu.memory_space<hbm>> -> memref<10000xi32, #tpu.memory_space<hbm>>
      tpu.wait_dma2 semaphore(%run_scoped3A_14 : memref<!tpu.dma_semaphore, #tpu.memory_space<semaphore_mem>>) src(%dma_wait3A_16 : memref<10000xi32, #tpu.memory_space<hbm>>) dst(%arg8 : memref<10000xi32, #tpu.memory_space<vmem>>)
      tpu.yield
    }) : () -> ()
    "tpu.region"() ({
      %run_scoped3A_14 = tpu.sem_alloc : memref<!tpu.dma_semaphore, #tpu.memory_space<semaphore_mem>>
      %dma_start3A = arith.constant 0 : i32
      %dma_start3A_15 = tpu.memref_slice %arg12[%mul3A_2, %dma_start3A] : memref<128x128xf32, #tpu.memory_space<vmem_shared>> -> memref<8x128xf32, #tpu.memory_space<vmem_shared>>
      %dma_start3A_16 = arith.constant 0 : i32
      %dma_start3A_17 = tpu.memref_slice %arg4[%mul3A_2, %dma_start3A_16] : memref<128x128xf32, #tpu.memory_space<hbm>> -> memref<8x128xf32, #tpu.memory_space<hbm>>
      tpu.enqueue_dma source(%dma_start3A_17 : memref<8x128xf32, #tpu.memory_space<hbm>>) target(%dma_start3A_15 : memref<8x128xf32, #tpu.memory_space<vmem_shared>>) target_semaphore(%run_scoped3A_14 : memref<!tpu.dma_semaphore, #tpu.memory_space<semaphore_mem>>)
      %dma_wait3A = arith.constant 0 : i32
      %dma_wait3A_18 = tpu.memref_slice %arg12[%mul3A_2, %dma_wait3A] : memref<128x128xf32, #tpu.memory_space<vmem_shared>> -> memref<8x128xf32, #tpu.memory_space<vmem_shared>>
      %dma_wait3A_19 = arith.constant 0 : i32
      %dma_wait3A_20 = tpu.memref_slice %arg4[%mul3A_2, %dma_wait3A_19] : memref<128x128xf32, #tpu.memory_space<hbm>> -> memref<8x128xf32, #tpu.memory_space<hbm>>
      tpu.wait_dma2 semaphore(%run_scoped3A_14 : memref<!tpu.dma_semaphore, #tpu.memory_space<semaphore_mem>>) src(%dma_wait3A_20 : memref<8x128xf32, #tpu.memory_space<hbm>>) dst(%dma_wait3A_18 : memref<8x128xf32, #tpu.memory_space<vmem_shared>>)
      tpu.yield
    }) : () -> ()
    "tpu.region"() ({
      %run_scoped3A_14 = tpu.sem_alloc : memref<!tpu.dma_semaphore, #tpu.memory_space<semaphore_mem>>
      %dma_start3A = arith.constant 0 : i32
      %dma_start3A_15 = tpu.memref_slice %arg13[%mul3A_2, %dma_start3A] : memref<128x128xf32, #tpu.memory_space<vmem_shared>> -> memref<8x128xf32, #tpu.memory_space<vmem_shared>>
      %dma_start3A_16 = arith.constant 0 : i32
      %dma_start3A_17 = tpu.memref_slice %arg4[%mul3A_2, %dma_start3A_16] : memref<128x128xf32, #tpu.memory_space<hbm>> -> memref<8x128xf32, #tpu.memory_space<hbm>>
      tpu.enqueue_dma source(%dma_start3A_17 : memref<8x128xf32, #tpu.memory_space<hbm>>) target(%dma_start3A_15 : memref<8x128xf32, #tpu.memory_space<vmem_shared>>) target_semaphore(%run_scoped3A_14 : memref<!tpu.dma_semaphore, #tpu.memory_space<semaphore_mem>>)
      %dma_wait3A = arith.constant 0 : i32
      %dma_wait3A_18 = tpu.memref_slice %arg13[%mul3A_2, %dma_wait3A] : memref<128x128xf32, #tpu.memory_space<vmem_shared>> -> memref<8x128xf32, #tpu.memory_space<vmem_shared>>
      %dma_wait3A_19 = arith.constant 0 : i32
      %dma_wait3A_20 = tpu.memref_slice %arg4[%mul3A_2, %dma_wait3A_19] : memref<128x128xf32, #tpu.memory_space<hbm>> -> memref<8x128xf32, #tpu.memory_space<hbm>>
      tpu.wait_dma2 semaphore(%run_scoped3A_14 : memref<!tpu.dma_semaphore, #tpu.memory_space<semaphore_mem>>) src(%dma_wait3A_20 : memref<8x128xf32, #tpu.memory_space<hbm>>) dst(%dma_wait3A_18 : memref<8x128xf32, #tpu.memory_space<vmem_shared>>)
      tpu.yield
    }) : () -> ()
    %broadcast_in_dim3A = arith.constant 1.000000e+00 : f32
    %broadcast_in_dim3A_7 = vector.broadcast %broadcast_in_dim3A : f32 to vector<16xf32>
    %scan3A = arith.constant 0 : i32
    %scan3A_8 = arith.constant 625 : i32
    %scan3A_9 = arith.addi %scan3A, %scan3A_8 : i32
    %scan3A_10 = arith.constant 1 : i32
    scf.for %scan3A_14 = %scan3A to %scan3A_9 step %scan3A_10  : i32 {
      %mul3A_15 = arith.constant 1 : i32
      %mul3A_16 = arith.muli %scan3A_14, %mul3A_15 : i32
      %add3A_17 = arith.constant 0 : i32
      %add3A_18 = arith.addi %add3A_17, %mul3A_16 : i32
      %mul3A_19 = arith.constant 16 : i32
      %mul3A_20 = arith.muli %add3A_18, %mul3A_19 : i32
      %get3A = arith.index_cast %mul3A_20 : i32 to index
      %get3A_21 = tpu.vector_load %arg7[%get3A] {strides = array<i32>} : memref<10000xi32, #tpu.memory_space<vmem>>, vector<16xi32>,
      %shift_right_arithmetic3A = arith.constant 7 : i32
      %shift_right_arithmetic3A_22 = vector.broadcast %shift_right_arithmetic3A : i32 to vector<16xi32>
      %shift_right_arithmetic3A_23 = arith.shrsi %get3A_21, %shift_right_arithmetic3A_22 : vector<16xi32>
      %and3A = arith.constant 127 : i32
      %and3A_24 = vector.broadcast %and3A : i32 to vector<16xi32>
      %and3A_25 = arith.andi %get3A_21, %and3A_24 : vector<16xi32>
      tpu.vector_store_idx %arg9[%shift_right_arithmetic3A_23, %and3A_25], %broadcast_in_dim3A_7 {add = true} : memref<128x128xf32, #tpu.memory_space<vmem>>[vector<16xi32>, vector<16xi32>], vector<16xf32>,
      %mul3A_26 = arith.constant 16 : i32
      %mul3A_27 = arith.muli %add3A_18, %mul3A_26 : i32
      %get3A_28 = arith.index_cast %mul3A_27 : i32 to index
      %get3A_29 = tpu.vector_load %arg8[%get3A_28] {strides = array<i32>} : memref<10000xi32, #tpu.memory_space<vmem>>, vector<16xi32>,
      %shift_right_arithmetic3A_30 = arith.constant 7 : i32
      %shift_right_arithmetic3A_31 = vector.broadcast %shift_right_arithmetic3A_30 : i32 to vector<16xi32>
      %shift_right_arithmetic3A_32 = arith.shrsi %get3A_29, %shift_right_arithmetic3A_31 : vector<16xi32>
      %and3A_33 = arith.constant 127 : i32
      %and3A_34 = vector.broadcast %and3A_33 : i32 to vector<16xi32>
      %and3A_35 = arith.andi %get3A_29, %and3A_34 : vector<16xi32>
      tpu.vector_store_idx %arg10[%shift_right_arithmetic3A_32, %and3A_35], %broadcast_in_dim3A_7 {add = true} : memref<128x128xf32, #tpu.memory_space<vmem>>[vector<16xi32>, vector<16xi32>], vector<16xf32>,
    }
    %scan3A_11 = arith.constant 625 : i32
    %barrier3A = arith.constant 0 : index
    tpu.barrier barrier_id(%barrier3A)
    "tpu.region"() ({
      %run_scoped3A_14 = tpu.sem_alloc : memref<!tpu.dma_semaphore, #tpu.memory_space<semaphore_mem>>
      %dma_start3A = arith.constant 0 : i32
      %dma_start3A_15 = arith.constant 0 : i32
      %dma_start3A_16 = tpu.memref_slice %arg12[%dma_start3A, %dma_start3A_15] : memref<128x128xf32, #tpu.memory_space<vmem_shared>> -> memref<128x128xf32, #tpu.memory_space<vmem_shared>>
      tpu.enqueue_indirect_dma source(%arg9 : memref<128x128xf32, #tpu.memory_space<vmem>>) target(%dma_start3A_16 : memref<128x128xf32, #tpu.memory_space<vmem_shared>>) offsets(%arg11 : memref<128xi32, #tpu.memory_space<vmem>>) semaphore(%run_scoped3A_14 : memref<!tpu.dma_semaphore, #tpu.memory_space<semaphore_mem>>) {add = true}
      %dma_wait3A = arith.constant 0 : i32
      %dma_wait3A_17 = arith.constant 0 : i32
      %dma_wait3A_18 = tpu.memref_slice %arg12[%dma_wait3A, %dma_wait3A_17] : memref<128x128xf32, #tpu.memory_space<vmem_shared>> -> memref<128x128xf32, #tpu.memory_space<vmem_shared>>
      tpu.wait_indirect_dma semaphore(%run_scoped3A_14 : memref<!tpu.dma_semaphore, #tpu.memory_space<semaphore_mem>>) src(%arg9 : memref<128x128xf32, #tpu.memory_space<vmem>>) dst(%dma_wait3A_18 : memref<128x128xf32, #tpu.memory_space<vmem_shared>>)
      tpu.yield
    }) : () -> ()
    "tpu.region"() ({
      %run_scoped3A_14 = tpu.sem_alloc : memref<!tpu.dma_semaphore, #tpu.memory_space<semaphore_mem>>
      %dma_start3A = arith.constant 0 : i32
      %dma_start3A_15 = arith.constant 0 : i32
      %dma_start3A_16 = tpu.memref_slice %arg13[%dma_start3A, %dma_start3A_15] : memref<128x128xf32, #tpu.memory_space<vmem_shared>> -> memref<128x128xf32, #tpu.memory_space<vmem_shared>>
      tpu.enqueue_indirect_dma source(%arg10 : memref<128x128xf32, #tpu.memory_space<vmem>>) target(%dma_start3A_16 : memref<128x128xf32, #tpu.memory_space<vmem_shared>>) offsets(%arg11 : memref<128xi32, #tpu.memory_space<vmem>>) semaphore(%run_scoped3A_14 : memref<!tpu.dma_semaphore, #tpu.memory_space<semaphore_mem>>) {add = true}
      %dma_wait3A = arith.constant 0 : i32
      %dma_wait3A_17 = arith.constant 0 : i32
      %dma_wait3A_18 = tpu.memref_slice %arg13[%dma_wait3A, %dma_wait3A_17] : memref<128x128xf32, #tpu.memory_space<vmem_shared>> -> memref<128x128xf32, #tpu.memory_space<vmem_shared>>
      tpu.wait_indirect_dma semaphore(%run_scoped3A_14 : memref<!tpu.dma_semaphore, #tpu.memory_space<semaphore_mem>>) src(%arg10 : memref<128x128xf32, #tpu.memory_space<vmem>>) dst(%dma_wait3A_18 : memref<128x128xf32, #tpu.memory_space<vmem_shared>>)
      tpu.yield
    }) : () -> ()
    %barrier3A_12 = arith.constant 0 : index
    tpu.barrier barrier_id(%barrier3A_12)
    %run_scoped3A = arith.constant 0 : i32
    "tpu.region"() ({
      %run_scoped3A_14 = tpu.sem_alloc : memref<!tpu.dma_semaphore, #tpu.memory_space<semaphore_mem>>
      %dma_start3A = arith.constant 0 : i32
      %dma_start3A_15 = tpu.memref_slice %arg6[%arg0, %run_scoped3A, %mul3A_2, %dma_start3A] : memref<2x2x128x128xf32, #tpu.memory_space<hbm>> -> memref<1x1x8x128xf32, #tpu.memory_space<hbm>>
      %dma_start3A_16 = tpu.memref_squeeze %dma_start3A_15 : memref<1x1x8x128xf32, #tpu.memory_space<hbm>> -> memref<8x128xf32, #tpu.memory_space<hbm>>
      %dma_start3A_17 = arith.constant 0 : i32
      %dma_start3A_18 = tpu.memref_slice %arg12[%mul3A_2, %dma_start3A_17] : memref<128x128xf32, #tpu.memory_space<vmem_shared>> -> memref<8x128xf32, #tpu.memory_space<vmem_shared>>
      tpu.enqueue_dma source(%dma_start3A_18 : memref<8x128xf32, #tpu.memory_space<vmem_shared>>) target(%dma_start3A_16 : memref<8x128xf32, #tpu.memory_space<hbm>>) target_semaphore(%run_scoped3A_14 : memref<!tpu.dma_semaphore, #tpu.memory_space<semaphore_mem>>)
      %dma_wait3A = arith.constant 0 : i32
      %dma_wait3A_19 = tpu.memref_slice %arg6[%arg0, %run_scoped3A, %mul3A_2, %dma_wait3A] : memref<2x2x128x128xf32, #tpu.memory_space<hbm>> -> memref<1x1x8x128xf32, #tpu.memory_space<hbm>>
      %dma_wait3A_20 = tpu.memref_squeeze %dma_wait3A_19 : memref<1x1x8x128xf32, #tpu.memory_space<hbm>> -> memref<8x128xf32, #tpu.memory_space<hbm>>
      %dma_wait3A_21 = arith.constant 0 : i32
      %dma_wait3A_22 = tpu.memref_slice %arg12[%mul3A_2, %dma_wait3A_21] : memref<128x128xf32, #tpu.memory_space<vmem_shared>> -> memref<8x128xf32, #tpu.memory_space<vmem_shared>>
      tpu.wait_dma2 semaphore(%run_scoped3A_14 : memref<!tpu.dma_semaphore, #tpu.memory_space<semaphore_mem>>) src(%dma_wait3A_22 : memref<8x128xf32, #tpu.memory_space<vmem_shared>>) dst(%dma_wait3A_20 : memref<8x128xf32, #tpu.memory_space<hbm>>)
      tpu.yield
    }) : () -> ()
    %run_scoped3A_13 = arith.constant 1 : i32
    "tpu.region"() ({
      %run_scoped3A_14 = tpu.sem_alloc : memref<!tpu.dma_semaphore, #tpu.memory_space<semaphore_mem>>
      %dma_start3A = arith.constant 0 : i32
      %dma_start3A_15 = tpu.memref_slice %arg6[%arg0, %run_scoped3A_13, %mul3A_2, %dma_start3A] : memref<2x2x128x128xf32, #tpu.memory_space<hbm>> -> memref<1x1x8x128xf32, #tpu.memory_space<hbm>>
      %dma_start3A_16 = tpu.memref_squeeze %dma_start3A_15 : memref<1x1x8x128xf32, #tpu.memory_space<hbm>> -> memref<8x128xf32, #tpu.memory_space<hbm>>
      %dma_start3A_17 = arith.constant 0 : i32
      %dma_start3A_18 = tpu.memref_slice %arg13[%mul3A_2, %dma_start3A_17] : memref<128x128xf32, #tpu.memory_space<vmem_shared>> -> memref<8x128xf32, #tpu.memory_space<vmem_shared>>
      tpu.enqueue_dma source(%dma_start3A_18 : memref<8x128xf32, #tpu.memory_space<vmem_shared>>) target(%dma_start3A_16 : memref<8x128xf32, #tpu.memory_space<hbm>>) target_semaphore(%run_scoped3A_14 : memref<!tpu.dma_semaphore, #tpu.memory_space<semaphore_mem>>)
      %dma_wait3A = arith.constant 0 : i32
      %dma_wait3A_19 = tpu.memref_slice %arg6[%arg0, %run_scoped3A_13, %mul3A_2, %dma_wait3A] : memref<2x2x128x128xf32, #tpu.memory_space<hbm>> -> memref<1x1x8x128xf32, #tpu.memory_space<hbm>>
      %dma_wait3A_20 = tpu.memref_squeeze %dma_wait3A_19 : memref<1x1x8x128xf32, #tpu.memory_space<hbm>> -> memref<8x128xf32, #tpu.memory_space<hbm>>
      %dma_wait3A_21 = arith.constant 0 : i32
      %dma_wait3A_22 = tpu.memref_slice %arg13[%mul3A_2, %dma_wait3A_21] : memref<128x128xf32, #tpu.memory_space<vmem_shared>> -> memref<8x128xf32, #tpu.memory_space<vmem_shared>>
      tpu.wait_dma2 semaphore(%run_scoped3A_14 : memref<!tpu.dma_semaphore, #tpu.memory_space<semaphore_mem>>) src(%dma_wait3A_22 : memref<8x128xf32, #tpu.memory_space<vmem_shared>>) dst(%dma_wait3A_20 : memref<8x128xf32, #tpu.memory_space<hbm>>)
      tpu.yield
    }) : () -> ()
    return
  }
}

#map = affine_map<(d0, d1) -> (0, 0)>
#map1 = affine_map<(d0, d1) -> (0)>
#map2 = affine_map<(d0, d1) -> (0, 0, 0)>
module attributes {stable_mosaic.version = 14 : i64} {
  func.func @_agg_kernel(%arg0: i32, %arg1: i32, %arg2: memref<10240x128xf32, #tpu.memory_space<hbm>>, %arg3: memref<320000xi32, #tpu.memory_space<hbm>>, %arg4: memref<320000xi32, #tpu.memory_space<hbm>>, %arg5: memref<10240x128xf32, #tpu.memory_space<hbm>>, %arg6: memref<2x10240x128xf32, #tpu.memory_space<hbm>>, %arg7: memref<10000xi32, #tpu.memory_space<vmem>>, %arg8: memref<10240x128xf32, #tpu.memory_space<vmem_shared>>, %arg9: memref<40x128xf32, #tpu.memory_space<vmem>>, %arg10: memref<40x128xf32, #tpu.memory_space<vmem>>, %arg11: memref<40x128xf32, #tpu.memory_space<vmem>>, %arg12: memref<40x128xf32, #tpu.memory_space<vmem>>, %arg13: memref<40x128xf32, #tpu.memory_space<vmem>>, %arg14: memref<40xi32, #tpu.memory_space<vmem>>, %arg15: memref<40xi32, #tpu.memory_space<vmem>>, %arg16: memref<40xi32, #tpu.memory_space<vmem>>, %arg17: memref<40xi32, #tpu.memory_space<vmem>>, %arg18: memref<40xi32, #tpu.memory_space<vmem>>, %arg19: memref<!tpu.dma_semaphore, #tpu.memory_space<semaphore_mem>>, %arg20: memref<!tpu.dma_semaphore, #tpu.memory_space<semaphore_mem>>, %arg21: memref<!tpu.dma_semaphore, #tpu.memory_space<semaphore_mem>>, %arg22: memref<!tpu.dma_semaphore, #tpu.memory_space<semaphore_mem>>, %arg23: memref<!tpu.dma_semaphore, #tpu.memory_space<semaphore_mem>>, %arg24: memref<!tpu.dma_semaphore, #tpu.memory_space<semaphore_mem>>, %arg25: memref<!tpu.dma_semaphore, #tpu.memory_space<semaphore_mem>>, %arg26: memref<!tpu.dma_semaphore, #tpu.memory_space<semaphore_mem>>, %arg27: memref<!tpu.dma_semaphore, #tpu.memory_space<semaphore_mem>>, %arg28: memref<!tpu.dma_semaphore, #tpu.memory_space<semaphore_mem>>) attributes {dimension_semantics = [#tpu.dimension_semantics<core_parallel>, #tpu.dimension_semantics<subcore_parallel>], iteration_bounds = array<i64: 2, 16>, scalar_prefetch = 0 : i64, scratch_operands = 22 : i64, tpu.core_type = #tpu.core_type<sc_vector_subcore>, window_params = [{transform_indices = #map}, {transform_indices = #map1}, {transform_indices = #map1}, {transform_indices = #map}, {transform_indices = #map2}]} {
    %mul3A = arith.constant 2 : i32
    %mul3A_0 = arith.muli %arg1, %mul3A : i32
    %add3A = arith.addi %mul3A_0, %arg0 : i32
    %mul3A_1 = arith.constant 640 : i32
    %mul3A_2 = arith.muli %arg1, %mul3A_1 : i32
    %mul3A_3 = arith.constant 10000 : i32
    %mul3A_4 = arith.muli %add3A, %mul3A_3 : i32
    "tpu.region"() ({
      %run_scoped3A = tpu.sem_alloc : memref<!tpu.dma_semaphore, #tpu.memory_space<semaphore_mem>>
      %dma_start3A_103 = tpu.memref_slice %arg3[%mul3A_4] : memref<320000xi32, #tpu.memory_space<hbm>> -> memref<10000xi32, #tpu.memory_space<hbm>>
      %dma_start3A_104 = tpu.memref_slice %arg3[%mul3A_4] : memref<320000xi32, #tpu.memory_space<hbm>> -> memref<10000xi32, #tpu.memory_space<hbm>>
      tpu.enqueue_dma source(%dma_start3A_104 : memref<10000xi32, #tpu.memory_space<hbm>>) target(%arg7 : memref<10000xi32, #tpu.memory_space<vmem>>) target_semaphore(%run_scoped3A : memref<!tpu.dma_semaphore, #tpu.memory_space<semaphore_mem>>)
      %dma_wait3A_105 = tpu.memref_slice %arg3[%mul3A_4] : memref<320000xi32, #tpu.memory_space<hbm>> -> memref<10000xi32, #tpu.memory_space<hbm>>
      %dma_wait3A_106 = tpu.memref_slice %arg3[%mul3A_4] : memref<320000xi32, #tpu.memory_space<hbm>> -> memref<10000xi32, #tpu.memory_space<hbm>>
      tpu.wait_dma2 semaphore(%run_scoped3A : memref<!tpu.dma_semaphore, #tpu.memory_space<semaphore_mem>>) src(%dma_wait3A_106 : memref<10000xi32, #tpu.memory_space<hbm>>) dst(%arg7 : memref<10000xi32, #tpu.memory_space<vmem>>)
      tpu.yield
    }) : () -> ()
    "tpu.region"() ({
      %run_scoped3A = tpu.sem_alloc : memref<!tpu.dma_semaphore, #tpu.memory_space<semaphore_mem>>
      %dma_start3A_103 = arith.constant 0 : i32
      %dma_start3A_104 = tpu.memref_slice %arg8[%mul3A_2, %dma_start3A_103] : memref<10240x128xf32, #tpu.memory_space<vmem_shared>> -> memref<640x128xf32, #tpu.memory_space<vmem_shared>>
      %dma_start3A_105 = arith.constant 0 : i32
      %dma_start3A_106 = tpu.memref_slice %arg5[%mul3A_2, %dma_start3A_105] : memref<10240x128xf32, #tpu.memory_space<hbm>> -> memref<640x128xf32, #tpu.memory_space<hbm>>
      tpu.enqueue_dma source(%dma_start3A_106 : memref<640x128xf32, #tpu.memory_space<hbm>>) target(%dma_start3A_104 : memref<640x128xf32, #tpu.memory_space<vmem_shared>>) target_semaphore(%run_scoped3A : memref<!tpu.dma_semaphore, #tpu.memory_space<semaphore_mem>>)
      %dma_wait3A_107 = arith.constant 0 : i32
      %dma_wait3A_108 = tpu.memref_slice %arg8[%mul3A_2, %dma_wait3A_107] : memref<10240x128xf32, #tpu.memory_space<vmem_shared>> -> memref<640x128xf32, #tpu.memory_space<vmem_shared>>
      %dma_wait3A_109 = arith.constant 0 : i32
      %dma_wait3A_110 = tpu.memref_slice %arg5[%mul3A_2, %dma_wait3A_109] : memref<10240x128xf32, #tpu.memory_space<hbm>> -> memref<640x128xf32, #tpu.memory_space<hbm>>
      tpu.wait_dma2 semaphore(%run_scoped3A : memref<!tpu.dma_semaphore, #tpu.memory_space<semaphore_mem>>) src(%dma_wait3A_110 : memref<640x128xf32, #tpu.memory_space<hbm>>) dst(%dma_wait3A_108 : memref<640x128xf32, #tpu.memory_space<vmem_shared>>)
      tpu.yield
    }) : () -> ()
    %add3A_5 = arith.constant 0 : i32
    %add3A_6 = arith.addi %mul3A_4, %add3A_5 : i32
    %dma_start3A = tpu.memref_slice %arg4[%add3A_6] : memref<320000xi32, #tpu.memory_space<hbm>> -> memref<40xi32, #tpu.memory_space<hbm>>
    %dma_start3A_7 = tpu.memref_slice %arg4[%add3A_6] : memref<320000xi32, #tpu.memory_space<hbm>> -> memref<40xi32, #tpu.memory_space<hbm>>
    tpu.enqueue_dma source(%dma_start3A_7 : memref<40xi32, #tpu.memory_space<hbm>>) target(%arg14 : memref<40xi32, #tpu.memory_space<vmem>>) target_semaphore(%arg24 : memref<!tpu.dma_semaphore, #tpu.memory_space<semaphore_mem>>)
    %dma_start3A_8 = arith.constant 0 : i32
    %dma_start3A_9 = tpu.memref_slice %arg7[%dma_start3A_8] : memref<10000xi32, #tpu.memory_space<vmem>> -> memref<40xi32, #tpu.memory_space<vmem>>
    %dma_start3A_10 = arith.constant 0 : i32
    %dma_start3A_11 = arith.constant 0 : i32
    %dma_start3A_12 = tpu.memref_slice %arg2[%dma_start3A_10, %dma_start3A_11] : memref<10240x128xf32, #tpu.memory_space<hbm>> -> memref<10240x128xf32, #tpu.memory_space<hbm>>
    tpu.enqueue_indirect_dma source(%dma_start3A_12 : memref<10240x128xf32, #tpu.memory_space<hbm>>) target(%arg9 : memref<40x128xf32, #tpu.memory_space<vmem>>) offsets(%dma_start3A_9 : memref<40xi32, #tpu.memory_space<vmem>>) semaphore(%arg19 : memref<!tpu.dma_semaphore, #tpu.memory_space<semaphore_mem>>)
    %add3A_13 = arith.constant 40 : i32
    %add3A_14 = arith.addi %mul3A_4, %add3A_13 : i32
    %dma_start3A_15 = tpu.memref_slice %arg4[%add3A_14] : memref<320000xi32, #tpu.memory_space<hbm>> -> memref<40xi32, #tpu.memory_space<hbm>>
    %dma_start3A_16 = tpu.memref_slice %arg4[%add3A_14] : memref<320000xi32, #tpu.memory_space<hbm>> -> memref<40xi32, #tpu.memory_space<hbm>>
    tpu.enqueue_dma source(%dma_start3A_16 : memref<40xi32, #tpu.memory_space<hbm>>) target(%arg15 : memref<40xi32, #tpu.memory_space<vmem>>) target_semaphore(%arg25 : memref<!tpu.dma_semaphore, #tpu.memory_space<semaphore_mem>>)
    %dma_start3A_17 = arith.constant 40 : i32
    %dma_start3A_18 = tpu.memref_slice %arg7[%dma_start3A_17] : memref<10000xi32, #tpu.memory_space<vmem>> -> memref<40xi32, #tpu.memory_space<vmem>>
    %dma_start3A_19 = arith.constant 0 : i32
    %dma_start3A_20 = arith.constant 0 : i32
    %dma_start3A_21 = tpu.memref_slice %arg2[%dma_start3A_19, %dma_start3A_20] : memref<10240x128xf32, #tpu.memory_space<hbm>> -> memref<10240x128xf32, #tpu.memory_space<hbm>>
    tpu.enqueue_indirect_dma source(%dma_start3A_21 : memref<10240x128xf32, #tpu.memory_space<hbm>>) target(%arg10 : memref<40x128xf32, #tpu.memory_space<vmem>>) offsets(%dma_start3A_18 : memref<40xi32, #tpu.memory_space<vmem>>) semaphore(%arg20 : memref<!tpu.dma_semaphore, #tpu.memory_space<semaphore_mem>>)
    %add3A_22 = arith.constant 80 : i32
    %add3A_23 = arith.addi %mul3A_4, %add3A_22 : i32
    %dma_start3A_24 = tpu.memref_slice %arg4[%add3A_23] : memref<320000xi32, #tpu.memory_space<hbm>> -> memref<40xi32, #tpu.memory_space<hbm>>
    %dma_start3A_25 = tpu.memref_slice %arg4[%add3A_23] : memref<320000xi32, #tpu.memory_space<hbm>> -> memref<40xi32, #tpu.memory_space<hbm>>
    tpu.enqueue_dma source(%dma_start3A_25 : memref<40xi32, #tpu.memory_space<hbm>>) target(%arg16 : memref<40xi32, #tpu.memory_space<vmem>>) target_semaphore(%arg26 : memref<!tpu.dma_semaphore, #tpu.memory_space<semaphore_mem>>)
    %dma_start3A_26 = arith.constant 80 : i32
    %dma_start3A_27 = tpu.memref_slice %arg7[%dma_start3A_26] : memref<10000xi32, #tpu.memory_space<vmem>> -> memref<40xi32, #tpu.memory_space<vmem>>
    %dma_start3A_28 = arith.constant 0 : i32
    %dma_start3A_29 = arith.constant 0 : i32
    %dma_start3A_30 = tpu.memref_slice %arg2[%dma_start3A_28, %dma_start3A_29] : memref<10240x128xf32, #tpu.memory_space<hbm>> -> memref<10240x128xf32, #tpu.memory_space<hbm>>
    tpu.enqueue_indirect_dma source(%dma_start3A_30 : memref<10240x128xf32, #tpu.memory_space<hbm>>) target(%arg11 : memref<40x128xf32, #tpu.memory_space<vmem>>) offsets(%dma_start3A_27 : memref<40xi32, #tpu.memory_space<vmem>>) semaphore(%arg21 : memref<!tpu.dma_semaphore, #tpu.memory_space<semaphore_mem>>)
    %add3A_31 = arith.constant 120 : i32
    %add3A_32 = arith.addi %mul3A_4, %add3A_31 : i32
    %dma_start3A_33 = tpu.memref_slice %arg4[%add3A_32] : memref<320000xi32, #tpu.memory_space<hbm>> -> memref<40xi32, #tpu.memory_space<hbm>>
    %dma_start3A_34 = tpu.memref_slice %arg4[%add3A_32] : memref<320000xi32, #tpu.memory_space<hbm>> -> memref<40xi32, #tpu.memory_space<hbm>>
    tpu.enqueue_dma source(%dma_start3A_34 : memref<40xi32, #tpu.memory_space<hbm>>) target(%arg17 : memref<40xi32, #tpu.memory_space<vmem>>) target_semaphore(%arg27 : memref<!tpu.dma_semaphore, #tpu.memory_space<semaphore_mem>>)
    %dma_start3A_35 = arith.constant 120 : i32
    %dma_start3A_36 = tpu.memref_slice %arg7[%dma_start3A_35] : memref<10000xi32, #tpu.memory_space<vmem>> -> memref<40xi32, #tpu.memory_space<vmem>>
    %dma_start3A_37 = arith.constant 0 : i32
    %dma_start3A_38 = arith.constant 0 : i32
    %dma_start3A_39 = tpu.memref_slice %arg2[%dma_start3A_37, %dma_start3A_38] : memref<10240x128xf32, #tpu.memory_space<hbm>> -> memref<10240x128xf32, #tpu.memory_space<hbm>>
    tpu.enqueue_indirect_dma source(%dma_start3A_39 : memref<10240x128xf32, #tpu.memory_space<hbm>>) target(%arg12 : memref<40x128xf32, #tpu.memory_space<vmem>>) offsets(%dma_start3A_36 : memref<40xi32, #tpu.memory_space<vmem>>) semaphore(%arg22 : memref<!tpu.dma_semaphore, #tpu.memory_space<semaphore_mem>>)
    %add3A_40 = arith.constant 160 : i32
    %add3A_41 = arith.addi %mul3A_4, %add3A_40 : i32
    %dma_start3A_42 = tpu.memref_slice %arg4[%add3A_41] : memref<320000xi32, #tpu.memory_space<hbm>> -> memref<40xi32, #tpu.memory_space<hbm>>
    %dma_start3A_43 = tpu.memref_slice %arg4[%add3A_41] : memref<320000xi32, #tpu.memory_space<hbm>> -> memref<40xi32, #tpu.memory_space<hbm>>
    tpu.enqueue_dma source(%dma_start3A_43 : memref<40xi32, #tpu.memory_space<hbm>>) target(%arg18 : memref<40xi32, #tpu.memory_space<vmem>>) target_semaphore(%arg28 : memref<!tpu.dma_semaphore, #tpu.memory_space<semaphore_mem>>)
    %dma_start3A_44 = arith.constant 160 : i32
    %dma_start3A_45 = tpu.memref_slice %arg7[%dma_start3A_44] : memref<10000xi32, #tpu.memory_space<vmem>> -> memref<40xi32, #tpu.memory_space<vmem>>
    %dma_start3A_46 = arith.constant 0 : i32
    %dma_start3A_47 = arith.constant 0 : i32
    %dma_start3A_48 = tpu.memref_slice %arg2[%dma_start3A_46, %dma_start3A_47] : memref<10240x128xf32, #tpu.memory_space<hbm>> -> memref<10240x128xf32, #tpu.memory_space<hbm>>
    tpu.enqueue_indirect_dma source(%dma_start3A_48 : memref<10240x128xf32, #tpu.memory_space<hbm>>) target(%arg13 : memref<40x128xf32, #tpu.memory_space<vmem>>) offsets(%dma_start3A_45 : memref<40xi32, #tpu.memory_space<vmem>>) semaphore(%arg23 : memref<!tpu.dma_semaphore, #tpu.memory_space<semaphore_mem>>)
    %barrier3A = arith.constant 0 : index
    tpu.barrier barrier_id(%barrier3A)
    %scan3A = arith.constant 0 : i32
    %scan3A_49 = arith.constant 49 : i32
    %scan3A_50 = arith.addi %scan3A, %scan3A_49 : i32
    %scan3A_51 = arith.constant 1 : i32
    scf.for %scan3A_103 = %scan3A to %scan3A_50 step %scan3A_51  : i32 {
      %mul3A_104 = arith.constant 1 : i32
      %mul3A_105 = arith.muli %scan3A_103, %mul3A_104 : i32
      %add3A_106 = arith.constant 0 : i32
      %add3A_107 = arith.addi %add3A_106, %mul3A_105 : i32
      %mul3A_108 = arith.constant 5 : i32
      %mul3A_109 = arith.muli %add3A_107, %mul3A_108 : i32
      %dma_wait3A_110 = arith.constant 0 : i32
      %dma_wait3A_111 = arith.constant 0 : i32
      %dma_wait3A_112 = tpu.memref_slice %arg2[%dma_wait3A_110, %dma_wait3A_111] : memref<10240x128xf32, #tpu.memory_space<hbm>> -> memref<40x128xf32, #tpu.memory_space<hbm>>
      %dma_wait3A_113 = arith.constant 0 : i32
      %dma_wait3A_114 = arith.constant 0 : i32
      %dma_wait3A_115 = tpu.memref_slice %arg2[%dma_wait3A_113, %dma_wait3A_114] : memref<10240x128xf32, #tpu.memory_space<hbm>> -> memref<40x128xf32, #tpu.memory_space<hbm>>
      tpu.wait_dma2 semaphore(%arg19 : memref<!tpu.dma_semaphore, #tpu.memory_space<semaphore_mem>>) src(%dma_wait3A_115 : memref<40x128xf32, #tpu.memory_space<hbm>>) dst(%arg9 : memref<40x128xf32, #tpu.memory_space<vmem>>)
      %dma_wait3A_116 = arith.constant 0 : i32
      %dma_wait3A_117 = tpu.memref_slice %arg4[%dma_wait3A_116] : memref<320000xi32, #tpu.memory_space<hbm>> -> memref<40xi32, #tpu.memory_space<hbm>>
      %dma_wait3A_118 = arith.constant 0 : i32
      %dma_wait3A_119 = tpu.memref_slice %arg4[%dma_wait3A_118] : memref<320000xi32, #tpu.memory_space<hbm>> -> memref<40xi32, #tpu.memory_space<hbm>>
      tpu.wait_dma2 semaphore(%arg24 : memref<!tpu.dma_semaphore, #tpu.memory_space<semaphore_mem>>) src(%dma_wait3A_119 : memref<40xi32, #tpu.memory_space<hbm>>) dst(%arg14 : memref<40xi32, #tpu.memory_space<vmem>>)
      "tpu.region"() ({
        %run_scoped3A = tpu.sem_alloc : memref<!tpu.dma_semaphore, #tpu.memory_space<semaphore_mem>>
        %dma_start3A_225 = arith.constant 0 : i32
        %dma_start3A_226 = arith.constant 0 : i32
        %dma_start3A_227 = tpu.memref_slice %arg8[%dma_start3A_225, %dma_start3A_226] : memref<10240x128xf32, #tpu.memory_space<vmem_shared>> -> memref<10240x128xf32, #tpu.memory_space<vmem_shared>>
        tpu.enqueue_indirect_dma source(%arg9 : memref<40x128xf32, #tpu.memory_space<vmem>>) target(%dma_start3A_227 : memref<10240x128xf32, #tpu.memory_space<vmem_shared>>) offsets(%arg14 : memref<40xi32, #tpu.memory_space<vmem>>) semaphore(%run_scoped3A : memref<!tpu.dma_semaphore, #tpu.memory_space<semaphore_mem>>) {add = true}
        %dma_wait3A_228 = arith.constant 0 : i32
        %dma_wait3A_229 = arith.constant 0 : i32
        %dma_wait3A_230 = tpu.memref_slice %arg8[%dma_wait3A_228, %dma_wait3A_229] : memref<10240x128xf32, #tpu.memory_space<vmem_shared>> -> memref<10240x128xf32, #tpu.memory_space<vmem_shared>>
        tpu.wait_indirect_dma semaphore(%run_scoped3A : memref<!tpu.dma_semaphore, #tpu.memory_space<semaphore_mem>>) src(%arg9 : memref<40x128xf32, #tpu.memory_space<vmem>>) dst(%dma_wait3A_230 : memref<10240x128xf32, #tpu.memory_space<vmem_shared>>)
        tpu.yield
      }) : () -> ()
      %add3A_120 = arith.constant 0 : i32
      %add3A_121 = arith.addi %mul3A_109, %add3A_120 : i32
      %add3A_122 = arith.constant 5 : i32
      %add3A_123 = arith.addi %add3A_121, %add3A_122 : i32
      %mul3A_124 = arith.constant 40 : i32
      %mul3A_125 = arith.muli %add3A_123, %mul3A_124 : i32
      %add3A_126 = arith.addi %mul3A_4, %mul3A_125 : i32
      %dma_start3A_127 = tpu.memref_slice %arg4[%add3A_126] : memref<320000xi32, #tpu.memory_space<hbm>> -> memref<40xi32, #tpu.memory_space<hbm>>
      %dma_start3A_128 = tpu.memref_slice %arg4[%add3A_126] : memref<320000xi32, #tpu.memory_space<hbm>> -> memref<40xi32, #tpu.memory_space<hbm>>
      tpu.enqueue_dma source(%dma_start3A_128 : memref<40xi32, #tpu.memory_space<hbm>>) target(%arg14 : memref<40xi32, #tpu.memory_space<vmem>>) target_semaphore(%arg24 : memref<!tpu.dma_semaphore, #tpu.memory_space<semaphore_mem>>)
      %dma_start3A_129 = tpu.memref_slice %arg7[%mul3A_125] : memref<10000xi32, #tpu.memory_space<vmem>> -> memref<40xi32, #tpu.memory_space<vmem>>
      %dma_start3A_130 = arith.constant 0 : i32
      %dma_start3A_131 = arith.constant 0 : i32
      %dma_start3A_132 = tpu.memref_slice %arg2[%dma_start3A_130, %dma_start3A_131] : memref<10240x128xf32, #tpu.memory_space<hbm>> -> memref<10240x128xf32, #tpu.memory_space<hbm>>
      tpu.enqueue_indirect_dma source(%dma_start3A_132 : memref<10240x128xf32, #tpu.memory_space<hbm>>) target(%arg9 : memref<40x128xf32, #tpu.memory_space<vmem>>) offsets(%dma_start3A_129 : memref<40xi32, #tpu.memory_space<vmem>>) semaphore(%arg19 : memref<!tpu.dma_semaphore, #tpu.memory_space<semaphore_mem>>)
      %dma_wait3A_133 = arith.constant 0 : i32
      %dma_wait3A_134 = arith.constant 0 : i32
      %dma_wait3A_135 = tpu.memref_slice %arg2[%dma_wait3A_133, %dma_wait3A_134] : memref<10240x128xf32, #tpu.memory_space<hbm>> -> memref<40x128xf32, #tpu.memory_space<hbm>>
      %dma_wait3A_136 = arith.constant 0 : i32
      %dma_wait3A_137 = arith.constant 0 : i32
      %dma_wait3A_138 = tpu.memref_slice %arg2[%dma_wait3A_136, %dma_wait3A_137] : memref<10240x128xf32, #tpu.memory_space<hbm>> -> memref<40x128xf32, #tpu.memory_space<hbm>>
      tpu.wait_dma2 semaphore(%arg20 : memref<!tpu.dma_semaphore, #tpu.memory_space<semaphore_mem>>) src(%dma_wait3A_138 : memref<40x128xf32, #tpu.memory_space<hbm>>) dst(%arg10 : memref<40x128xf32, #tpu.memory_space<vmem>>)
      %dma_wait3A_139 = arith.constant 0 : i32
      %dma_wait3A_140 = tpu.memref_slice %arg4[%dma_wait3A_139] : memref<320000xi32, #tpu.memory_space<hbm>> -> memref<40xi32, #tpu.memory_space<hbm>>
      %dma_wait3A_141 = arith.constant 0 : i32
      %dma_wait3A_142 = tpu.memref_slice %arg4[%dma_wait3A_141] : memref<320000xi32, #tpu.memory_space<hbm>> -> memref<40xi32, #tpu.memory_space<hbm>>
      tpu.wait_dma2 semaphore(%arg25 : memref<!tpu.dma_semaphore, #tpu.memory_space<semaphore_mem>>) src(%dma_wait3A_142 : memref<40xi32, #tpu.memory_space<hbm>>) dst(%arg15 : memref<40xi32, #tpu.memory_space<vmem>>)
      "tpu.region"() ({
        %run_scoped3A = tpu.sem_alloc : memref<!tpu.dma_semaphore, #tpu.memory_space<semaphore_mem>>
        %dma_start3A_225 = arith.constant 0 : i32
        %dma_start3A_226 = arith.constant 0 : i32
        %dma_start3A_227 = tpu.memref_slice %arg8[%dma_start3A_225, %dma_start3A_226] : memref<10240x128xf32, #tpu.memory_space<vmem_shared>> -> memref<10240x128xf32, #tpu.memory_space<vmem_shared>>
        tpu.enqueue_indirect_dma source(%arg10 : memref<40x128xf32, #tpu.memory_space<vmem>>) target(%dma_start3A_227 : memref<10240x128xf32, #tpu.memory_space<vmem_shared>>) offsets(%arg15 : memref<40xi32, #tpu.memory_space<vmem>>) semaphore(%run_scoped3A : memref<!tpu.dma_semaphore, #tpu.memory_space<semaphore_mem>>) {add = true}
        %dma_wait3A_228 = arith.constant 0 : i32
        %dma_wait3A_229 = arith.constant 0 : i32
        %dma_wait3A_230 = tpu.memref_slice %arg8[%dma_wait3A_228, %dma_wait3A_229] : memref<10240x128xf32, #tpu.memory_space<vmem_shared>> -> memref<10240x128xf32, #tpu.memory_space<vmem_shared>>
        tpu.wait_indirect_dma semaphore(%run_scoped3A : memref<!tpu.dma_semaphore, #tpu.memory_space<semaphore_mem>>) src(%arg10 : memref<40x128xf32, #tpu.memory_space<vmem>>) dst(%dma_wait3A_230 : memref<10240x128xf32, #tpu.memory_space<vmem_shared>>)
        tpu.yield
      }) : () -> ()
      %add3A_143 = arith.constant 1 : i32
      %add3A_144 = arith.addi %mul3A_109, %add3A_143 : i32
      %add3A_145 = arith.constant 5 : i32
      %add3A_146 = arith.addi %add3A_144, %add3A_145 : i32
      %mul3A_147 = arith.constant 40 : i32
      %mul3A_148 = arith.muli %add3A_146, %mul3A_147 : i32
      %add3A_149 = arith.addi %mul3A_4, %mul3A_148 : i32
      %dma_start3A_150 = tpu.memref_slice %arg4[%add3A_149] : memref<320000xi32, #tpu.memory_space<hbm>> -> memref<40xi32, #tpu.memory_space<hbm>>
      %dma_start3A_151 = tpu.memref_slice %arg4[%add3A_149] : memref<320000xi32, #tpu.memory_space<hbm>> -> memref<40xi32, #tpu.memory_space<hbm>>
      tpu.enqueue_dma source(%dma_start3A_151 : memref<40xi32, #tpu.memory_space<hbm>>) target(%arg15 : memref<40xi32, #tpu.memory_space<vmem>>) target_semaphore(%arg25 : memref<!tpu.dma_semaphore, #tpu.memory_space<semaphore_mem>>)
      %dma_start3A_152 = tpu.memref_slice %arg7[%mul3A_148] : memref<10000xi32, #tpu.memory_space<vmem>> -> memref<40xi32, #tpu.memory_space<vmem>>
      %dma_start3A_153 = arith.constant 0 : i32
      %dma_start3A_154 = arith.constant 0 : i32
      %dma_start3A_155 = tpu.memref_slice %arg2[%dma_start3A_153, %dma_start3A_154] : memref<10240x128xf32, #tpu.memory_space<hbm>> -> memref<10240x128xf32, #tpu.memory_space<hbm>>
      tpu.enqueue_indirect_dma source(%dma_start3A_155 : memref<10240x128xf32, #tpu.memory_space<hbm>>) target(%arg10 : memref<40x128xf32, #tpu.memory_space<vmem>>) offsets(%dma_start3A_152 : memref<40xi32, #tpu.memory_space<vmem>>) semaphore(%arg20 : memref<!tpu.dma_semaphore, #tpu.memory_space<semaphore_mem>>)
      %dma_wait3A_156 = arith.constant 0 : i32
      %dma_wait3A_157 = arith.constant 0 : i32
      %dma_wait3A_158 = tpu.memref_slice %arg2[%dma_wait3A_156, %dma_wait3A_157] : memref<10240x128xf32, #tpu.memory_space<hbm>> -> memref<40x128xf32, #tpu.memory_space<hbm>>
      %dma_wait3A_159 = arith.constant 0 : i32
      %dma_wait3A_160 = arith.constant 0 : i32
      %dma_wait3A_161 = tpu.memref_slice %arg2[%dma_wait3A_159, %dma_wait3A_160] : memref<10240x128xf32, #tpu.memory_space<hbm>> -> memref<40x128xf32, #tpu.memory_space<hbm>>
      tpu.wait_dma2 semaphore(%arg21 : memref<!tpu.dma_semaphore, #tpu.memory_space<semaphore_mem>>) src(%dma_wait3A_161 : memref<40x128xf32, #tpu.memory_space<hbm>>) dst(%arg11 : memref<40x128xf32, #tpu.memory_space<vmem>>)
      %dma_wait3A_162 = arith.constant 0 : i32
      %dma_wait3A_163 = tpu.memref_slice %arg4[%dma_wait3A_162] : memref<320000xi32, #tpu.memory_space<hbm>> -> memref<40xi32, #tpu.memory_space<hbm>>
      %dma_wait3A_164 = arith.constant 0 : i32
      %dma_wait3A_165 = tpu.memref_slice %arg4[%dma_wait3A_164] : memref<320000xi32, #tpu.memory_space<hbm>> -> memref<40xi32, #tpu.memory_space<hbm>>
      tpu.wait_dma2 semaphore(%arg26 : memref<!tpu.dma_semaphore, #tpu.memory_space<semaphore_mem>>) src(%dma_wait3A_165 : memref<40xi32, #tpu.memory_space<hbm>>) dst(%arg16 : memref<40xi32, #tpu.memory_space<vmem>>)
      "tpu.region"() ({
        %run_scoped3A = tpu.sem_alloc : memref<!tpu.dma_semaphore, #tpu.memory_space<semaphore_mem>>
        %dma_start3A_225 = arith.constant 0 : i32
        %dma_start3A_226 = arith.constant 0 : i32
        %dma_start3A_227 = tpu.memref_slice %arg8[%dma_start3A_225, %dma_start3A_226] : memref<10240x128xf32, #tpu.memory_space<vmem_shared>> -> memref<10240x128xf32, #tpu.memory_space<vmem_shared>>
        tpu.enqueue_indirect_dma source(%arg11 : memref<40x128xf32, #tpu.memory_space<vmem>>) target(%dma_start3A_227 : memref<10240x128xf32, #tpu.memory_space<vmem_shared>>) offsets(%arg16 : memref<40xi32, #tpu.memory_space<vmem>>) semaphore(%run_scoped3A : memref<!tpu.dma_semaphore, #tpu.memory_space<semaphore_mem>>) {add = true}
        %dma_wait3A_228 = arith.constant 0 : i32
        %dma_wait3A_229 = arith.constant 0 : i32
        %dma_wait3A_230 = tpu.memref_slice %arg8[%dma_wait3A_228, %dma_wait3A_229] : memref<10240x128xf32, #tpu.memory_space<vmem_shared>> -> memref<10240x128xf32, #tpu.memory_space<vmem_shared>>
        tpu.wait_indirect_dma semaphore(%run_scoped3A : memref<!tpu.dma_semaphore, #tpu.memory_space<semaphore_mem>>) src(%arg11 : memref<40x128xf32, #tpu.memory_space<vmem>>) dst(%dma_wait3A_230 : memref<10240x128xf32, #tpu.memory_space<vmem_shared>>)
        tpu.yield
      }) : () -> ()
      %add3A_166 = arith.constant 2 : i32
      %add3A_167 = arith.addi %mul3A_109, %add3A_166 : i32
      %add3A_168 = arith.constant 5 : i32
      %add3A_169 = arith.addi %add3A_167, %add3A_168 : i32
      %mul3A_170 = arith.constant 40 : i32
      %mul3A_171 = arith.muli %add3A_169, %mul3A_170 : i32
      %add3A_172 = arith.addi %mul3A_4, %mul3A_171 : i32
      %dma_start3A_173 = tpu.memref_slice %arg4[%add3A_172] : memref<320000xi32, #tpu.memory_space<hbm>> -> memref<40xi32, #tpu.memory_space<hbm>>
      %dma_start3A_174 = tpu.memref_slice %arg4[%add3A_172] : memref<320000xi32, #tpu.memory_space<hbm>> -> memref<40xi32, #tpu.memory_space<hbm>>
      tpu.enqueue_dma source(%dma_start3A_174 : memref<40xi32, #tpu.memory_space<hbm>>) target(%arg16 : memref<40xi32, #tpu.memory_space<vmem>>) target_semaphore(%arg26 : memref<!tpu.dma_semaphore, #tpu.memory_space<semaphore_mem>>)
      %dma_start3A_175 = tpu.memref_slice %arg7[%mul3A_171] : memref<10000xi32, #tpu.memory_space<vmem>> -> memref<40xi32, #tpu.memory_space<vmem>>
      %dma_start3A_176 = arith.constant 0 : i32
      %dma_start3A_177 = arith.constant 0 : i32
      %dma_start3A_178 = tpu.memref_slice %arg2[%dma_start3A_176, %dma_start3A_177] : memref<10240x128xf32, #tpu.memory_space<hbm>> -> memref<10240x128xf32, #tpu.memory_space<hbm>>
      tpu.enqueue_indirect_dma source(%dma_start3A_178 : memref<10240x128xf32, #tpu.memory_space<hbm>>) target(%arg11 : memref<40x128xf32, #tpu.memory_space<vmem>>) offsets(%dma_start3A_175 : memref<40xi32, #tpu.memory_space<vmem>>) semaphore(%arg21 : memref<!tpu.dma_semaphore, #tpu.memory_space<semaphore_mem>>)
      %dma_wait3A_179 = arith.constant 0 : i32
      %dma_wait3A_180 = arith.constant 0 : i32
      %dma_wait3A_181 = tpu.memref_slice %arg2[%dma_wait3A_179, %dma_wait3A_180] : memref<10240x128xf32, #tpu.memory_space<hbm>> -> memref<40x128xf32, #tpu.memory_space<hbm>>
      %dma_wait3A_182 = arith.constant 0 : i32
      %dma_wait3A_183 = arith.constant 0 : i32
      %dma_wait3A_184 = tpu.memref_slice %arg2[%dma_wait3A_182, %dma_wait3A_183] : memref<10240x128xf32, #tpu.memory_space<hbm>> -> memref<40x128xf32, #tpu.memory_space<hbm>>
      tpu.wait_dma2 semaphore(%arg22 : memref<!tpu.dma_semaphore, #tpu.memory_space<semaphore_mem>>) src(%dma_wait3A_184 : memref<40x128xf32, #tpu.memory_space<hbm>>) dst(%arg12 : memref<40x128xf32, #tpu.memory_space<vmem>>)
      %dma_wait3A_185 = arith.constant 0 : i32
      %dma_wait3A_186 = tpu.memref_slice %arg4[%dma_wait3A_185] : memref<320000xi32, #tpu.memory_space<hbm>> -> memref<40xi32, #tpu.memory_space<hbm>>
      %dma_wait3A_187 = arith.constant 0 : i32
      %dma_wait3A_188 = tpu.memref_slice %arg4[%dma_wait3A_187] : memref<320000xi32, #tpu.memory_space<hbm>> -> memref<40xi32, #tpu.memory_space<hbm>>
      tpu.wait_dma2 semaphore(%arg27 : memref<!tpu.dma_semaphore, #tpu.memory_space<semaphore_mem>>) src(%dma_wait3A_188 : memref<40xi32, #tpu.memory_space<hbm>>) dst(%arg17 : memref<40xi32, #tpu.memory_space<vmem>>)
      "tpu.region"() ({
        %run_scoped3A = tpu.sem_alloc : memref<!tpu.dma_semaphore, #tpu.memory_space<semaphore_mem>>
        %dma_start3A_225 = arith.constant 0 : i32
        %dma_start3A_226 = arith.constant 0 : i32
        %dma_start3A_227 = tpu.memref_slice %arg8[%dma_start3A_225, %dma_start3A_226] : memref<10240x128xf32, #tpu.memory_space<vmem_shared>> -> memref<10240x128xf32, #tpu.memory_space<vmem_shared>>
        tpu.enqueue_indirect_dma source(%arg12 : memref<40x128xf32, #tpu.memory_space<vmem>>) target(%dma_start3A_227 : memref<10240x128xf32, #tpu.memory_space<vmem_shared>>) offsets(%arg17 : memref<40xi32, #tpu.memory_space<vmem>>) semaphore(%run_scoped3A : memref<!tpu.dma_semaphore, #tpu.memory_space<semaphore_mem>>) {add = true}
        %dma_wait3A_228 = arith.constant 0 : i32
        %dma_wait3A_229 = arith.constant 0 : i32
        %dma_wait3A_230 = tpu.memref_slice %arg8[%dma_wait3A_228, %dma_wait3A_229] : memref<10240x128xf32, #tpu.memory_space<vmem_shared>> -> memref<10240x128xf32, #tpu.memory_space<vmem_shared>>
        tpu.wait_indirect_dma semaphore(%run_scoped3A : memref<!tpu.dma_semaphore, #tpu.memory_space<semaphore_mem>>) src(%arg12 : memref<40x128xf32, #tpu.memory_space<vmem>>) dst(%dma_wait3A_230 : memref<10240x128xf32, #tpu.memory_space<vmem_shared>>)
        tpu.yield
      }) : () -> ()
      %add3A_189 = arith.constant 3 : i32
      %add3A_190 = arith.addi %mul3A_109, %add3A_189 : i32
      %add3A_191 = arith.constant 5 : i32
      %add3A_192 = arith.addi %add3A_190, %add3A_191 : i32
      %mul3A_193 = arith.constant 40 : i32
      %mul3A_194 = arith.muli %add3A_192, %mul3A_193 : i32
      %add3A_195 = arith.addi %mul3A_4, %mul3A_194 : i32
      %dma_start3A_196 = tpu.memref_slice %arg4[%add3A_195] : memref<320000xi32, #tpu.memory_space<hbm>> -> memref<40xi32, #tpu.memory_space<hbm>>
      %dma_start3A_197 = tpu.memref_slice %arg4[%add3A_195] : memref<320000xi32, #tpu.memory_space<hbm>> -> memref<40xi32, #tpu.memory_space<hbm>>
      tpu.enqueue_dma source(%dma_start3A_197 : memref<40xi32, #tpu.memory_space<hbm>>) target(%arg17 : memref<40xi32, #tpu.memory_space<vmem>>) target_semaphore(%arg27 : memref<!tpu.dma_semaphore, #tpu.memory_space<semaphore_mem>>)
      %dma_start3A_198 = tpu.memref_slice %arg7[%mul3A_194] : memref<10000xi32, #tpu.memory_space<vmem>> -> memref<40xi32, #tpu.memory_space<vmem>>
      %dma_start3A_199 = arith.constant 0 : i32
      %dma_start3A_200 = arith.constant 0 : i32
      %dma_start3A_201 = tpu.memref_slice %arg2[%dma_start3A_199, %dma_start3A_200] : memref<10240x128xf32, #tpu.memory_space<hbm>> -> memref<10240x128xf32, #tpu.memory_space<hbm>>
      tpu.enqueue_indirect_dma source(%dma_start3A_201 : memref<10240x128xf32, #tpu.memory_space<hbm>>) target(%arg12 : memref<40x128xf32, #tpu.memory_space<vmem>>) offsets(%dma_start3A_198 : memref<40xi32, #tpu.memory_space<vmem>>) semaphore(%arg22 : memref<!tpu.dma_semaphore, #tpu.memory_space<semaphore_mem>>)
      %dma_wait3A_202 = arith.constant 0 : i32
      %dma_wait3A_203 = arith.constant 0 : i32
      %dma_wait3A_204 = tpu.memref_slice %arg2[%dma_wait3A_202, %dma_wait3A_203] : memref<10240x128xf32, #tpu.memory_space<hbm>> -> memref<40x128xf32, #tpu.memory_space<hbm>>
      %dma_wait3A_205 = arith.constant 0 : i32
      %dma_wait3A_206 = arith.constant 0 : i32
      %dma_wait3A_207 = tpu.memref_slice %arg2[%dma_wait3A_205, %dma_wait3A_206] : memref<10240x128xf32, #tpu.memory_space<hbm>> -> memref<40x128xf32, #tpu.memory_space<hbm>>
      tpu.wait_dma2 semaphore(%arg23 : memref<!tpu.dma_semaphore, #tpu.memory_space<semaphore_mem>>) src(%dma_wait3A_207 : memref<40x128xf32, #tpu.memory_space<hbm>>) dst(%arg13 : memref<40x128xf32, #tpu.memory_space<vmem>>)
      %dma_wait3A_208 = arith.constant 0 : i32
      %dma_wait3A_209 = tpu.memref_slice %arg4[%dma_wait3A_208] : memref<320000xi32, #tpu.memory_space<hbm>> -> memref<40xi32, #tpu.memory_space<hbm>>
      %dma_wait3A_210 = arith.constant 0 : i32
      %dma_wait3A_211 = tpu.memref_slice %arg4[%dma_wait3A_210] : memref<320000xi32, #tpu.memory_space<hbm>> -> memref<40xi32, #tpu.memory_space<hbm>>
      tpu.wait_dma2 semaphore(%arg28 : memref<!tpu.dma_semaphore, #tpu.memory_space<semaphore_mem>>) src(%dma_wait3A_211 : memref<40xi32, #tpu.memory_space<hbm>>) dst(%arg18 : memref<40xi32, #tpu.memory_space<vmem>>)
      "tpu.region"() ({
        %run_scoped3A = tpu.sem_alloc : memref<!tpu.dma_semaphore, #tpu.memory_space<semaphore_mem>>
        %dma_start3A_225 = arith.constant 0 : i32
        %dma_start3A_226 = arith.constant 0 : i32
        %dma_start3A_227 = tpu.memref_slice %arg8[%dma_start3A_225, %dma_start3A_226] : memref<10240x128xf32, #tpu.memory_space<vmem_shared>> -> memref<10240x128xf32, #tpu.memory_space<vmem_shared>>
        tpu.enqueue_indirect_dma source(%arg13 : memref<40x128xf32, #tpu.memory_space<vmem>>) target(%dma_start3A_227 : memref<10240x128xf32, #tpu.memory_space<vmem_shared>>) offsets(%arg18 : memref<40xi32, #tpu.memory_space<vmem>>) semaphore(%run_scoped3A : memref<!tpu.dma_semaphore, #tpu.memory_space<semaphore_mem>>) {add = true}
        %dma_wait3A_228 = arith.constant 0 : i32
        %dma_wait3A_229 = arith.constant 0 : i32
        %dma_wait3A_230 = tpu.memref_slice %arg8[%dma_wait3A_228, %dma_wait3A_229] : memref<10240x128xf32, #tpu.memory_space<vmem_shared>> -> memref<10240x128xf32, #tpu.memory_space<vmem_shared>>
        tpu.wait_indirect_dma semaphore(%run_scoped3A : memref<!tpu.dma_semaphore, #tpu.memory_space<semaphore_mem>>) src(%arg13 : memref<40x128xf32, #tpu.memory_space<vmem>>) dst(%dma_wait3A_230 : memref<10240x128xf32, #tpu.memory_space<vmem_shared>>)
        tpu.yield
      }) : () -> ()
      %add3A_212 = arith.constant 4 : i32
      %add3A_213 = arith.addi %mul3A_109, %add3A_212 : i32
      %add3A_214 = arith.constant 5 : i32
      %add3A_215 = arith.addi %add3A_213, %add3A_214 : i32
      %mul3A_216 = arith.constant 40 : i32
      %mul3A_217 = arith.muli %add3A_215, %mul3A_216 : i32
      %add3A_218 = arith.addi %mul3A_4, %mul3A_217 : i32
      %dma_start3A_219 = tpu.memref_slice %arg4[%add3A_218] : memref<320000xi32, #tpu.memory_space<hbm>> -> memref<40xi32, #tpu.memory_space<hbm>>
      %dma_start3A_220 = tpu.memref_slice %arg4[%add3A_218] : memref<320000xi32, #tpu.memory_space<hbm>> -> memref<40xi32, #tpu.memory_space<hbm>>
      tpu.enqueue_dma source(%dma_start3A_220 : memref<40xi32, #tpu.memory_space<hbm>>) target(%arg18 : memref<40xi32, #tpu.memory_space<vmem>>) target_semaphore(%arg28 : memref<!tpu.dma_semaphore, #tpu.memory_space<semaphore_mem>>)
      %dma_start3A_221 = tpu.memref_slice %arg7[%mul3A_217] : memref<10000xi32, #tpu.memory_space<vmem>> -> memref<40xi32, #tpu.memory_space<vmem>>
      %dma_start3A_222 = arith.constant 0 : i32
      %dma_start3A_223 = arith.constant 0 : i32
      %dma_start3A_224 = tpu.memref_slice %arg2[%dma_start3A_222, %dma_start3A_223] : memref<10240x128xf32, #tpu.memory_space<hbm>> -> memref<10240x128xf32, #tpu.memory_space<hbm>>
      tpu.enqueue_indirect_dma source(%dma_start3A_224 : memref<10240x128xf32, #tpu.memory_space<hbm>>) target(%arg13 : memref<40x128xf32, #tpu.memory_space<vmem>>) offsets(%dma_start3A_221 : memref<40xi32, #tpu.memory_space<vmem>>) semaphore(%arg23 : memref<!tpu.dma_semaphore, #tpu.memory_space<semaphore_mem>>)
    }
    %scan3A_52 = arith.constant 49 : i32
    %dma_wait3A = arith.constant 0 : i32
    %dma_wait3A_53 = arith.constant 0 : i32
    %dma_wait3A_54 = tpu.memref_slice %arg2[%dma_wait3A, %dma_wait3A_53] : memref<10240x128xf32, #tpu.memory_space<hbm>> -> memref<40x128xf32, #tpu.memory_space<hbm>>
    %dma_wait3A_55 = arith.constant 0 : i32
    %dma_wait3A_56 = arith.constant 0 : i32
    %dma_wait3A_57 = tpu.memref_slice %arg2[%dma_wait3A_55, %dma_wait3A_56] : memref<10240x128xf32, #tpu.memory_space<hbm>> -> memref<40x128xf32, #tpu.memory_space<hbm>>
    tpu.wait_dma2 semaphore(%arg19 : memref<!tpu.dma_semaphore, #tpu.memory_space<semaphore_mem>>) src(%dma_wait3A_57 : memref<40x128xf32, #tpu.memory_space<hbm>>) dst(%arg9 : memref<40x128xf32, #tpu.memory_space<vmem>>)
    %dma_wait3A_58 = arith.constant 0 : i32
    %dma_wait3A_59 = tpu.memref_slice %arg4[%dma_wait3A_58] : memref<320000xi32, #tpu.memory_space<hbm>> -> memref<40xi32, #tpu.memory_space<hbm>>
    %dma_wait3A_60 = arith.constant 0 : i32
    %dma_wait3A_61 = tpu.memref_slice %arg4[%dma_wait3A_60] : memref<320000xi32, #tpu.memory_space<hbm>> -> memref<40xi32, #tpu.memory_space<hbm>>
    tpu.wait_dma2 semaphore(%arg24 : memref<!tpu.dma_semaphore, #tpu.memory_space<semaphore_mem>>) src(%dma_wait3A_61 : memref<40xi32, #tpu.memory_space<hbm>>) dst(%arg14 : memref<40xi32, #tpu.memory_space<vmem>>)
    "tpu.region"() ({
      %run_scoped3A = tpu.sem_alloc : memref<!tpu.dma_semaphore, #tpu.memory_space<semaphore_mem>>
      %dma_start3A_103 = arith.constant 0 : i32
      %dma_start3A_104 = arith.constant 0 : i32
      %dma_start3A_105 = tpu.memref_slice %arg8[%dma_start3A_103, %dma_start3A_104] : memref<10240x128xf32, #tpu.memory_space<vmem_shared>> -> memref<10240x128xf32, #tpu.memory_space<vmem_shared>>
      tpu.enqueue_indirect_dma source(%arg9 : memref<40x128xf32, #tpu.memory_space<vmem>>) target(%dma_start3A_105 : memref<10240x128xf32, #tpu.memory_space<vmem_shared>>) offsets(%arg14 : memref<40xi32, #tpu.memory_space<vmem>>) semaphore(%run_scoped3A : memref<!tpu.dma_semaphore, #tpu.memory_space<semaphore_mem>>) {add = true}
      %dma_wait3A_106 = arith.constant 0 : i32
      %dma_wait3A_107 = arith.constant 0 : i32
      %dma_wait3A_108 = tpu.memref_slice %arg8[%dma_wait3A_106, %dma_wait3A_107] : memref<10240x128xf32, #tpu.memory_space<vmem_shared>> -> memref<10240x128xf32, #tpu.memory_space<vmem_shared>>
      tpu.wait_indirect_dma semaphore(%run_scoped3A : memref<!tpu.dma_semaphore, #tpu.memory_space<semaphore_mem>>) src(%arg9 : memref<40x128xf32, #tpu.memory_space<vmem>>) dst(%dma_wait3A_108 : memref<10240x128xf32, #tpu.memory_space<vmem_shared>>)
      tpu.yield
    }) : () -> ()
    %dma_wait3A_62 = arith.constant 0 : i32
    %dma_wait3A_63 = arith.constant 0 : i32
    %dma_wait3A_64 = tpu.memref_slice %arg2[%dma_wait3A_62, %dma_wait3A_63] : memref<10240x128xf32, #tpu.memory_space<hbm>> -> memref<40x128xf32, #tpu.memory_space<hbm>>
    %dma_wait3A_65 = arith.constant 0 : i32
    %dma_wait3A_66 = arith.constant 0 : i32
    %dma_wait3A_67 = tpu.memref_slice %arg2[%dma_wait3A_65, %dma_wait3A_66] : memref<10240x128xf32, #tpu.memory_space<hbm>> -> memref<40x128xf32, #tpu.memory_space<hbm>>
    tpu.wait_dma2 semaphore(%arg20 : memref<!tpu.dma_semaphore, #tpu.memory_space<semaphore_mem>>) src(%dma_wait3A_67 : memref<40x128xf32, #tpu.memory_space<hbm>>) dst(%arg10 : memref<40x128xf32, #tpu.memory_space<vmem>>)
    %dma_wait3A_68 = arith.constant 0 : i32
    %dma_wait3A_69 = tpu.memref_slice %arg4[%dma_wait3A_68] : memref<320000xi32, #tpu.memory_space<hbm>> -> memref<40xi32, #tpu.memory_space<hbm>>
    %dma_wait3A_70 = arith.constant 0 : i32
    %dma_wait3A_71 = tpu.memref_slice %arg4[%dma_wait3A_70] : memref<320000xi32, #tpu.memory_space<hbm>> -> memref<40xi32, #tpu.memory_space<hbm>>
    tpu.wait_dma2 semaphore(%arg25 : memref<!tpu.dma_semaphore, #tpu.memory_space<semaphore_mem>>) src(%dma_wait3A_71 : memref<40xi32, #tpu.memory_space<hbm>>) dst(%arg15 : memref<40xi32, #tpu.memory_space<vmem>>)
    "tpu.region"() ({
      %run_scoped3A = tpu.sem_alloc : memref<!tpu.dma_semaphore, #tpu.memory_space<semaphore_mem>>
      %dma_start3A_103 = arith.constant 0 : i32
      %dma_start3A_104 = arith.constant 0 : i32
      %dma_start3A_105 = tpu.memref_slice %arg8[%dma_start3A_103, %dma_start3A_104] : memref<10240x128xf32, #tpu.memory_space<vmem_shared>> -> memref<10240x128xf32, #tpu.memory_space<vmem_shared>>
      tpu.enqueue_indirect_dma source(%arg10 : memref<40x128xf32, #tpu.memory_space<vmem>>) target(%dma_start3A_105 : memref<10240x128xf32, #tpu.memory_space<vmem_shared>>) offsets(%arg15 : memref<40xi32, #tpu.memory_space<vmem>>) semaphore(%run_scoped3A : memref<!tpu.dma_semaphore, #tpu.memory_space<semaphore_mem>>) {add = true}
      %dma_wait3A_106 = arith.constant 0 : i32
      %dma_wait3A_107 = arith.constant 0 : i32
      %dma_wait3A_108 = tpu.memref_slice %arg8[%dma_wait3A_106, %dma_wait3A_107] : memref<10240x128xf32, #tpu.memory_space<vmem_shared>> -> memref<10240x128xf32, #tpu.memory_space<vmem_shared>>
      tpu.wait_indirect_dma semaphore(%run_scoped3A : memref<!tpu.dma_semaphore, #tpu.memory_space<semaphore_mem>>) src(%arg10 : memref<40x128xf32, #tpu.memory_space<vmem>>) dst(%dma_wait3A_108 : memref<10240x128xf32, #tpu.memory_space<vmem_shared>>)
      tpu.yield
    }) : () -> ()
    %dma_wait3A_72 = arith.constant 0 : i32
    %dma_wait3A_73 = arith.constant 0 : i32
    %dma_wait3A_74 = tpu.memref_slice %arg2[%dma_wait3A_72, %dma_wait3A_73] : memref<10240x128xf32, #tpu.memory_space<hbm>> -> memref<40x128xf32, #tpu.memory_space<hbm>>
    %dma_wait3A_75 = arith.constant 0 : i32
    %dma_wait3A_76 = arith.constant 0 : i32
    %dma_wait3A_77 = tpu.memref_slice %arg2[%dma_wait3A_75, %dma_wait3A_76] : memref<10240x128xf32, #tpu.memory_space<hbm>> -> memref<40x128xf32, #tpu.memory_space<hbm>>
    tpu.wait_dma2 semaphore(%arg21 : memref<!tpu.dma_semaphore, #tpu.memory_space<semaphore_mem>>) src(%dma_wait3A_77 : memref<40x128xf32, #tpu.memory_space<hbm>>) dst(%arg11 : memref<40x128xf32, #tpu.memory_space<vmem>>)
    %dma_wait3A_78 = arith.constant 0 : i32
    %dma_wait3A_79 = tpu.memref_slice %arg4[%dma_wait3A_78] : memref<320000xi32, #tpu.memory_space<hbm>> -> memref<40xi32, #tpu.memory_space<hbm>>
    %dma_wait3A_80 = arith.constant 0 : i32
    %dma_wait3A_81 = tpu.memref_slice %arg4[%dma_wait3A_80] : memref<320000xi32, #tpu.memory_space<hbm>> -> memref<40xi32, #tpu.memory_space<hbm>>
    tpu.wait_dma2 semaphore(%arg26 : memref<!tpu.dma_semaphore, #tpu.memory_space<semaphore_mem>>) src(%dma_wait3A_81 : memref<40xi32, #tpu.memory_space<hbm>>) dst(%arg16 : memref<40xi32, #tpu.memory_space<vmem>>)
    "tpu.region"() ({
      %run_scoped3A = tpu.sem_alloc : memref<!tpu.dma_semaphore, #tpu.memory_space<semaphore_mem>>
      %dma_start3A_103 = arith.constant 0 : i32
      %dma_start3A_104 = arith.constant 0 : i32
      %dma_start3A_105 = tpu.memref_slice %arg8[%dma_start3A_103, %dma_start3A_104] : memref<10240x128xf32, #tpu.memory_space<vmem_shared>> -> memref<10240x128xf32, #tpu.memory_space<vmem_shared>>
      tpu.enqueue_indirect_dma source(%arg11 : memref<40x128xf32, #tpu.memory_space<vmem>>) target(%dma_start3A_105 : memref<10240x128xf32, #tpu.memory_space<vmem_shared>>) offsets(%arg16 : memref<40xi32, #tpu.memory_space<vmem>>) semaphore(%run_scoped3A : memref<!tpu.dma_semaphore, #tpu.memory_space<semaphore_mem>>) {add = true}
      %dma_wait3A_106 = arith.constant 0 : i32
      %dma_wait3A_107 = arith.constant 0 : i32
      %dma_wait3A_108 = tpu.memref_slice %arg8[%dma_wait3A_106, %dma_wait3A_107] : memref<10240x128xf32, #tpu.memory_space<vmem_shared>> -> memref<10240x128xf32, #tpu.memory_space<vmem_shared>>
      tpu.wait_indirect_dma semaphore(%run_scoped3A : memref<!tpu.dma_semaphore, #tpu.memory_space<semaphore_mem>>) src(%arg11 : memref<40x128xf32, #tpu.memory_space<vmem>>) dst(%dma_wait3A_108 : memref<10240x128xf32, #tpu.memory_space<vmem_shared>>)
      tpu.yield
    }) : () -> ()
    %dma_wait3A_82 = arith.constant 0 : i32
    %dma_wait3A_83 = arith.constant 0 : i32
    %dma_wait3A_84 = tpu.memref_slice %arg2[%dma_wait3A_82, %dma_wait3A_83] : memref<10240x128xf32, #tpu.memory_space<hbm>> -> memref<40x128xf32, #tpu.memory_space<hbm>>
    %dma_wait3A_85 = arith.constant 0 : i32
    %dma_wait3A_86 = arith.constant 0 : i32
    %dma_wait3A_87 = tpu.memref_slice %arg2[%dma_wait3A_85, %dma_wait3A_86] : memref<10240x128xf32, #tpu.memory_space<hbm>> -> memref<40x128xf32, #tpu.memory_space<hbm>>
    tpu.wait_dma2 semaphore(%arg22 : memref<!tpu.dma_semaphore, #tpu.memory_space<semaphore_mem>>) src(%dma_wait3A_87 : memref<40x128xf32, #tpu.memory_space<hbm>>) dst(%arg12 : memref<40x128xf32, #tpu.memory_space<vmem>>)
    %dma_wait3A_88 = arith.constant 0 : i32
    %dma_wait3A_89 = tpu.memref_slice %arg4[%dma_wait3A_88] : memref<320000xi32, #tpu.memory_space<hbm>> -> memref<40xi32, #tpu.memory_space<hbm>>
    %dma_wait3A_90 = arith.constant 0 : i32
    %dma_wait3A_91 = tpu.memref_slice %arg4[%dma_wait3A_90] : memref<320000xi32, #tpu.memory_space<hbm>> -> memref<40xi32, #tpu.memory_space<hbm>>
    tpu.wait_dma2 semaphore(%arg27 : memref<!tpu.dma_semaphore, #tpu.memory_space<semaphore_mem>>) src(%dma_wait3A_91 : memref<40xi32, #tpu.memory_space<hbm>>) dst(%arg17 : memref<40xi32, #tpu.memory_space<vmem>>)
    "tpu.region"() ({
      %run_scoped3A = tpu.sem_alloc : memref<!tpu.dma_semaphore, #tpu.memory_space<semaphore_mem>>
      %dma_start3A_103 = arith.constant 0 : i32
      %dma_start3A_104 = arith.constant 0 : i32
      %dma_start3A_105 = tpu.memref_slice %arg8[%dma_start3A_103, %dma_start3A_104] : memref<10240x128xf32, #tpu.memory_space<vmem_shared>> -> memref<10240x128xf32, #tpu.memory_space<vmem_shared>>
      tpu.enqueue_indirect_dma source(%arg12 : memref<40x128xf32, #tpu.memory_space<vmem>>) target(%dma_start3A_105 : memref<10240x128xf32, #tpu.memory_space<vmem_shared>>) offsets(%arg17 : memref<40xi32, #tpu.memory_space<vmem>>) semaphore(%run_scoped3A : memref<!tpu.dma_semaphore, #tpu.memory_space<semaphore_mem>>) {add = true}
      %dma_wait3A_106 = arith.constant 0 : i32
      %dma_wait3A_107 = arith.constant 0 : i32
      %dma_wait3A_108 = tpu.memref_slice %arg8[%dma_wait3A_106, %dma_wait3A_107] : memref<10240x128xf32, #tpu.memory_space<vmem_shared>> -> memref<10240x128xf32, #tpu.memory_space<vmem_shared>>
      tpu.wait_indirect_dma semaphore(%run_scoped3A : memref<!tpu.dma_semaphore, #tpu.memory_space<semaphore_mem>>) src(%arg12 : memref<40x128xf32, #tpu.memory_space<vmem>>) dst(%dma_wait3A_108 : memref<10240x128xf32, #tpu.memory_space<vmem_shared>>)
      tpu.yield
    }) : () -> ()
    %dma_wait3A_92 = arith.constant 0 : i32
    %dma_wait3A_93 = arith.constant 0 : i32
    %dma_wait3A_94 = tpu.memref_slice %arg2[%dma_wait3A_92, %dma_wait3A_93] : memref<10240x128xf32, #tpu.memory_space<hbm>> -> memref<40x128xf32, #tpu.memory_space<hbm>>
    %dma_wait3A_95 = arith.constant 0 : i32
    %dma_wait3A_96 = arith.constant 0 : i32
    %dma_wait3A_97 = tpu.memref_slice %arg2[%dma_wait3A_95, %dma_wait3A_96] : memref<10240x128xf32, #tpu.memory_space<hbm>> -> memref<40x128xf32, #tpu.memory_space<hbm>>
    tpu.wait_dma2 semaphore(%arg23 : memref<!tpu.dma_semaphore, #tpu.memory_space<semaphore_mem>>) src(%dma_wait3A_97 : memref<40x128xf32, #tpu.memory_space<hbm>>) dst(%arg13 : memref<40x128xf32, #tpu.memory_space<vmem>>)
    %dma_wait3A_98 = arith.constant 0 : i32
    %dma_wait3A_99 = tpu.memref_slice %arg4[%dma_wait3A_98] : memref<320000xi32, #tpu.memory_space<hbm>> -> memref<40xi32, #tpu.memory_space<hbm>>
    %dma_wait3A_100 = arith.constant 0 : i32
    %dma_wait3A_101 = tpu.memref_slice %arg4[%dma_wait3A_100] : memref<320000xi32, #tpu.memory_space<hbm>> -> memref<40xi32, #tpu.memory_space<hbm>>
    tpu.wait_dma2 semaphore(%arg28 : memref<!tpu.dma_semaphore, #tpu.memory_space<semaphore_mem>>) src(%dma_wait3A_101 : memref<40xi32, #tpu.memory_space<hbm>>) dst(%arg18 : memref<40xi32, #tpu.memory_space<vmem>>)
    "tpu.region"() ({
      %run_scoped3A = tpu.sem_alloc : memref<!tpu.dma_semaphore, #tpu.memory_space<semaphore_mem>>
      %dma_start3A_103 = arith.constant 0 : i32
      %dma_start3A_104 = arith.constant 0 : i32
      %dma_start3A_105 = tpu.memref_slice %arg8[%dma_start3A_103, %dma_start3A_104] : memref<10240x128xf32, #tpu.memory_space<vmem_shared>> -> memref<10240x128xf32, #tpu.memory_space<vmem_shared>>
      tpu.enqueue_indirect_dma source(%arg13 : memref<40x128xf32, #tpu.memory_space<vmem>>) target(%dma_start3A_105 : memref<10240x128xf32, #tpu.memory_space<vmem_shared>>) offsets(%arg18 : memref<40xi32, #tpu.memory_space<vmem>>) semaphore(%run_scoped3A : memref<!tpu.dma_semaphore, #tpu.memory_space<semaphore_mem>>) {add = true}
      %dma_wait3A_106 = arith.constant 0 : i32
      %dma_wait3A_107 = arith.constant 0 : i32
      %dma_wait3A_108 = tpu.memref_slice %arg8[%dma_wait3A_106, %dma_wait3A_107] : memref<10240x128xf32, #tpu.memory_space<vmem_shared>> -> memref<10240x128xf32, #tpu.memory_space<vmem_shared>>
      tpu.wait_indirect_dma semaphore(%run_scoped3A : memref<!tpu.dma_semaphore, #tpu.memory_space<semaphore_mem>>) src(%arg13 : memref<40x128xf32, #tpu.memory_space<vmem>>) dst(%dma_wait3A_108 : memref<10240x128xf32, #tpu.memory_space<vmem_shared>>)
      tpu.yield
    }) : () -> ()
    %barrier3A_102 = arith.constant 0 : index
    tpu.barrier barrier_id(%barrier3A_102)
    "tpu.region"() ({
      %run_scoped3A = tpu.sem_alloc : memref<!tpu.dma_semaphore, #tpu.memory_space<semaphore_mem>>
      %dma_start3A_103 = arith.constant 0 : i32
      %dma_start3A_104 = tpu.memref_slice %arg6[%arg0, %mul3A_2, %dma_start3A_103] : memref<2x10240x128xf32, #tpu.memory_space<hbm>> -> memref<1x640x128xf32, #tpu.memory_space<hbm>>
      %dma_start3A_105 = tpu.memref_squeeze %dma_start3A_104 : memref<1x640x128xf32, #tpu.memory_space<hbm>> -> memref<640x128xf32, #tpu.memory_space<hbm>>
      %dma_start3A_106 = arith.constant 0 : i32
      %dma_start3A_107 = tpu.memref_slice %arg8[%mul3A_2, %dma_start3A_106] : memref<10240x128xf32, #tpu.memory_space<vmem_shared>> -> memref<640x128xf32, #tpu.memory_space<vmem_shared>>
      tpu.enqueue_dma source(%dma_start3A_107 : memref<640x128xf32, #tpu.memory_space<vmem_shared>>) target(%dma_start3A_105 : memref<640x128xf32, #tpu.memory_space<hbm>>) target_semaphore(%run_scoped3A : memref<!tpu.dma_semaphore, #tpu.memory_space<semaphore_mem>>)
      %dma_wait3A_108 = arith.constant 0 : i32
      %dma_wait3A_109 = tpu.memref_slice %arg6[%arg0, %mul3A_2, %dma_wait3A_108] : memref<2x10240x128xf32, #tpu.memory_space<hbm>> -> memref<1x640x128xf32, #tpu.memory_space<hbm>>
      %dma_wait3A_110 = tpu.memref_squeeze %dma_wait3A_109 : memref<1x640x128xf32, #tpu.memory_space<hbm>> -> memref<640x128xf32, #tpu.memory_space<hbm>>
      %dma_wait3A_111 = arith.constant 0 : i32
      %dma_wait3A_112 = tpu.memref_slice %arg8[%mul3A_2, %dma_wait3A_111] : memref<10240x128xf32, #tpu.memory_space<vmem_shared>> -> memref<640x128xf32, #tpu.memory_space<vmem_shared>>
      tpu.wait_dma2 semaphore(%run_scoped3A : memref<!tpu.dma_semaphore, #tpu.memory_space<semaphore_mem>>) src(%dma_wait3A_112 : memref<640x128xf32, #tpu.memory_space<vmem_shared>>) dst(%dma_wait3A_110 : memref<640x128xf32, #tpu.memory_space<hbm>>)
      tpu.yield
    }) : () -> ()
    return
  }
}

#map = affine_map<(d0, d1) -> (0, 0)>
#map1 = affine_map<(d0, d1) -> (0)>
#map2 = affine_map<(d0, d1) -> (0, 0, 0)>
module attributes {stable_mosaic.version = 14 : i64} {
  func.func @_agg_kernel(%arg0: i32, %arg1: i32, %arg2: memref<10240x128xf32, #tpu.memory_space<hbm>>, %arg3: memref<320000xi32, #tpu.memory_space<hbm>>, %arg4: memref<320000xi32, #tpu.memory_space<hbm>>, %arg5: memref<10240x128xf32, #tpu.memory_space<hbm>>, %arg6: memref<2x10240x128xf32, #tpu.memory_space<hbm>>, %arg7: memref<10000xi32, #tpu.memory_space<vmem>>, %arg8: memref<10240x128xf32, #tpu.memory_space<vmem_shared>>, %arg9: memref<40x128xf32, #tpu.memory_space<vmem>>, %arg10: memref<40x128xf32, #tpu.memory_space<vmem>>, %arg11: memref<40x128xf32, #tpu.memory_space<vmem>>, %arg12: memref<40x128xf32, #tpu.memory_space<vmem>>, %arg13: memref<40x128xf32, #tpu.memory_space<vmem>>, %arg14: memref<40xi32, #tpu.memory_space<vmem>>, %arg15: memref<40xi32, #tpu.memory_space<vmem>>, %arg16: memref<40xi32, #tpu.memory_space<vmem>>, %arg17: memref<40xi32, #tpu.memory_space<vmem>>, %arg18: memref<40xi32, #tpu.memory_space<vmem>>, %arg19: memref<!tpu.dma_semaphore, #tpu.memory_space<semaphore_mem>>, %arg20: memref<!tpu.dma_semaphore, #tpu.memory_space<semaphore_mem>>, %arg21: memref<!tpu.dma_semaphore, #tpu.memory_space<semaphore_mem>>, %arg22: memref<!tpu.dma_semaphore, #tpu.memory_space<semaphore_mem>>, %arg23: memref<!tpu.dma_semaphore, #tpu.memory_space<semaphore_mem>>, %arg24: memref<!tpu.dma_semaphore, #tpu.memory_space<semaphore_mem>>, %arg25: memref<!tpu.dma_semaphore, #tpu.memory_space<semaphore_mem>>, %arg26: memref<!tpu.dma_semaphore, #tpu.memory_space<semaphore_mem>>, %arg27: memref<!tpu.dma_semaphore, #tpu.memory_space<semaphore_mem>>, %arg28: memref<!tpu.dma_semaphore, #tpu.memory_space<semaphore_mem>>) attributes {dimension_semantics = [#tpu.dimension_semantics<core_parallel>, #tpu.dimension_semantics<subcore_parallel>], iteration_bounds = array<i64: 2, 16>, scalar_prefetch = 0 : i64, scratch_operands = 22 : i64, tpu.core_type = #tpu.core_type<sc_vector_subcore>, window_params = [{transform_indices = #map}, {transform_indices = #map1}, {transform_indices = #map1}, {transform_indices = #map}, {transform_indices = #map2}]} {
    %mul3A = arith.constant 2 : i32
    %mul3A_0 = arith.muli %arg1, %mul3A : i32
    %add3A = arith.addi %mul3A_0, %arg0 : i32
    %mul3A_1 = arith.constant 640 : i32
    %mul3A_2 = arith.muli %arg1, %mul3A_1 : i32
    %mul3A_3 = arith.constant 10000 : i32
    %mul3A_4 = arith.muli %add3A, %mul3A_3 : i32
    "tpu.region"() ({
      %run_scoped3A = tpu.sem_alloc : memref<!tpu.dma_semaphore, #tpu.memory_space<semaphore_mem>>
      %dma_start3A_103 = tpu.memref_slice %arg3[%mul3A_4] : memref<320000xi32, #tpu.memory_space<hbm>> -> memref<10000xi32, #tpu.memory_space<hbm>>
      %dma_start3A_104 = tpu.memref_slice %arg3[%mul3A_4] : memref<320000xi32, #tpu.memory_space<hbm>> -> memref<10000xi32, #tpu.memory_space<hbm>>
      tpu.enqueue_dma source(%dma_start3A_104 : memref<10000xi32, #tpu.memory_space<hbm>>) target(%arg7 : memref<10000xi32, #tpu.memory_space<vmem>>) target_semaphore(%run_scoped3A : memref<!tpu.dma_semaphore, #tpu.memory_space<semaphore_mem>>)
      %dma_wait3A_105 = tpu.memref_slice %arg3[%mul3A_4] : memref<320000xi32, #tpu.memory_space<hbm>> -> memref<10000xi32, #tpu.memory_space<hbm>>
      %dma_wait3A_106 = tpu.memref_slice %arg3[%mul3A_4] : memref<320000xi32, #tpu.memory_space<hbm>> -> memref<10000xi32, #tpu.memory_space<hbm>>
      tpu.wait_dma2 semaphore(%run_scoped3A : memref<!tpu.dma_semaphore, #tpu.memory_space<semaphore_mem>>) src(%dma_wait3A_106 : memref<10000xi32, #tpu.memory_space<hbm>>) dst(%arg7 : memref<10000xi32, #tpu.memory_space<vmem>>)
      tpu.yield
    }) : () -> ()
    "tpu.region"() ({
      %run_scoped3A = tpu.sem_alloc : memref<!tpu.dma_semaphore, #tpu.memory_space<semaphore_mem>>
      %dma_start3A_103 = arith.constant 0 : i32
      %dma_start3A_104 = tpu.memref_slice %arg8[%mul3A_2, %dma_start3A_103] : memref<10240x128xf32, #tpu.memory_space<vmem_shared>> -> memref<640x128xf32, #tpu.memory_space<vmem_shared>>
      %dma_start3A_105 = arith.constant 0 : i32
      %dma_start3A_106 = tpu.memref_slice %arg5[%mul3A_2, %dma_start3A_105] : memref<10240x128xf32, #tpu.memory_space<hbm>> -> memref<640x128xf32, #tpu.memory_space<hbm>>
      tpu.enqueue_dma source(%dma_start3A_106 : memref<640x128xf32, #tpu.memory_space<hbm>>) target(%dma_start3A_104 : memref<640x128xf32, #tpu.memory_space<vmem_shared>>) target_semaphore(%run_scoped3A : memref<!tpu.dma_semaphore, #tpu.memory_space<semaphore_mem>>)
      %dma_wait3A_107 = arith.constant 0 : i32
      %dma_wait3A_108 = tpu.memref_slice %arg8[%mul3A_2, %dma_wait3A_107] : memref<10240x128xf32, #tpu.memory_space<vmem_shared>> -> memref<640x128xf32, #tpu.memory_space<vmem_shared>>
      %dma_wait3A_109 = arith.constant 0 : i32
      %dma_wait3A_110 = tpu.memref_slice %arg5[%mul3A_2, %dma_wait3A_109] : memref<10240x128xf32, #tpu.memory_space<hbm>> -> memref<640x128xf32, #tpu.memory_space<hbm>>
      tpu.wait_dma2 semaphore(%run_scoped3A : memref<!tpu.dma_semaphore, #tpu.memory_space<semaphore_mem>>) src(%dma_wait3A_110 : memref<640x128xf32, #tpu.memory_space<hbm>>) dst(%dma_wait3A_108 : memref<640x128xf32, #tpu.memory_space<vmem_shared>>)
      tpu.yield
    }) : () -> ()
    %add3A_5 = arith.constant 0 : i32
    %add3A_6 = arith.addi %mul3A_4, %add3A_5 : i32
    %dma_start3A = tpu.memref_slice %arg4[%add3A_6] : memref<320000xi32, #tpu.memory_space<hbm>> -> memref<40xi32, #tpu.memory_space<hbm>>
    %dma_start3A_7 = tpu.memref_slice %arg4[%add3A_6] : memref<320000xi32, #tpu.memory_space<hbm>> -> memref<40xi32, #tpu.memory_space<hbm>>
    tpu.enqueue_dma source(%dma_start3A_7 : memref<40xi32, #tpu.memory_space<hbm>>) target(%arg14 : memref<40xi32, #tpu.memory_space<vmem>>) target_semaphore(%arg24 : memref<!tpu.dma_semaphore, #tpu.memory_space<semaphore_mem>>)
    %dma_start3A_8 = arith.constant 0 : i32
    %dma_start3A_9 = tpu.memref_slice %arg7[%dma_start3A_8] : memref<10000xi32, #tpu.memory_space<vmem>> -> memref<40xi32, #tpu.memory_space<vmem>>
    %dma_start3A_10 = arith.constant 0 : i32
    %dma_start3A_11 = arith.constant 0 : i32
    %dma_start3A_12 = tpu.memref_slice %arg2[%dma_start3A_10, %dma_start3A_11] : memref<10240x128xf32, #tpu.memory_space<hbm>> -> memref<10240x128xf32, #tpu.memory_space<hbm>>
    tpu.enqueue_indirect_dma source(%dma_start3A_12 : memref<10240x128xf32, #tpu.memory_space<hbm>>) target(%arg9 : memref<40x128xf32, #tpu.memory_space<vmem>>) offsets(%dma_start3A_9 : memref<40xi32, #tpu.memory_space<vmem>>) semaphore(%arg19 : memref<!tpu.dma_semaphore, #tpu.memory_space<semaphore_mem>>)
    %add3A_13 = arith.constant 40 : i32
    %add3A_14 = arith.addi %mul3A_4, %add3A_13 : i32
    %dma_start3A_15 = tpu.memref_slice %arg4[%add3A_14] : memref<320000xi32, #tpu.memory_space<hbm>> -> memref<40xi32, #tpu.memory_space<hbm>>
    %dma_start3A_16 = tpu.memref_slice %arg4[%add3A_14] : memref<320000xi32, #tpu.memory_space<hbm>> -> memref<40xi32, #tpu.memory_space<hbm>>
    tpu.enqueue_dma source(%dma_start3A_16 : memref<40xi32, #tpu.memory_space<hbm>>) target(%arg15 : memref<40xi32, #tpu.memory_space<vmem>>) target_semaphore(%arg25 : memref<!tpu.dma_semaphore, #tpu.memory_space<semaphore_mem>>)
    %dma_start3A_17 = arith.constant 40 : i32
    %dma_start3A_18 = tpu.memref_slice %arg7[%dma_start3A_17] : memref<10000xi32, #tpu.memory_space<vmem>> -> memref<40xi32, #tpu.memory_space<vmem>>
    %dma_start3A_19 = arith.constant 0 : i32
    %dma_start3A_20 = arith.constant 0 : i32
    %dma_start3A_21 = tpu.memref_slice %arg2[%dma_start3A_19, %dma_start3A_20] : memref<10240x128xf32, #tpu.memory_space<hbm>> -> memref<10240x128xf32, #tpu.memory_space<hbm>>
    tpu.enqueue_indirect_dma source(%dma_start3A_21 : memref<10240x128xf32, #tpu.memory_space<hbm>>) target(%arg10 : memref<40x128xf32, #tpu.memory_space<vmem>>) offsets(%dma_start3A_18 : memref<40xi32, #tpu.memory_space<vmem>>) semaphore(%arg20 : memref<!tpu.dma_semaphore, #tpu.memory_space<semaphore_mem>>)
    %add3A_22 = arith.constant 80 : i32
    %add3A_23 = arith.addi %mul3A_4, %add3A_22 : i32
    %dma_start3A_24 = tpu.memref_slice %arg4[%add3A_23] : memref<320000xi32, #tpu.memory_space<hbm>> -> memref<40xi32, #tpu.memory_space<hbm>>
    %dma_start3A_25 = tpu.memref_slice %arg4[%add3A_23] : memref<320000xi32, #tpu.memory_space<hbm>> -> memref<40xi32, #tpu.memory_space<hbm>>
    tpu.enqueue_dma source(%dma_start3A_25 : memref<40xi32, #tpu.memory_space<hbm>>) target(%arg16 : memref<40xi32, #tpu.memory_space<vmem>>) target_semaphore(%arg26 : memref<!tpu.dma_semaphore, #tpu.memory_space<semaphore_mem>>)
    %dma_start3A_26 = arith.constant 80 : i32
    %dma_start3A_27 = tpu.memref_slice %arg7[%dma_start3A_26] : memref<10000xi32, #tpu.memory_space<vmem>> -> memref<40xi32, #tpu.memory_space<vmem>>
    %dma_start3A_28 = arith.constant 0 : i32
    %dma_start3A_29 = arith.constant 0 : i32
    %dma_start3A_30 = tpu.memref_slice %arg2[%dma_start3A_28, %dma_start3A_29] : memref<10240x128xf32, #tpu.memory_space<hbm>> -> memref<10240x128xf32, #tpu.memory_space<hbm>>
    tpu.enqueue_indirect_dma source(%dma_start3A_30 : memref<10240x128xf32, #tpu.memory_space<hbm>>) target(%arg11 : memref<40x128xf32, #tpu.memory_space<vmem>>) offsets(%dma_start3A_27 : memref<40xi32, #tpu.memory_space<vmem>>) semaphore(%arg21 : memref<!tpu.dma_semaphore, #tpu.memory_space<semaphore_mem>>)
    %add3A_31 = arith.constant 120 : i32
    %add3A_32 = arith.addi %mul3A_4, %add3A_31 : i32
    %dma_start3A_33 = tpu.memref_slice %arg4[%add3A_32] : memref<320000xi32, #tpu.memory_space<hbm>> -> memref<40xi32, #tpu.memory_space<hbm>>
    %dma_start3A_34 = tpu.memref_slice %arg4[%add3A_32] : memref<320000xi32, #tpu.memory_space<hbm>> -> memref<40xi32, #tpu.memory_space<hbm>>
    tpu.enqueue_dma source(%dma_start3A_34 : memref<40xi32, #tpu.memory_space<hbm>>) target(%arg17 : memref<40xi32, #tpu.memory_space<vmem>>) target_semaphore(%arg27 : memref<!tpu.dma_semaphore, #tpu.memory_space<semaphore_mem>>)
    %dma_start3A_35 = arith.constant 120 : i32
    %dma_start3A_36 = tpu.memref_slice %arg7[%dma_start3A_35] : memref<10000xi32, #tpu.memory_space<vmem>> -> memref<40xi32, #tpu.memory_space<vmem>>
    %dma_start3A_37 = arith.constant 0 : i32
    %dma_start3A_38 = arith.constant 0 : i32
    %dma_start3A_39 = tpu.memref_slice %arg2[%dma_start3A_37, %dma_start3A_38] : memref<10240x128xf32, #tpu.memory_space<hbm>> -> memref<10240x128xf32, #tpu.memory_space<hbm>>
    tpu.enqueue_indirect_dma source(%dma_start3A_39 : memref<10240x128xf32, #tpu.memory_space<hbm>>) target(%arg12 : memref<40x128xf32, #tpu.memory_space<vmem>>) offsets(%dma_start3A_36 : memref<40xi32, #tpu.memory_space<vmem>>) semaphore(%arg22 : memref<!tpu.dma_semaphore, #tpu.memory_space<semaphore_mem>>)
    %add3A_40 = arith.constant 160 : i32
    %add3A_41 = arith.addi %mul3A_4, %add3A_40 : i32
    %dma_start3A_42 = tpu.memref_slice %arg4[%add3A_41] : memref<320000xi32, #tpu.memory_space<hbm>> -> memref<40xi32, #tpu.memory_space<hbm>>
    %dma_start3A_43 = tpu.memref_slice %arg4[%add3A_41] : memref<320000xi32, #tpu.memory_space<hbm>> -> memref<40xi32, #tpu.memory_space<hbm>>
    tpu.enqueue_dma source(%dma_start3A_43 : memref<40xi32, #tpu.memory_space<hbm>>) target(%arg18 : memref<40xi32, #tpu.memory_space<vmem>>) target_semaphore(%arg28 : memref<!tpu.dma_semaphore, #tpu.memory_space<semaphore_mem>>)
    %dma_start3A_44 = arith.constant 160 : i32
    %dma_start3A_45 = tpu.memref_slice %arg7[%dma_start3A_44] : memref<10000xi32, #tpu.memory_space<vmem>> -> memref<40xi32, #tpu.memory_space<vmem>>
    %dma_start3A_46 = arith.constant 0 : i32
    %dma_start3A_47 = arith.constant 0 : i32
    %dma_start3A_48 = tpu.memref_slice %arg2[%dma_start3A_46, %dma_start3A_47] : memref<10240x128xf32, #tpu.memory_space<hbm>> -> memref<10240x128xf32, #tpu.memory_space<hbm>>
    tpu.enqueue_indirect_dma source(%dma_start3A_48 : memref<10240x128xf32, #tpu.memory_space<hbm>>) target(%arg13 : memref<40x128xf32, #tpu.memory_space<vmem>>) offsets(%dma_start3A_45 : memref<40xi32, #tpu.memory_space<vmem>>) semaphore(%arg23 : memref<!tpu.dma_semaphore, #tpu.memory_space<semaphore_mem>>)
    %barrier3A = arith.constant 0 : index
    tpu.barrier barrier_id(%barrier3A)
    %scan3A = arith.constant 0 : i32
    %scan3A_49 = arith.constant 49 : i32
    %scan3A_50 = arith.addi %scan3A, %scan3A_49 : i32
    %scan3A_51 = arith.constant 1 : i32
    scf.for %scan3A_103 = %scan3A to %scan3A_50 step %scan3A_51  : i32 {
      %mul3A_104 = arith.constant 1 : i32
      %mul3A_105 = arith.muli %scan3A_103, %mul3A_104 : i32
      %add3A_106 = arith.constant 0 : i32
      %add3A_107 = arith.addi %add3A_106, %mul3A_105 : i32
      %mul3A_108 = arith.constant 5 : i32
      %mul3A_109 = arith.muli %add3A_107, %mul3A_108 : i32
      %dma_wait3A_110 = arith.constant 0 : i32
      %dma_wait3A_111 = arith.constant 0 : i32
      %dma_wait3A_112 = tpu.memref_slice %arg2[%dma_wait3A_110, %dma_wait3A_111] : memref<10240x128xf32, #tpu.memory_space<hbm>> -> memref<40x128xf32, #tpu.memory_space<hbm>>
      %dma_wait3A_113 = arith.constant 0 : i32
      %dma_wait3A_114 = arith.constant 0 : i32
      %dma_wait3A_115 = tpu.memref_slice %arg2[%dma_wait3A_113, %dma_wait3A_114] : memref<10240x128xf32, #tpu.memory_space<hbm>> -> memref<40x128xf32, #tpu.memory_space<hbm>>
      tpu.wait_dma2 semaphore(%arg19 : memref<!tpu.dma_semaphore, #tpu.memory_space<semaphore_mem>>) src(%dma_wait3A_115 : memref<40x128xf32, #tpu.memory_space<hbm>>) dst(%arg9 : memref<40x128xf32, #tpu.memory_space<vmem>>)
      %dma_wait3A_116 = arith.constant 0 : i32
      %dma_wait3A_117 = tpu.memref_slice %arg4[%dma_wait3A_116] : memref<320000xi32, #tpu.memory_space<hbm>> -> memref<40xi32, #tpu.memory_space<hbm>>
      %dma_wait3A_118 = arith.constant 0 : i32
      %dma_wait3A_119 = tpu.memref_slice %arg4[%dma_wait3A_118] : memref<320000xi32, #tpu.memory_space<hbm>> -> memref<40xi32, #tpu.memory_space<hbm>>
      tpu.wait_dma2 semaphore(%arg24 : memref<!tpu.dma_semaphore, #tpu.memory_space<semaphore_mem>>) src(%dma_wait3A_119 : memref<40xi32, #tpu.memory_space<hbm>>) dst(%arg14 : memref<40xi32, #tpu.memory_space<vmem>>)
      "tpu.region"() ({
        %run_scoped3A = tpu.sem_alloc : memref<!tpu.dma_semaphore, #tpu.memory_space<semaphore_mem>>
        %dma_start3A_225 = arith.constant 0 : i32
        %dma_start3A_226 = arith.constant 0 : i32
        %dma_start3A_227 = tpu.memref_slice %arg8[%dma_start3A_225, %dma_start3A_226] : memref<10240x128xf32, #tpu.memory_space<vmem_shared>> -> memref<10240x128xf32, #tpu.memory_space<vmem_shared>>
        tpu.enqueue_indirect_dma source(%arg9 : memref<40x128xf32, #tpu.memory_space<vmem>>) target(%dma_start3A_227 : memref<10240x128xf32, #tpu.memory_space<vmem_shared>>) offsets(%arg14 : memref<40xi32, #tpu.memory_space<vmem>>) semaphore(%run_scoped3A : memref<!tpu.dma_semaphore, #tpu.memory_space<semaphore_mem>>) {add = true}
        %dma_wait3A_228 = arith.constant 0 : i32
        %dma_wait3A_229 = arith.constant 0 : i32
        %dma_wait3A_230 = tpu.memref_slice %arg8[%dma_wait3A_228, %dma_wait3A_229] : memref<10240x128xf32, #tpu.memory_space<vmem_shared>> -> memref<10240x128xf32, #tpu.memory_space<vmem_shared>>
        tpu.wait_indirect_dma semaphore(%run_scoped3A : memref<!tpu.dma_semaphore, #tpu.memory_space<semaphore_mem>>) src(%arg9 : memref<40x128xf32, #tpu.memory_space<vmem>>) dst(%dma_wait3A_230 : memref<10240x128xf32, #tpu.memory_space<vmem_shared>>)
        tpu.yield
      }) : () -> ()
      %add3A_120 = arith.constant 0 : i32
      %add3A_121 = arith.addi %mul3A_109, %add3A_120 : i32
      %add3A_122 = arith.constant 5 : i32
      %add3A_123 = arith.addi %add3A_121, %add3A_122 : i32
      %mul3A_124 = arith.constant 40 : i32
      %mul3A_125 = arith.muli %add3A_123, %mul3A_124 : i32
      %add3A_126 = arith.addi %mul3A_4, %mul3A_125 : i32
      %dma_start3A_127 = tpu.memref_slice %arg4[%add3A_126] : memref<320000xi32, #tpu.memory_space<hbm>> -> memref<40xi32, #tpu.memory_space<hbm>>
      %dma_start3A_128 = tpu.memref_slice %arg4[%add3A_126] : memref<320000xi32, #tpu.memory_space<hbm>> -> memref<40xi32, #tpu.memory_space<hbm>>
      tpu.enqueue_dma source(%dma_start3A_128 : memref<40xi32, #tpu.memory_space<hbm>>) target(%arg14 : memref<40xi32, #tpu.memory_space<vmem>>) target_semaphore(%arg24 : memref<!tpu.dma_semaphore, #tpu.memory_space<semaphore_mem>>)
      %dma_start3A_129 = tpu.memref_slice %arg7[%mul3A_125] : memref<10000xi32, #tpu.memory_space<vmem>> -> memref<40xi32, #tpu.memory_space<vmem>>
      %dma_start3A_130 = arith.constant 0 : i32
      %dma_start3A_131 = arith.constant 0 : i32
      %dma_start3A_132 = tpu.memref_slice %arg2[%dma_start3A_130, %dma_start3A_131] : memref<10240x128xf32, #tpu.memory_space<hbm>> -> memref<10240x128xf32, #tpu.memory_space<hbm>>
      tpu.enqueue_indirect_dma source(%dma_start3A_132 : memref<10240x128xf32, #tpu.memory_space<hbm>>) target(%arg9 : memref<40x128xf32, #tpu.memory_space<vmem>>) offsets(%dma_start3A_129 : memref<40xi32, #tpu.memory_space<vmem>>) semaphore(%arg19 : memref<!tpu.dma_semaphore, #tpu.memory_space<semaphore_mem>>)
      %dma_wait3A_133 = arith.constant 0 : i32
      %dma_wait3A_134 = arith.constant 0 : i32
      %dma_wait3A_135 = tpu.memref_slice %arg2[%dma_wait3A_133, %dma_wait3A_134] : memref<10240x128xf32, #tpu.memory_space<hbm>> -> memref<40x128xf32, #tpu.memory_space<hbm>>
      %dma_wait3A_136 = arith.constant 0 : i32
      %dma_wait3A_137 = arith.constant 0 : i32
      %dma_wait3A_138 = tpu.memref_slice %arg2[%dma_wait3A_136, %dma_wait3A_137] : memref<10240x128xf32, #tpu.memory_space<hbm>> -> memref<40x128xf32, #tpu.memory_space<hbm>>
      tpu.wait_dma2 semaphore(%arg20 : memref<!tpu.dma_semaphore, #tpu.memory_space<semaphore_mem>>) src(%dma_wait3A_138 : memref<40x128xf32, #tpu.memory_space<hbm>>) dst(%arg10 : memref<40x128xf32, #tpu.memory_space<vmem>>)
      %dma_wait3A_139 = arith.constant 0 : i32
      %dma_wait3A_140 = tpu.memref_slice %arg4[%dma_wait3A_139] : memref<320000xi32, #tpu.memory_space<hbm>> -> memref<40xi32, #tpu.memory_space<hbm>>
      %dma_wait3A_141 = arith.constant 0 : i32
      %dma_wait3A_142 = tpu.memref_slice %arg4[%dma_wait3A_141] : memref<320000xi32, #tpu.memory_space<hbm>> -> memref<40xi32, #tpu.memory_space<hbm>>
      tpu.wait_dma2 semaphore(%arg25 : memref<!tpu.dma_semaphore, #tpu.memory_space<semaphore_mem>>) src(%dma_wait3A_142 : memref<40xi32, #tpu.memory_space<hbm>>) dst(%arg15 : memref<40xi32, #tpu.memory_space<vmem>>)
      "tpu.region"() ({
        %run_scoped3A = tpu.sem_alloc : memref<!tpu.dma_semaphore, #tpu.memory_space<semaphore_mem>>
        %dma_start3A_225 = arith.constant 0 : i32
        %dma_start3A_226 = arith.constant 0 : i32
        %dma_start3A_227 = tpu.memref_slice %arg8[%dma_start3A_225, %dma_start3A_226] : memref<10240x128xf32, #tpu.memory_space<vmem_shared>> -> memref<10240x128xf32, #tpu.memory_space<vmem_shared>>
        tpu.enqueue_indirect_dma source(%arg10 : memref<40x128xf32, #tpu.memory_space<vmem>>) target(%dma_start3A_227 : memref<10240x128xf32, #tpu.memory_space<vmem_shared>>) offsets(%arg15 : memref<40xi32, #tpu.memory_space<vmem>>) semaphore(%run_scoped3A : memref<!tpu.dma_semaphore, #tpu.memory_space<semaphore_mem>>) {add = true}
        %dma_wait3A_228 = arith.constant 0 : i32
        %dma_wait3A_229 = arith.constant 0 : i32
        %dma_wait3A_230 = tpu.memref_slice %arg8[%dma_wait3A_228, %dma_wait3A_229] : memref<10240x128xf32, #tpu.memory_space<vmem_shared>> -> memref<10240x128xf32, #tpu.memory_space<vmem_shared>>
        tpu.wait_indirect_dma semaphore(%run_scoped3A : memref<!tpu.dma_semaphore, #tpu.memory_space<semaphore_mem>>) src(%arg10 : memref<40x128xf32, #tpu.memory_space<vmem>>) dst(%dma_wait3A_230 : memref<10240x128xf32, #tpu.memory_space<vmem_shared>>)
        tpu.yield
      }) : () -> ()
      %add3A_143 = arith.constant 1 : i32
      %add3A_144 = arith.addi %mul3A_109, %add3A_143 : i32
      %add3A_145 = arith.constant 5 : i32
      %add3A_146 = arith.addi %add3A_144, %add3A_145 : i32
      %mul3A_147 = arith.constant 40 : i32
      %mul3A_148 = arith.muli %add3A_146, %mul3A_147 : i32
      %add3A_149 = arith.addi %mul3A_4, %mul3A_148 : i32
      %dma_start3A_150 = tpu.memref_slice %arg4[%add3A_149] : memref<320000xi32, #tpu.memory_space<hbm>> -> memref<40xi32, #tpu.memory_space<hbm>>
      %dma_start3A_151 = tpu.memref_slice %arg4[%add3A_149] : memref<320000xi32, #tpu.memory_space<hbm>> -> memref<40xi32, #tpu.memory_space<hbm>>
      tpu.enqueue_dma source(%dma_start3A_151 : memref<40xi32, #tpu.memory_space<hbm>>) target(%arg15 : memref<40xi32, #tpu.memory_space<vmem>>) target_semaphore(%arg25 : memref<!tpu.dma_semaphore, #tpu.memory_space<semaphore_mem>>)
      %dma_start3A_152 = tpu.memref_slice %arg7[%mul3A_148] : memref<10000xi32, #tpu.memory_space<vmem>> -> memref<40xi32, #tpu.memory_space<vmem>>
      %dma_start3A_153 = arith.constant 0 : i32
      %dma_start3A_154 = arith.constant 0 : i32
      %dma_start3A_155 = tpu.memref_slice %arg2[%dma_start3A_153, %dma_start3A_154] : memref<10240x128xf32, #tpu.memory_space<hbm>> -> memref<10240x128xf32, #tpu.memory_space<hbm>>
      tpu.enqueue_indirect_dma source(%dma_start3A_155 : memref<10240x128xf32, #tpu.memory_space<hbm>>) target(%arg10 : memref<40x128xf32, #tpu.memory_space<vmem>>) offsets(%dma_start3A_152 : memref<40xi32, #tpu.memory_space<vmem>>) semaphore(%arg20 : memref<!tpu.dma_semaphore, #tpu.memory_space<semaphore_mem>>)
      %dma_wait3A_156 = arith.constant 0 : i32
      %dma_wait3A_157 = arith.constant 0 : i32
      %dma_wait3A_158 = tpu.memref_slice %arg2[%dma_wait3A_156, %dma_wait3A_157] : memref<10240x128xf32, #tpu.memory_space<hbm>> -> memref<40x128xf32, #tpu.memory_space<hbm>>
      %dma_wait3A_159 = arith.constant 0 : i32
      %dma_wait3A_160 = arith.constant 0 : i32
      %dma_wait3A_161 = tpu.memref_slice %arg2[%dma_wait3A_159, %dma_wait3A_160] : memref<10240x128xf32, #tpu.memory_space<hbm>> -> memref<40x128xf32, #tpu.memory_space<hbm>>
      tpu.wait_dma2 semaphore(%arg21 : memref<!tpu.dma_semaphore, #tpu.memory_space<semaphore_mem>>) src(%dma_wait3A_161 : memref<40x128xf32, #tpu.memory_space<hbm>>) dst(%arg11 : memref<40x128xf32, #tpu.memory_space<vmem>>)
      %dma_wait3A_162 = arith.constant 0 : i32
      %dma_wait3A_163 = tpu.memref_slice %arg4[%dma_wait3A_162] : memref<320000xi32, #tpu.memory_space<hbm>> -> memref<40xi32, #tpu.memory_space<hbm>>
      %dma_wait3A_164 = arith.constant 0 : i32
      %dma_wait3A_165 = tpu.memref_slice %arg4[%dma_wait3A_164] : memref<320000xi32, #tpu.memory_space<hbm>> -> memref<40xi32, #tpu.memory_space<hbm>>
      tpu.wait_dma2 semaphore(%arg26 : memref<!tpu.dma_semaphore, #tpu.memory_space<semaphore_mem>>) src(%dma_wait3A_165 : memref<40xi32, #tpu.memory_space<hbm>>) dst(%arg16 : memref<40xi32, #tpu.memory_space<vmem>>)
      "tpu.region"() ({
        %run_scoped3A = tpu.sem_alloc : memref<!tpu.dma_semaphore, #tpu.memory_space<semaphore_mem>>
        %dma_start3A_225 = arith.constant 0 : i32
        %dma_start3A_226 = arith.constant 0 : i32
        %dma_start3A_227 = tpu.memref_slice %arg8[%dma_start3A_225, %dma_start3A_226] : memref<10240x128xf32, #tpu.memory_space<vmem_shared>> -> memref<10240x128xf32, #tpu.memory_space<vmem_shared>>
        tpu.enqueue_indirect_dma source(%arg11 : memref<40x128xf32, #tpu.memory_space<vmem>>) target(%dma_start3A_227 : memref<10240x128xf32, #tpu.memory_space<vmem_shared>>) offsets(%arg16 : memref<40xi32, #tpu.memory_space<vmem>>) semaphore(%run_scoped3A : memref<!tpu.dma_semaphore, #tpu.memory_space<semaphore_mem>>) {add = true}
        %dma_wait3A_228 = arith.constant 0 : i32
        %dma_wait3A_229 = arith.constant 0 : i32
        %dma_wait3A_230 = tpu.memref_slice %arg8[%dma_wait3A_228, %dma_wait3A_229] : memref<10240x128xf32, #tpu.memory_space<vmem_shared>> -> memref<10240x128xf32, #tpu.memory_space<vmem_shared>>
        tpu.wait_indirect_dma semaphore(%run_scoped3A : memref<!tpu.dma_semaphore, #tpu.memory_space<semaphore_mem>>) src(%arg11 : memref<40x128xf32, #tpu.memory_space<vmem>>) dst(%dma_wait3A_230 : memref<10240x128xf32, #tpu.memory_space<vmem_shared>>)
        tpu.yield
      }) : () -> ()
      %add3A_166 = arith.constant 2 : i32
      %add3A_167 = arith.addi %mul3A_109, %add3A_166 : i32
      %add3A_168 = arith.constant 5 : i32
      %add3A_169 = arith.addi %add3A_167, %add3A_168 : i32
      %mul3A_170 = arith.constant 40 : i32
      %mul3A_171 = arith.muli %add3A_169, %mul3A_170 : i32
      %add3A_172 = arith.addi %mul3A_4, %mul3A_171 : i32
      %dma_start3A_173 = tpu.memref_slice %arg4[%add3A_172] : memref<320000xi32, #tpu.memory_space<hbm>> -> memref<40xi32, #tpu.memory_space<hbm>>
      %dma_start3A_174 = tpu.memref_slice %arg4[%add3A_172] : memref<320000xi32, #tpu.memory_space<hbm>> -> memref<40xi32, #tpu.memory_space<hbm>>
      tpu.enqueue_dma source(%dma_start3A_174 : memref<40xi32, #tpu.memory_space<hbm>>) target(%arg16 : memref<40xi32, #tpu.memory_space<vmem>>) target_semaphore(%arg26 : memref<!tpu.dma_semaphore, #tpu.memory_space<semaphore_mem>>)
      %dma_start3A_175 = tpu.memref_slice %arg7[%mul3A_171] : memref<10000xi32, #tpu.memory_space<vmem>> -> memref<40xi32, #tpu.memory_space<vmem>>
      %dma_start3A_176 = arith.constant 0 : i32
      %dma_start3A_177 = arith.constant 0 : i32
      %dma_start3A_178 = tpu.memref_slice %arg2[%dma_start3A_176, %dma_start3A_177] : memref<10240x128xf32, #tpu.memory_space<hbm>> -> memref<10240x128xf32, #tpu.memory_space<hbm>>
      tpu.enqueue_indirect_dma source(%dma_start3A_178 : memref<10240x128xf32, #tpu.memory_space<hbm>>) target(%arg11 : memref<40x128xf32, #tpu.memory_space<vmem>>) offsets(%dma_start3A_175 : memref<40xi32, #tpu.memory_space<vmem>>) semaphore(%arg21 : memref<!tpu.dma_semaphore, #tpu.memory_space<semaphore_mem>>)
      %dma_wait3A_179 = arith.constant 0 : i32
      %dma_wait3A_180 = arith.constant 0 : i32
      %dma_wait3A_181 = tpu.memref_slice %arg2[%dma_wait3A_179, %dma_wait3A_180] : memref<10240x128xf32, #tpu.memory_space<hbm>> -> memref<40x128xf32, #tpu.memory_space<hbm>>
      %dma_wait3A_182 = arith.constant 0 : i32
      %dma_wait3A_183 = arith.constant 0 : i32
      %dma_wait3A_184 = tpu.memref_slice %arg2[%dma_wait3A_182, %dma_wait3A_183] : memref<10240x128xf32, #tpu.memory_space<hbm>> -> memref<40x128xf32, #tpu.memory_space<hbm>>
      tpu.wait_dma2 semaphore(%arg22 : memref<!tpu.dma_semaphore, #tpu.memory_space<semaphore_mem>>) src(%dma_wait3A_184 : memref<40x128xf32, #tpu.memory_space<hbm>>) dst(%arg12 : memref<40x128xf32, #tpu.memory_space<vmem>>)
      %dma_wait3A_185 = arith.constant 0 : i32
      %dma_wait3A_186 = tpu.memref_slice %arg4[%dma_wait3A_185] : memref<320000xi32, #tpu.memory_space<hbm>> -> memref<40xi32, #tpu.memory_space<hbm>>
      %dma_wait3A_187 = arith.constant 0 : i32
      %dma_wait3A_188 = tpu.memref_slice %arg4[%dma_wait3A_187] : memref<320000xi32, #tpu.memory_space<hbm>> -> memref<40xi32, #tpu.memory_space<hbm>>
      tpu.wait_dma2 semaphore(%arg27 : memref<!tpu.dma_semaphore, #tpu.memory_space<semaphore_mem>>) src(%dma_wait3A_188 : memref<40xi32, #tpu.memory_space<hbm>>) dst(%arg17 : memref<40xi32, #tpu.memory_space<vmem>>)
      "tpu.region"() ({
        %run_scoped3A = tpu.sem_alloc : memref<!tpu.dma_semaphore, #tpu.memory_space<semaphore_mem>>
        %dma_start3A_225 = arith.constant 0 : i32
        %dma_start3A_226 = arith.constant 0 : i32
        %dma_start3A_227 = tpu.memref_slice %arg8[%dma_start3A_225, %dma_start3A_226] : memref<10240x128xf32, #tpu.memory_space<vmem_shared>> -> memref<10240x128xf32, #tpu.memory_space<vmem_shared>>
        tpu.enqueue_indirect_dma source(%arg12 : memref<40x128xf32, #tpu.memory_space<vmem>>) target(%dma_start3A_227 : memref<10240x128xf32, #tpu.memory_space<vmem_shared>>) offsets(%arg17 : memref<40xi32, #tpu.memory_space<vmem>>) semaphore(%run_scoped3A : memref<!tpu.dma_semaphore, #tpu.memory_space<semaphore_mem>>) {add = true}
        %dma_wait3A_228 = arith.constant 0 : i32
        %dma_wait3A_229 = arith.constant 0 : i32
        %dma_wait3A_230 = tpu.memref_slice %arg8[%dma_wait3A_228, %dma_wait3A_229] : memref<10240x128xf32, #tpu.memory_space<vmem_shared>> -> memref<10240x128xf32, #tpu.memory_space<vmem_shared>>
        tpu.wait_indirect_dma semaphore(%run_scoped3A : memref<!tpu.dma_semaphore, #tpu.memory_space<semaphore_mem>>) src(%arg12 : memref<40x128xf32, #tpu.memory_space<vmem>>) dst(%dma_wait3A_230 : memref<10240x128xf32, #tpu.memory_space<vmem_shared>>)
        tpu.yield
      }) : () -> ()
      %add3A_189 = arith.constant 3 : i32
      %add3A_190 = arith.addi %mul3A_109, %add3A_189 : i32
      %add3A_191 = arith.constant 5 : i32
      %add3A_192 = arith.addi %add3A_190, %add3A_191 : i32
      %mul3A_193 = arith.constant 40 : i32
      %mul3A_194 = arith.muli %add3A_192, %mul3A_193 : i32
      %add3A_195 = arith.addi %mul3A_4, %mul3A_194 : i32
      %dma_start3A_196 = tpu.memref_slice %arg4[%add3A_195] : memref<320000xi32, #tpu.memory_space<hbm>> -> memref<40xi32, #tpu.memory_space<hbm>>
      %dma_start3A_197 = tpu.memref_slice %arg4[%add3A_195] : memref<320000xi32, #tpu.memory_space<hbm>> -> memref<40xi32, #tpu.memory_space<hbm>>
      tpu.enqueue_dma source(%dma_start3A_197 : memref<40xi32, #tpu.memory_space<hbm>>) target(%arg17 : memref<40xi32, #tpu.memory_space<vmem>>) target_semaphore(%arg27 : memref<!tpu.dma_semaphore, #tpu.memory_space<semaphore_mem>>)
      %dma_start3A_198 = tpu.memref_slice %arg7[%mul3A_194] : memref<10000xi32, #tpu.memory_space<vmem>> -> memref<40xi32, #tpu.memory_space<vmem>>
      %dma_start3A_199 = arith.constant 0 : i32
      %dma_start3A_200 = arith.constant 0 : i32
      %dma_start3A_201 = tpu.memref_slice %arg2[%dma_start3A_199, %dma_start3A_200] : memref<10240x128xf32, #tpu.memory_space<hbm>> -> memref<10240x128xf32, #tpu.memory_space<hbm>>
      tpu.enqueue_indirect_dma source(%dma_start3A_201 : memref<10240x128xf32, #tpu.memory_space<hbm>>) target(%arg12 : memref<40x128xf32, #tpu.memory_space<vmem>>) offsets(%dma_start3A_198 : memref<40xi32, #tpu.memory_space<vmem>>) semaphore(%arg22 : memref<!tpu.dma_semaphore, #tpu.memory_space<semaphore_mem>>)
      %dma_wait3A_202 = arith.constant 0 : i32
      %dma_wait3A_203 = arith.constant 0 : i32
      %dma_wait3A_204 = tpu.memref_slice %arg2[%dma_wait3A_202, %dma_wait3A_203] : memref<10240x128xf32, #tpu.memory_space<hbm>> -> memref<40x128xf32, #tpu.memory_space<hbm>>
      %dma_wait3A_205 = arith.constant 0 : i32
      %dma_wait3A_206 = arith.constant 0 : i32
      %dma_wait3A_207 = tpu.memref_slice %arg2[%dma_wait3A_205, %dma_wait3A_206] : memref<10240x128xf32, #tpu.memory_space<hbm>> -> memref<40x128xf32, #tpu.memory_space<hbm>>
      tpu.wait_dma2 semaphore(%arg23 : memref<!tpu.dma_semaphore, #tpu.memory_space<semaphore_mem>>) src(%dma_wait3A_207 : memref<40x128xf32, #tpu.memory_space<hbm>>) dst(%arg13 : memref<40x128xf32, #tpu.memory_space<vmem>>)
      %dma_wait3A_208 = arith.constant 0 : i32
      %dma_wait3A_209 = tpu.memref_slice %arg4[%dma_wait3A_208] : memref<320000xi32, #tpu.memory_space<hbm>> -> memref<40xi32, #tpu.memory_space<hbm>>
      %dma_wait3A_210 = arith.constant 0 : i32
      %dma_wait3A_211 = tpu.memref_slice %arg4[%dma_wait3A_210] : memref<320000xi32, #tpu.memory_space<hbm>> -> memref<40xi32, #tpu.memory_space<hbm>>
      tpu.wait_dma2 semaphore(%arg28 : memref<!tpu.dma_semaphore, #tpu.memory_space<semaphore_mem>>) src(%dma_wait3A_211 : memref<40xi32, #tpu.memory_space<hbm>>) dst(%arg18 : memref<40xi32, #tpu.memory_space<vmem>>)
      "tpu.region"() ({
        %run_scoped3A = tpu.sem_alloc : memref<!tpu.dma_semaphore, #tpu.memory_space<semaphore_mem>>
        %dma_start3A_225 = arith.constant 0 : i32
        %dma_start3A_226 = arith.constant 0 : i32
        %dma_start3A_227 = tpu.memref_slice %arg8[%dma_start3A_225, %dma_start3A_226] : memref<10240x128xf32, #tpu.memory_space<vmem_shared>> -> memref<10240x128xf32, #tpu.memory_space<vmem_shared>>
        tpu.enqueue_indirect_dma source(%arg13 : memref<40x128xf32, #tpu.memory_space<vmem>>) target(%dma_start3A_227 : memref<10240x128xf32, #tpu.memory_space<vmem_shared>>) offsets(%arg18 : memref<40xi32, #tpu.memory_space<vmem>>) semaphore(%run_scoped3A : memref<!tpu.dma_semaphore, #tpu.memory_space<semaphore_mem>>) {add = true}
        %dma_wait3A_228 = arith.constant 0 : i32
        %dma_wait3A_229 = arith.constant 0 : i32
        %dma_wait3A_230 = tpu.memref_slice %arg8[%dma_wait3A_228, %dma_wait3A_229] : memref<10240x128xf32, #tpu.memory_space<vmem_shared>> -> memref<10240x128xf32, #tpu.memory_space<vmem_shared>>
        tpu.wait_indirect_dma semaphore(%run_scoped3A : memref<!tpu.dma_semaphore, #tpu.memory_space<semaphore_mem>>) src(%arg13 : memref<40x128xf32, #tpu.memory_space<vmem>>) dst(%dma_wait3A_230 : memref<10240x128xf32, #tpu.memory_space<vmem_shared>>)
        tpu.yield
      }) : () -> ()
      %add3A_212 = arith.constant 4 : i32
      %add3A_213 = arith.addi %mul3A_109, %add3A_212 : i32
      %add3A_214 = arith.constant 5 : i32
      %add3A_215 = arith.addi %add3A_213, %add3A_214 : i32
      %mul3A_216 = arith.constant 40 : i32
      %mul3A_217 = arith.muli %add3A_215, %mul3A_216 : i32
      %add3A_218 = arith.addi %mul3A_4, %mul3A_217 : i32
      %dma_start3A_219 = tpu.memref_slice %arg4[%add3A_218] : memref<320000xi32, #tpu.memory_space<hbm>> -> memref<40xi32, #tpu.memory_space<hbm>>
      %dma_start3A_220 = tpu.memref_slice %arg4[%add3A_218] : memref<320000xi32, #tpu.memory_space<hbm>> -> memref<40xi32, #tpu.memory_space<hbm>>
      tpu.enqueue_dma source(%dma_start3A_220 : memref<40xi32, #tpu.memory_space<hbm>>) target(%arg18 : memref<40xi32, #tpu.memory_space<vmem>>) target_semaphore(%arg28 : memref<!tpu.dma_semaphore, #tpu.memory_space<semaphore_mem>>)
      %dma_start3A_221 = tpu.memref_slice %arg7[%mul3A_217] : memref<10000xi32, #tpu.memory_space<vmem>> -> memref<40xi32, #tpu.memory_space<vmem>>
      %dma_start3A_222 = arith.constant 0 : i32
      %dma_start3A_223 = arith.constant 0 : i32
      %dma_start3A_224 = tpu.memref_slice %arg2[%dma_start3A_222, %dma_start3A_223] : memref<10240x128xf32, #tpu.memory_space<hbm>> -> memref<10240x128xf32, #tpu.memory_space<hbm>>
      tpu.enqueue_indirect_dma source(%dma_start3A_224 : memref<10240x128xf32, #tpu.memory_space<hbm>>) target(%arg13 : memref<40x128xf32, #tpu.memory_space<vmem>>) offsets(%dma_start3A_221 : memref<40xi32, #tpu.memory_space<vmem>>) semaphore(%arg23 : memref<!tpu.dma_semaphore, #tpu.memory_space<semaphore_mem>>)
    }
    %scan3A_52 = arith.constant 49 : i32
    %dma_wait3A = arith.constant 0 : i32
    %dma_wait3A_53 = arith.constant 0 : i32
    %dma_wait3A_54 = tpu.memref_slice %arg2[%dma_wait3A, %dma_wait3A_53] : memref<10240x128xf32, #tpu.memory_space<hbm>> -> memref<40x128xf32, #tpu.memory_space<hbm>>
    %dma_wait3A_55 = arith.constant 0 : i32
    %dma_wait3A_56 = arith.constant 0 : i32
    %dma_wait3A_57 = tpu.memref_slice %arg2[%dma_wait3A_55, %dma_wait3A_56] : memref<10240x128xf32, #tpu.memory_space<hbm>> -> memref<40x128xf32, #tpu.memory_space<hbm>>
    tpu.wait_dma2 semaphore(%arg19 : memref<!tpu.dma_semaphore, #tpu.memory_space<semaphore_mem>>) src(%dma_wait3A_57 : memref<40x128xf32, #tpu.memory_space<hbm>>) dst(%arg9 : memref<40x128xf32, #tpu.memory_space<vmem>>)
    %dma_wait3A_58 = arith.constant 0 : i32
    %dma_wait3A_59 = tpu.memref_slice %arg4[%dma_wait3A_58] : memref<320000xi32, #tpu.memory_space<hbm>> -> memref<40xi32, #tpu.memory_space<hbm>>
    %dma_wait3A_60 = arith.constant 0 : i32
    %dma_wait3A_61 = tpu.memref_slice %arg4[%dma_wait3A_60] : memref<320000xi32, #tpu.memory_space<hbm>> -> memref<40xi32, #tpu.memory_space<hbm>>
    tpu.wait_dma2 semaphore(%arg24 : memref<!tpu.dma_semaphore, #tpu.memory_space<semaphore_mem>>) src(%dma_wait3A_61 : memref<40xi32, #tpu.memory_space<hbm>>) dst(%arg14 : memref<40xi32, #tpu.memory_space<vmem>>)
    "tpu.region"() ({
      %run_scoped3A = tpu.sem_alloc : memref<!tpu.dma_semaphore, #tpu.memory_space<semaphore_mem>>
      %dma_start3A_103 = arith.constant 0 : i32
      %dma_start3A_104 = arith.constant 0 : i32
      %dma_start3A_105 = tpu.memref_slice %arg8[%dma_start3A_103, %dma_start3A_104] : memref<10240x128xf32, #tpu.memory_space<vmem_shared>> -> memref<10240x128xf32, #tpu.memory_space<vmem_shared>>
      tpu.enqueue_indirect_dma source(%arg9 : memref<40x128xf32, #tpu.memory_space<vmem>>) target(%dma_start3A_105 : memref<10240x128xf32, #tpu.memory_space<vmem_shared>>) offsets(%arg14 : memref<40xi32, #tpu.memory_space<vmem>>) semaphore(%run_scoped3A : memref<!tpu.dma_semaphore, #tpu.memory_space<semaphore_mem>>) {add = true}
      %dma_wait3A_106 = arith.constant 0 : i32
      %dma_wait3A_107 = arith.constant 0 : i32
      %dma_wait3A_108 = tpu.memref_slice %arg8[%dma_wait3A_106, %dma_wait3A_107] : memref<10240x128xf32, #tpu.memory_space<vmem_shared>> -> memref<10240x128xf32, #tpu.memory_space<vmem_shared>>
      tpu.wait_indirect_dma semaphore(%run_scoped3A : memref<!tpu.dma_semaphore, #tpu.memory_space<semaphore_mem>>) src(%arg9 : memref<40x128xf32, #tpu.memory_space<vmem>>) dst(%dma_wait3A_108 : memref<10240x128xf32, #tpu.memory_space<vmem_shared>>)
      tpu.yield
    }) : () -> ()
    %dma_wait3A_62 = arith.constant 0 : i32
    %dma_wait3A_63 = arith.constant 0 : i32
    %dma_wait3A_64 = tpu.memref_slice %arg2[%dma_wait3A_62, %dma_wait3A_63] : memref<10240x128xf32, #tpu.memory_space<hbm>> -> memref<40x128xf32, #tpu.memory_space<hbm>>
    %dma_wait3A_65 = arith.constant 0 : i32
    %dma_wait3A_66 = arith.constant 0 : i32
    %dma_wait3A_67 = tpu.memref_slice %arg2[%dma_wait3A_65, %dma_wait3A_66] : memref<10240x128xf32, #tpu.memory_space<hbm>> -> memref<40x128xf32, #tpu.memory_space<hbm>>
    tpu.wait_dma2 semaphore(%arg20 : memref<!tpu.dma_semaphore, #tpu.memory_space<semaphore_mem>>) src(%dma_wait3A_67 : memref<40x128xf32, #tpu.memory_space<hbm>>) dst(%arg10 : memref<40x128xf32, #tpu.memory_space<vmem>>)
    %dma_wait3A_68 = arith.constant 0 : i32
    %dma_wait3A_69 = tpu.memref_slice %arg4[%dma_wait3A_68] : memref<320000xi32, #tpu.memory_space<hbm>> -> memref<40xi32, #tpu.memory_space<hbm>>
    %dma_wait3A_70 = arith.constant 0 : i32
    %dma_wait3A_71 = tpu.memref_slice %arg4[%dma_wait3A_70] : memref<320000xi32, #tpu.memory_space<hbm>> -> memref<40xi32, #tpu.memory_space<hbm>>
    tpu.wait_dma2 semaphore(%arg25 : memref<!tpu.dma_semaphore, #tpu.memory_space<semaphore_mem>>) src(%dma_wait3A_71 : memref<40xi32, #tpu.memory_space<hbm>>) dst(%arg15 : memref<40xi32, #tpu.memory_space<vmem>>)
    "tpu.region"() ({
      %run_scoped3A = tpu.sem_alloc : memref<!tpu.dma_semaphore, #tpu.memory_space<semaphore_mem>>
      %dma_start3A_103 = arith.constant 0 : i32
      %dma_start3A_104 = arith.constant 0 : i32
      %dma_start3A_105 = tpu.memref_slice %arg8[%dma_start3A_103, %dma_start3A_104] : memref<10240x128xf32, #tpu.memory_space<vmem_shared>> -> memref<10240x128xf32, #tpu.memory_space<vmem_shared>>
      tpu.enqueue_indirect_dma source(%arg10 : memref<40x128xf32, #tpu.memory_space<vmem>>) target(%dma_start3A_105 : memref<10240x128xf32, #tpu.memory_space<vmem_shared>>) offsets(%arg15 : memref<40xi32, #tpu.memory_space<vmem>>) semaphore(%run_scoped3A : memref<!tpu.dma_semaphore, #tpu.memory_space<semaphore_mem>>) {add = true}
      %dma_wait3A_106 = arith.constant 0 : i32
      %dma_wait3A_107 = arith.constant 0 : i32
      %dma_wait3A_108 = tpu.memref_slice %arg8[%dma_wait3A_106, %dma_wait3A_107] : memref<10240x128xf32, #tpu.memory_space<vmem_shared>> -> memref<10240x128xf32, #tpu.memory_space<vmem_shared>>
      tpu.wait_indirect_dma semaphore(%run_scoped3A : memref<!tpu.dma_semaphore, #tpu.memory_space<semaphore_mem>>) src(%arg10 : memref<40x128xf32, #tpu.memory_space<vmem>>) dst(%dma_wait3A_108 : memref<10240x128xf32, #tpu.memory_space<vmem_shared>>)
      tpu.yield
    }) : () -> ()
    %dma_wait3A_72 = arith.constant 0 : i32
    %dma_wait3A_73 = arith.constant 0 : i32
    %dma_wait3A_74 = tpu.memref_slice %arg2[%dma_wait3A_72, %dma_wait3A_73] : memref<10240x128xf32, #tpu.memory_space<hbm>> -> memref<40x128xf32, #tpu.memory_space<hbm>>
    %dma_wait3A_75 = arith.constant 0 : i32
    %dma_wait3A_76 = arith.constant 0 : i32
    %dma_wait3A_77 = tpu.memref_slice %arg2[%dma_wait3A_75, %dma_wait3A_76] : memref<10240x128xf32, #tpu.memory_space<hbm>> -> memref<40x128xf32, #tpu.memory_space<hbm>>
    tpu.wait_dma2 semaphore(%arg21 : memref<!tpu.dma_semaphore, #tpu.memory_space<semaphore_mem>>) src(%dma_wait3A_77 : memref<40x128xf32, #tpu.memory_space<hbm>>) dst(%arg11 : memref<40x128xf32, #tpu.memory_space<vmem>>)
    %dma_wait3A_78 = arith.constant 0 : i32
    %dma_wait3A_79 = tpu.memref_slice %arg4[%dma_wait3A_78] : memref<320000xi32, #tpu.memory_space<hbm>> -> memref<40xi32, #tpu.memory_space<hbm>>
    %dma_wait3A_80 = arith.constant 0 : i32
    %dma_wait3A_81 = tpu.memref_slice %arg4[%dma_wait3A_80] : memref<320000xi32, #tpu.memory_space<hbm>> -> memref<40xi32, #tpu.memory_space<hbm>>
    tpu.wait_dma2 semaphore(%arg26 : memref<!tpu.dma_semaphore, #tpu.memory_space<semaphore_mem>>) src(%dma_wait3A_81 : memref<40xi32, #tpu.memory_space<hbm>>) dst(%arg16 : memref<40xi32, #tpu.memory_space<vmem>>)
    "tpu.region"() ({
      %run_scoped3A = tpu.sem_alloc : memref<!tpu.dma_semaphore, #tpu.memory_space<semaphore_mem>>
      %dma_start3A_103 = arith.constant 0 : i32
      %dma_start3A_104 = arith.constant 0 : i32
      %dma_start3A_105 = tpu.memref_slice %arg8[%dma_start3A_103, %dma_start3A_104] : memref<10240x128xf32, #tpu.memory_space<vmem_shared>> -> memref<10240x128xf32, #tpu.memory_space<vmem_shared>>
      tpu.enqueue_indirect_dma source(%arg11 : memref<40x128xf32, #tpu.memory_space<vmem>>) target(%dma_start3A_105 : memref<10240x128xf32, #tpu.memory_space<vmem_shared>>) offsets(%arg16 : memref<40xi32, #tpu.memory_space<vmem>>) semaphore(%run_scoped3A : memref<!tpu.dma_semaphore, #tpu.memory_space<semaphore_mem>>) {add = true}
      %dma_wait3A_106 = arith.constant 0 : i32
      %dma_wait3A_107 = arith.constant 0 : i32
      %dma_wait3A_108 = tpu.memref_slice %arg8[%dma_wait3A_106, %dma_wait3A_107] : memref<10240x128xf32, #tpu.memory_space<vmem_shared>> -> memref<10240x128xf32, #tpu.memory_space<vmem_shared>>
      tpu.wait_indirect_dma semaphore(%run_scoped3A : memref<!tpu.dma_semaphore, #tpu.memory_space<semaphore_mem>>) src(%arg11 : memref<40x128xf32, #tpu.memory_space<vmem>>) dst(%dma_wait3A_108 : memref<10240x128xf32, #tpu.memory_space<vmem_shared>>)
      tpu.yield
    }) : () -> ()
    %dma_wait3A_82 = arith.constant 0 : i32
    %dma_wait3A_83 = arith.constant 0 : i32
    %dma_wait3A_84 = tpu.memref_slice %arg2[%dma_wait3A_82, %dma_wait3A_83] : memref<10240x128xf32, #tpu.memory_space<hbm>> -> memref<40x128xf32, #tpu.memory_space<hbm>>
    %dma_wait3A_85 = arith.constant 0 : i32
    %dma_wait3A_86 = arith.constant 0 : i32
    %dma_wait3A_87 = tpu.memref_slice %arg2[%dma_wait3A_85, %dma_wait3A_86] : memref<10240x128xf32, #tpu.memory_space<hbm>> -> memref<40x128xf32, #tpu.memory_space<hbm>>
    tpu.wait_dma2 semaphore(%arg22 : memref<!tpu.dma_semaphore, #tpu.memory_space<semaphore_mem>>) src(%dma_wait3A_87 : memref<40x128xf32, #tpu.memory_space<hbm>>) dst(%arg12 : memref<40x128xf32, #tpu.memory_space<vmem>>)
    %dma_wait3A_88 = arith.constant 0 : i32
    %dma_wait3A_89 = tpu.memref_slice %arg4[%dma_wait3A_88] : memref<320000xi32, #tpu.memory_space<hbm>> -> memref<40xi32, #tpu.memory_space<hbm>>
    %dma_wait3A_90 = arith.constant 0 : i32
    %dma_wait3A_91 = tpu.memref_slice %arg4[%dma_wait3A_90] : memref<320000xi32, #tpu.memory_space<hbm>> -> memref<40xi32, #tpu.memory_space<hbm>>
    tpu.wait_dma2 semaphore(%arg27 : memref<!tpu.dma_semaphore, #tpu.memory_space<semaphore_mem>>) src(%dma_wait3A_91 : memref<40xi32, #tpu.memory_space<hbm>>) dst(%arg17 : memref<40xi32, #tpu.memory_space<vmem>>)
    "tpu.region"() ({
      %run_scoped3A = tpu.sem_alloc : memref<!tpu.dma_semaphore, #tpu.memory_space<semaphore_mem>>
      %dma_start3A_103 = arith.constant 0 : i32
      %dma_start3A_104 = arith.constant 0 : i32
      %dma_start3A_105 = tpu.memref_slice %arg8[%dma_start3A_103, %dma_start3A_104] : memref<10240x128xf32, #tpu.memory_space<vmem_shared>> -> memref<10240x128xf32, #tpu.memory_space<vmem_shared>>
      tpu.enqueue_indirect_dma source(%arg12 : memref<40x128xf32, #tpu.memory_space<vmem>>) target(%dma_start3A_105 : memref<10240x128xf32, #tpu.memory_space<vmem_shared>>) offsets(%arg17 : memref<40xi32, #tpu.memory_space<vmem>>) semaphore(%run_scoped3A : memref<!tpu.dma_semaphore, #tpu.memory_space<semaphore_mem>>) {add = true}
      %dma_wait3A_106 = arith.constant 0 : i32
      %dma_wait3A_107 = arith.constant 0 : i32
      %dma_wait3A_108 = tpu.memref_slice %arg8[%dma_wait3A_106, %dma_wait3A_107] : memref<10240x128xf32, #tpu.memory_space<vmem_shared>> -> memref<10240x128xf32, #tpu.memory_space<vmem_shared>>
      tpu.wait_indirect_dma semaphore(%run_scoped3A : memref<!tpu.dma_semaphore, #tpu.memory_space<semaphore_mem>>) src(%arg12 : memref<40x128xf32, #tpu.memory_space<vmem>>) dst(%dma_wait3A_108 : memref<10240x128xf32, #tpu.memory_space<vmem_shared>>)
      tpu.yield
    }) : () -> ()
    %dma_wait3A_92 = arith.constant 0 : i32
    %dma_wait3A_93 = arith.constant 0 : i32
    %dma_wait3A_94 = tpu.memref_slice %arg2[%dma_wait3A_92, %dma_wait3A_93] : memref<10240x128xf32, #tpu.memory_space<hbm>> -> memref<40x128xf32, #tpu.memory_space<hbm>>
    %dma_wait3A_95 = arith.constant 0 : i32
    %dma_wait3A_96 = arith.constant 0 : i32
    %dma_wait3A_97 = tpu.memref_slice %arg2[%dma_wait3A_95, %dma_wait3A_96] : memref<10240x128xf32, #tpu.memory_space<hbm>> -> memref<40x128xf32, #tpu.memory_space<hbm>>
    tpu.wait_dma2 semaphore(%arg23 : memref<!tpu.dma_semaphore, #tpu.memory_space<semaphore_mem>>) src(%dma_wait3A_97 : memref<40x128xf32, #tpu.memory_space<hbm>>) dst(%arg13 : memref<40x128xf32, #tpu.memory_space<vmem>>)
    %dma_wait3A_98 = arith.constant 0 : i32
    %dma_wait3A_99 = tpu.memref_slice %arg4[%dma_wait3A_98] : memref<320000xi32, #tpu.memory_space<hbm>> -> memref<40xi32, #tpu.memory_space<hbm>>
    %dma_wait3A_100 = arith.constant 0 : i32
    %dma_wait3A_101 = tpu.memref_slice %arg4[%dma_wait3A_100] : memref<320000xi32, #tpu.memory_space<hbm>> -> memref<40xi32, #tpu.memory_space<hbm>>
    tpu.wait_dma2 semaphore(%arg28 : memref<!tpu.dma_semaphore, #tpu.memory_space<semaphore_mem>>) src(%dma_wait3A_101 : memref<40xi32, #tpu.memory_space<hbm>>) dst(%arg18 : memref<40xi32, #tpu.memory_space<vmem>>)
    "tpu.region"() ({
      %run_scoped3A = tpu.sem_alloc : memref<!tpu.dma_semaphore, #tpu.memory_space<semaphore_mem>>
      %dma_start3A_103 = arith.constant 0 : i32
      %dma_start3A_104 = arith.constant 0 : i32
      %dma_start3A_105 = tpu.memref_slice %arg8[%dma_start3A_103, %dma_start3A_104] : memref<10240x128xf32, #tpu.memory_space<vmem_shared>> -> memref<10240x128xf32, #tpu.memory_space<vmem_shared>>
      tpu.enqueue_indirect_dma source(%arg13 : memref<40x128xf32, #tpu.memory_space<vmem>>) target(%dma_start3A_105 : memref<10240x128xf32, #tpu.memory_space<vmem_shared>>) offsets(%arg18 : memref<40xi32, #tpu.memory_space<vmem>>) semaphore(%run_scoped3A : memref<!tpu.dma_semaphore, #tpu.memory_space<semaphore_mem>>) {add = true}
      %dma_wait3A_106 = arith.constant 0 : i32
      %dma_wait3A_107 = arith.constant 0 : i32
      %dma_wait3A_108 = tpu.memref_slice %arg8[%dma_wait3A_106, %dma_wait3A_107] : memref<10240x128xf32, #tpu.memory_space<vmem_shared>> -> memref<10240x128xf32, #tpu.memory_space<vmem_shared>>
      tpu.wait_indirect_dma semaphore(%run_scoped3A : memref<!tpu.dma_semaphore, #tpu.memory_space<semaphore_mem>>) src(%arg13 : memref<40x128xf32, #tpu.memory_space<vmem>>) dst(%dma_wait3A_108 : memref<10240x128xf32, #tpu.memory_space<vmem_shared>>)
      tpu.yield
    }) : () -> ()
    %barrier3A_102 = arith.constant 0 : index
    tpu.barrier barrier_id(%barrier3A_102)
    "tpu.region"() ({
      %run_scoped3A = tpu.sem_alloc : memref<!tpu.dma_semaphore, #tpu.memory_space<semaphore_mem>>
      %dma_start3A_103 = arith.constant 0 : i32
      %dma_start3A_104 = tpu.memref_slice %arg6[%arg0, %mul3A_2, %dma_start3A_103] : memref<2x10240x128xf32, #tpu.memory_space<hbm>> -> memref<1x640x128xf32, #tpu.memory_space<hbm>>
      %dma_start3A_105 = tpu.memref_squeeze %dma_start3A_104 : memref<1x640x128xf32, #tpu.memory_space<hbm>> -> memref<640x128xf32, #tpu.memory_space<hbm>>
      %dma_start3A_106 = arith.constant 0 : i32
      %dma_start3A_107 = tpu.memref_slice %arg8[%mul3A_2, %dma_start3A_106] : memref<10240x128xf32, #tpu.memory_space<vmem_shared>> -> memref<640x128xf32, #tpu.memory_space<vmem_shared>>
      tpu.enqueue_dma source(%dma_start3A_107 : memref<640x128xf32, #tpu.memory_space<vmem_shared>>) target(%dma_start3A_105 : memref<640x128xf32, #tpu.memory_space<hbm>>) target_semaphore(%run_scoped3A : memref<!tpu.dma_semaphore, #tpu.memory_space<semaphore_mem>>)
      %dma_wait3A_108 = arith.constant 0 : i32
      %dma_wait3A_109 = tpu.memref_slice %arg6[%arg0, %mul3A_2, %dma_wait3A_108] : memref<2x10240x128xf32, #tpu.memory_space<hbm>> -> memref<1x640x128xf32, #tpu.memory_space<hbm>>
      %dma_wait3A_110 = tpu.memref_squeeze %dma_wait3A_109 : memref<1x640x128xf32, #tpu.memory_space<hbm>> -> memref<640x128xf32, #tpu.memory_space<hbm>>
      %dma_wait3A_111 = arith.constant 0 : i32
      %dma_wait3A_112 = tpu.memref_slice %arg8[%mul3A_2, %dma_wait3A_111] : memref<10240x128xf32, #tpu.memory_space<vmem_shared>> -> memref<640x128xf32, #tpu.memory_space<vmem_shared>>
      tpu.wait_dma2 semaphore(%run_scoped3A : memref<!tpu.dma_semaphore, #tpu.memory_space<semaphore_mem>>) src(%dma_wait3A_112 : memref<640x128xf32, #tpu.memory_space<vmem_shared>>) dst(%dma_wait3A_110 : memref<640x128xf32, #tpu.memory_space<hbm>>)
      tpu.yield
    }) : () -> ()
    return
  }
}

module attributes {stable_mosaic.version = 14 : i64} {
  func.func @_mm0_body(%arg0: i32, %arg1: memref<2048x128xf32, #tpu.memory_space<vmem>>, %arg2: memref<128x128xf32, #tpu.memory_space<vmem>>, %arg3: memref<2048x128xf32, #tpu.memory_space<vmem>>) attributes {dimension_semantics = [#tpu.dimension_semantics<arbitrary>], iteration_bounds = array<i64: 5>, scalar_prefetch = 0 : i64, scratch_operands = 0 : i64, tpu.core_type = #tpu.core_type<tc>, window_params = [{transform_indices = @transform_0, window_bounds = array<i64: 2048, 128>}, {pipeline_mode = #tpu.pipeline_mode<synchronous>, transform_indices = @transform_1, window_bounds = array<i64: 128, 128>}, {transform_indices = @transform_2, window_bounds = array<i64: 2048, 128>}]} {
    %get3A = arith.constant 0 : index
    %get3A_0 = arith.constant 0 : index
    %get3A_1 = vector.load %arg1[%get3A, %get3A_0] : memref<2048x128xf32, #tpu.memory_space<vmem>>, vector<2048x128xf32>
    %get3A_2 = arith.constant 0 : index
    %get3A_3 = arith.constant 0 : index
    %get3A_4 = vector.load %arg2[%get3A_2, %get3A_3] : memref<128x128xf32, #tpu.memory_space<vmem>>, vector<128x128xf32>
    %dot_general3A = arith.constant dense<0.000000e+00> : vector<2048x128xf32>
    %dot_general3A_5 = tpu.matmul %get3A_1, %get3A_4, %dot_general3A {dimension_numbers = #tpu.dot_dimension_numbers<[1], [0], [0], [1], [0, 0, 1, 1], [], []>, transpose_lhs_hint = false} : vector<2048x128xf32>, vector<128x128xf32>, vector<2048x128xf32> -> vector<2048x128xf32>
    %swap3A = arith.constant 0 : index
    %swap3A_6 = arith.constant 0 : index
    %swap3A_7 = vector.load %arg3[%swap3A, %swap3A_6] : memref<2048x128xf32, #tpu.memory_space<vmem>>, vector<2048x128xf32>
    tpu.vector_store %arg3[%swap3A, %swap3A_6], %dot_general3A_5 {strides = array<i32>} : memref<2048x128xf32, #tpu.memory_space<vmem>>, vector<2048x128xf32>,
    return
  }
  func.func @transform_0(%arg0: i32) -> (i32, i32) {
    %c0_i32 = arith.constant 0 : i32
    %c0_i32_0 = arith.constant 0 : i32
    return %arg0, %c0_i32 : i32, i32
  }
  func.func @transform_1(%arg0: i32) -> (i32, i32) {
    %c0_i32 = arith.constant 0 : i32
    %c0_i32_0 = arith.constant 0 : i32
    %c0_i32_1 = arith.constant 0 : i32
    return %c0_i32, %c0_i32_0 : i32, i32
  }
  func.func @transform_2(%arg0: i32) -> (i32, i32) {
    %c0_i32 = arith.constant 0 : i32
    %c0_i32_0 = arith.constant 0 : i32
    return %arg0, %c0_i32 : i32, i32
  }
}

module attributes {stable_mosaic.version = 14 : i64} {
  func.func @_norm_body(%arg0: memref<2x2x128x128xf32, #tpu.memory_space<vmem>>, %arg1: memref<2x128x128xf32, #tpu.memory_space<vmem>>) attributes {dimension_semantics = [], scalar_prefetch = 0 : i64, scratch_operands = 0 : i64, tpu.core_type = #tpu.core_type<tc>} {
    %get3A = arith.constant 0 : index
    %get3A_0 = arith.constant 0 : index
    %get3A_1 = arith.constant 0 : index
    %get3A_2 = arith.constant 0 : index
    %get3A_3 = vector.load %arg0[%get3A, %get3A_0, %get3A_1, %get3A_2] : memref<2x2x128x128xf32, #tpu.memory_space<vmem>>, vector<1x1x128x128xf32>
    %get3A_4 = vector.shape_cast %get3A_3 : vector<1x1x128x128xf32> to vector<128x128xf32>
    %get3A_5 = arith.constant 1 : index
    %get3A_6 = arith.constant 0 : index
    %get3A_7 = arith.constant 0 : index
    %get3A_8 = arith.constant 0 : index
    %get3A_9 = vector.load %arg0[%get3A_5, %get3A_6, %get3A_7, %get3A_8] : memref<2x2x128x128xf32, #tpu.memory_space<vmem>>, vector<1x1x128x128xf32>
    %get3A_10 = vector.shape_cast %get3A_9 : vector<1x1x128x128xf32> to vector<128x128xf32>
    %add3A = arith.addf %get3A_4, %get3A_10 : vector<128x128xf32>
    %get3A_11 = arith.constant 0 : index
    %get3A_12 = arith.constant 1 : index
    %get3A_13 = arith.constant 0 : index
    %get3A_14 = arith.constant 0 : index
    %get3A_15 = vector.load %arg0[%get3A_11, %get3A_12, %get3A_13, %get3A_14] : memref<2x2x128x128xf32, #tpu.memory_space<vmem>>, vector<1x1x128x128xf32>
    %get3A_16 = vector.shape_cast %get3A_15 : vector<1x1x128x128xf32> to vector<128x128xf32>
    %get3A_17 = arith.constant 1 : index
    %get3A_18 = arith.constant 1 : index
    %get3A_19 = arith.constant 0 : index
    %get3A_20 = arith.constant 0 : index
    %get3A_21 = vector.load %arg0[%get3A_17, %get3A_18, %get3A_19, %get3A_20] : memref<2x2x128x128xf32, #tpu.memory_space<vmem>>, vector<1x1x128x128xf32>
    %get3A_22 = vector.shape_cast %get3A_21 : vector<1x1x128x128xf32> to vector<128x128xf32>
    %add3A_23 = arith.addf %get3A_16, %get3A_22 : vector<128x128xf32>
    %max3A = arith.constant 1.000000e+00 : f32
    %max3A_24 = vector.broadcast %max3A : f32 to vector<128x128xf32>
    %max3A_25 = arith.maximumf %add3A, %max3A_24 : vector<128x128xf32>
    %rsqrt3A = math.rsqrt %max3A_25 : vector<128x128xf32>
    %swap3A = arith.constant 0 : index
    %swap3A_26 = arith.constant 0 : index
    %swap3A_27 = arith.constant 0 : index
    %swap3A_28 = vector.load %arg1[%swap3A, %swap3A_26, %swap3A_27] : memref<2x128x128xf32, #tpu.memory_space<vmem>>, vector<1x128x128xf32>
    %swap3A_29 = vector.shape_cast %swap3A_28 : vector<1x128x128xf32> to vector<128x128xf32>
    %swap3A_30 = vector.shape_cast %rsqrt3A : vector<128x128xf32> to vector<1x128x128xf32>
    tpu.vector_store %arg1[%swap3A, %swap3A_26, %swap3A_27], %swap3A_30 {strides = array<i32>} : memref<2x128x128xf32, #tpu.memory_space<vmem>>, vector<1x128x128xf32>,
    %max3A_31 = arith.constant 1.000000e+00 : f32
    %max3A_32 = vector.broadcast %max3A_31 : f32 to vector<128x128xf32>
    %max3A_33 = arith.maximumf %add3A_23, %max3A_32 : vector<128x128xf32>
    %rsqrt3A_34 = math.rsqrt %max3A_33 : vector<128x128xf32>
    %swap3A_35 = arith.constant 1 : index
    %swap3A_36 = arith.constant 0 : index
    %swap3A_37 = arith.constant 0 : index
    %swap3A_38 = vector.load %arg1[%swap3A_35, %swap3A_36, %swap3A_37] : memref<2x128x128xf32, #tpu.memory_space<vmem>>, vector<1x128x128xf32>
    %swap3A_39 = vector.shape_cast %swap3A_38 : vector<1x128x128xf32> to vector<128x128xf32>
    %swap3A_40 = vector.shape_cast %rsqrt3A_34 : vector<128x128xf32> to vector<1x128x128xf32>
    tpu.vector_store %arg1[%swap3A_35, %swap3A_36, %swap3A_37], %swap3A_40 {strides = array<i32>} : memref<2x128x128xf32, #tpu.memory_space<vmem>>, vector<1x128x128xf32>,
    return
  }
}

module attributes {stable_mosaic.version = 14 : i64} {
  func.func @_scale_body(%arg0: i32, %arg1: memref<2048x128xf32, #tpu.memory_space<vmem>>, %arg2: memref<2048x128xf32, #tpu.memory_space<vmem>>, %arg3: memref<2048x128xf32, #tpu.memory_space<vmem>>) attributes {dimension_semantics = [#tpu.dimension_semantics<arbitrary>], iteration_bounds = array<i64: 5>, scalar_prefetch = 0 : i64, scratch_operands = 0 : i64, tpu.core_type = #tpu.core_type<tc>, window_params = [{transform_indices = @transform_0, window_bounds = array<i64: 2048, 128>}, {transform_indices = @transform_1, window_bounds = array<i64: 2048, 128>}, {transform_indices = @transform_2, window_bounds = array<i64: 2048, 128>}]} {
    %get3A = arith.constant 0 : index
    %get3A_0 = arith.constant 0 : index
    %get3A_1 = vector.load %arg1[%get3A, %get3A_0] : memref<2048x128xf32, #tpu.memory_space<vmem>>, vector<2048x128xf32>
    %get3A_2 = arith.constant 0 : index
    %get3A_3 = arith.constant 0 : index
    %get3A_4 = vector.load %arg2[%get3A_2, %get3A_3] : memref<2048x128xf32, #tpu.memory_space<vmem>>, vector<2048x128xf32>
    %mul3A = arith.mulf %get3A_1, %get3A_4 : vector<2048x128xf32>
    %swap3A = arith.constant 0 : index
    %swap3A_5 = arith.constant 0 : index
    %swap3A_6 = vector.load %arg3[%swap3A, %swap3A_5] : memref<2048x128xf32, #tpu.memory_space<vmem>>, vector<2048x128xf32>
    tpu.vector_store %arg3[%swap3A, %swap3A_5], %mul3A {strides = array<i32>} : memref<2048x128xf32, #tpu.memory_space<vmem>>, vector<2048x128xf32>,
    return
  }
  func.func @transform_0(%arg0: i32) -> (i32, i32) {
    %c0_i32 = arith.constant 0 : i32
    %c0_i32_0 = arith.constant 0 : i32
    return %arg0, %c0_i32 : i32, i32
  }
  func.func @transform_1(%arg0: i32) -> (i32, i32) {
    %c0_i32 = arith.constant 0 : i32
    %c0_i32_0 = arith.constant 0 : i32
    return %arg0, %c0_i32 : i32, i32
  }
  func.func @transform_2(%arg0: i32) -> (i32, i32) {
    %c0_i32 = arith.constant 0 : i32
    %c0_i32_0 = arith.constant 0 : i32
    return %arg0, %c0_i32 : i32, i32
  }
}

module attributes {stable_mosaic.version = 14 : i64} {
  func.func @_mid_body(%arg0: i32, %arg1: memref<2x2048x128xf32, #tpu.memory_space<vmem>>, %arg2: memref<2048x128xf32, #tpu.memory_space<vmem>>, %arg3: memref<2048x128xf32, #tpu.memory_space<vmem>>, %arg4: memref<1x128xf32, #tpu.memory_space<vmem>>, %arg5: memref<128x128xf32, #tpu.memory_space<vmem>>, %arg6: memref<2048x128xf32, #tpu.memory_space<vmem>>) attributes {dimension_semantics = [#tpu.dimension_semantics<arbitrary>], iteration_bounds = array<i64: 5>, scalar_prefetch = 0 : i64, scratch_operands = 0 : i64, tpu.core_type = #tpu.core_type<tc>, window_params = [{transform_indices = @transform_0, window_bounds = array<i64: 2, 2048, 128>}, {transform_indices = @transform_1, window_bounds = array<i64: 2048, 128>}, {transform_indices = @transform_2, window_bounds = array<i64: 2048, 128>}, {pipeline_mode = #tpu.pipeline_mode<synchronous>, transform_indices = @transform_3, window_bounds = array<i64: 1, 128>}, {pipeline_mode = #tpu.pipeline_mode<synchronous>, transform_indices = @transform_4, window_bounds = array<i64: 128, 128>}, {transform_indices = @transform_5, window_bounds = array<i64: 2048, 128>}]} {
    %get3A = arith.constant 0 : index
    %get3A_0 = arith.constant 0 : index
    %get3A_1 = arith.constant 0 : index
    %get3A_2 = vector.load %arg1[%get3A, %get3A_0, %get3A_1] : memref<2x2048x128xf32, #tpu.memory_space<vmem>>, vector<1x2048x128xf32>
    %get3A_3 = vector.shape_cast %get3A_2 : vector<1x2048x128xf32> to vector<2048x128xf32>
    %get3A_4 = arith.constant 1 : index
    %get3A_5 = arith.constant 0 : index
    %get3A_6 = arith.constant 0 : index
    %get3A_7 = vector.load %arg1[%get3A_4, %get3A_5, %get3A_6] : memref<2x2048x128xf32, #tpu.memory_space<vmem>>, vector<1x2048x128xf32>
    %get3A_8 = vector.shape_cast %get3A_7 : vector<1x2048x128xf32> to vector<2048x128xf32>
    %add3A = arith.addf %get3A_3, %get3A_8 : vector<2048x128xf32>
    %get3A_9 = arith.constant 0 : index
    %get3A_10 = arith.constant 0 : index
    %get3A_11 = vector.load %arg2[%get3A_9, %get3A_10] : memref<2048x128xf32, #tpu.memory_space<vmem>>, vector<2048x128xf32>
    %mul3A = arith.mulf %add3A, %get3A_11 : vector<2048x128xf32>
    %get3A_12 = arith.constant 0 : index
    %get3A_13 = arith.constant 0 : index
    %get3A_14 = vector.load %arg4[%get3A_12, %get3A_13] : memref<1x128xf32, #tpu.memory_space<vmem>>, vector<1x128xf32>
    %add3A_15 = vector.broadcast %get3A_14 : vector<1x128xf32> to vector<2048x128xf32>
    %add3A_16 = arith.addf %mul3A, %add3A_15 : vector<2048x128xf32>
    %logistic3A = arith.negf %add3A_16 : vector<2048x128xf32>
    %logistic3A_17 = math.exp %logistic3A : vector<2048x128xf32>
    %logistic3A_18 = arith.constant 1.000000e+00 : f32
    %logistic3A_19 = vector.broadcast %logistic3A_18 : f32 to vector<2048x128xf32>
    %logistic3A_20 = arith.addf %logistic3A_19, %logistic3A_17 : vector<2048x128xf32>
    %logistic3A_21 = arith.divf %logistic3A_19, %logistic3A_20 : vector<2048x128xf32>
    %get3A_22 = arith.constant 0 : index
    %get3A_23 = arith.constant 0 : index
    %get3A_24 = vector.load %arg3[%get3A_22, %get3A_23] : memref<2048x128xf32, #tpu.memory_space<vmem>>, vector<2048x128xf32>
    %mul3A_25 = arith.mulf %logistic3A_21, %get3A_24 : vector<2048x128xf32>
    %get3A_26 = arith.constant 0 : index
    %get3A_27 = arith.constant 0 : index
    %get3A_28 = vector.load %arg5[%get3A_26, %get3A_27] : memref<128x128xf32, #tpu.memory_space<vmem>>, vector<128x128xf32>
    %dot_general3A = arith.constant dense<0.000000e+00> : vector<2048x128xf32>
    %dot_general3A_29 = tpu.matmul %mul3A_25, %get3A_28, %dot_general3A {dimension_numbers = #tpu.dot_dimension_numbers<[1], [0], [0], [1], [0, 0, 1, 1], [], []>, transpose_lhs_hint = false} : vector<2048x128xf32>, vector<128x128xf32>, vector<2048x128xf32> -> vector<2048x128xf32>
    %swap3A = arith.constant 0 : index
    %swap3A_30 = arith.constant 0 : index
    %swap3A_31 = vector.load %arg6[%swap3A, %swap3A_30] : memref<2048x128xf32, #tpu.memory_space<vmem>>, vector<2048x128xf32>
    tpu.vector_store %arg6[%swap3A, %swap3A_30], %dot_general3A_29 {strides = array<i32>} : memref<2048x128xf32, #tpu.memory_space<vmem>>, vector<2048x128xf32>,
    return
  }
  func.func @transform_0(%arg0: i32) -> (i32, i32, i32) {
    %c0_i32 = arith.constant 0 : i32
    %c0_i32_0 = arith.constant 0 : i32
    %c0_i32_1 = arith.constant 0 : i32
    return %c0_i32, %arg0, %c0_i32_0 : i32, i32, i32
  }
  func.func @transform_1(%arg0: i32) -> (i32, i32) {
    %c0_i32 = arith.constant 0 : i32
    %c0_i32_0 = arith.constant 0 : i32
    return %arg0, %c0_i32 : i32, i32
  }
  func.func @transform_2(%arg0: i32) -> (i32, i32) {
    %c0_i32 = arith.constant 0 : i32
    %c0_i32_0 = arith.constant 0 : i32
    return %arg0, %c0_i32 : i32, i32
  }
  func.func @transform_3(%arg0: i32) -> (i32, i32) {
    %c0_i32 = arith.constant 0 : i32
    %c0_i32_0 = arith.constant 0 : i32
    %c0_i32_1 = arith.constant 0 : i32
    return %c0_i32, %c0_i32_0 : i32, i32
  }
  func.func @transform_4(%arg0: i32) -> (i32, i32) {
    %c0_i32 = arith.constant 0 : i32
    %c0_i32_0 = arith.constant 0 : i32
    %c0_i32_1 = arith.constant 0 : i32
    return %c0_i32, %c0_i32_0 : i32, i32
  }
  func.func @transform_5(%arg0: i32) -> (i32, i32) {
    %c0_i32 = arith.constant 0 : i32
    %c0_i32_0 = arith.constant 0 : i32
    return %arg0, %c0_i32 : i32, i32
  }
}

module attributes {stable_mosaic.version = 14 : i64} {
  func.func @_final_body(%arg0: i32, %arg1: memref<2x2048x128xf32, #tpu.memory_space<vmem>>, %arg2: memref<2048x128xf32, #tpu.memory_space<vmem>>, %arg3: memref<1x128xf32, #tpu.memory_space<vmem>>, %arg4: memref<2048x128xf32, #tpu.memory_space<vmem>>) attributes {dimension_semantics = [#tpu.dimension_semantics<arbitrary>], iteration_bounds = array<i64: 5>, scalar_prefetch = 0 : i64, scratch_operands = 0 : i64, tpu.core_type = #tpu.core_type<tc>, window_params = [{transform_indices = @transform_0, window_bounds = array<i64: 2, 2048, 128>}, {transform_indices = @transform_1, window_bounds = array<i64: 2048, 128>}, {pipeline_mode = #tpu.pipeline_mode<synchronous>, transform_indices = @transform_2, window_bounds = array<i64: 1, 128>}, {transform_indices = @transform_3, window_bounds = array<i64: 2048, 128>}]} {
    %get3A = arith.constant 0 : index
    %get3A_0 = arith.constant 0 : index
    %get3A_1 = arith.constant 0 : index
    %get3A_2 = vector.load %arg1[%get3A, %get3A_0, %get3A_1] : memref<2x2048x128xf32, #tpu.memory_space<vmem>>, vector<1x2048x128xf32>
    %get3A_3 = vector.shape_cast %get3A_2 : vector<1x2048x128xf32> to vector<2048x128xf32>
    %get3A_4 = arith.constant 1 : index
    %get3A_5 = arith.constant 0 : index
    %get3A_6 = arith.constant 0 : index
    %get3A_7 = vector.load %arg1[%get3A_4, %get3A_5, %get3A_6] : memref<2x2048x128xf32, #tpu.memory_space<vmem>>, vector<1x2048x128xf32>
    %get3A_8 = vector.shape_cast %get3A_7 : vector<1x2048x128xf32> to vector<2048x128xf32>
    %add3A = arith.addf %get3A_3, %get3A_8 : vector<2048x128xf32>
    %get3A_9 = arith.constant 0 : index
    %get3A_10 = arith.constant 0 : index
    %get3A_11 = vector.load %arg2[%get3A_9, %get3A_10] : memref<2048x128xf32, #tpu.memory_space<vmem>>, vector<2048x128xf32>
    %mul3A = arith.mulf %add3A, %get3A_11 : vector<2048x128xf32>
    %get3A_12 = arith.constant 0 : index
    %get3A_13 = arith.constant 0 : index
    %get3A_14 = vector.load %arg3[%get3A_12, %get3A_13] : memref<1x128xf32, #tpu.memory_space<vmem>>, vector<1x128xf32>
    %add3A_15 = vector.broadcast %get3A_14 : vector<1x128xf32> to vector<2048x128xf32>
    %add3A_16 = arith.addf %mul3A, %add3A_15 : vector<2048x128xf32>
    %logistic3A = arith.negf %add3A_16 : vector<2048x128xf32>
    %logistic3A_17 = math.exp %logistic3A : vector<2048x128xf32>
    %logistic3A_18 = arith.constant 1.000000e+00 : f32
    %logistic3A_19 = vector.broadcast %logistic3A_18 : f32 to vector<2048x128xf32>
    %logistic3A_20 = arith.addf %logistic3A_19, %logistic3A_17 : vector<2048x128xf32>
    %logistic3A_21 = arith.divf %logistic3A_19, %logistic3A_20 : vector<2048x128xf32>
    %swap3A = arith.constant 0 : index
    %swap3A_22 = arith.constant 0 : index
    %swap3A_23 = vector.load %arg4[%swap3A, %swap3A_22] : memref<2048x128xf32, #tpu.memory_space<vmem>>, vector<2048x128xf32>
    tpu.vector_store %arg4[%swap3A, %swap3A_22], %logistic3A_21 {strides = array<i32>} : memref<2048x128xf32, #tpu.memory_space<vmem>>, vector<2048x128xf32>,
    return
  }
  func.func @transform_0(%arg0: i32) -> (i32, i32, i32) {
    %c0_i32 = arith.constant 0 : i32
    %c0_i32_0 = arith.constant 0 : i32
    %c0_i32_1 = arith.constant 0 : i32
    return %c0_i32, %arg0, %c0_i32_0 : i32, i32, i32
  }
  func.func @transform_1(%arg0: i32) -> (i32, i32) {
    %c0_i32 = arith.constant 0 : i32
    %c0_i32_0 = arith.constant 0 : i32
    return %arg0, %c0_i32 : i32, i32
  }
  func.func @transform_2(%arg0: i32) -> (i32, i32) {
    %c0_i32 = arith.constant 0 : i32
    %c0_i32_0 = arith.constant 0 : i32
    %c0_i32_1 = arith.constant 0 : i32
    return %c0_i32, %c0_i32_0 : i32, i32
  }
  func.func @transform_3(%arg0: i32) -> (i32, i32) {
    %c0_i32 = arith.constant 0 : i32
    %c0_i32_0 = arith.constant 0 : i32
    return %arg0, %c0_i32 : i32, i32
  }
}

</mosaic_0001>

<sc_bundles>
// kernel: kernel.12.cloned.1.call-start
scs
__scs_entry_jumppad:
0x0: {  	(pc) =	sbr.rel $0x88, $3  }
0x1: {  	(tag) =	ssettag $0x0;
	lr =	simm.s32 $0x1  }
0x2: {  	[smem:$0x3F99] =	sst lr;
	_ =	strace $0xD0000000  }
0x3: {  	_ = 	snop  }
0x4: {  	_ = 	snop  }
0x5: {  	_ = 	snop  }
0x6: {  	_ = 	snop  }
0x7: {  	_ = 	snop  }
__scs_overlays_trampoline_lowered:
0x8: {  	[smem:$0x3FA8] =	sst s0  }
0x9: {  	[smem:$0x3FA9] =	sst s1  }
0xa: {  	[smem:$0x3FAA] =	sst s2  }
0xb: {  	[smem:$0x3FAB] =	sst s3  }
0xc: {  	[smem:$0x3FAC] =	sst s4  }
0xd: {  	[smem:$0x3FAD] =	sst s5  }
0xe: {  	[smem:$0x3FAE] =	sst s6  }
0xf: {  	[smem:$0x3FAF] =	sst s7  }
0x10: {  	[smem:$0x3FB0] =	sst s8  }
0x11: {  	[smem:$0x3FB1] =	sst s9;
	s0 =	simm.s32 @!p0 $0x0  }
0x12: {  	s1 =	sld [smem:$0x3F97];
	s0 =	simm.s32 @p0 $0x1  }
0x13: {  	[smem:$0x3FB2] =	sst s0;
	s0 =	simm.s32 @!p1 $0x0  }
0x14: {  	s2 =	sld [smem:$0x3F96];
	s0 =	simm.s32 @p1 $0x1  }
0x15: {  	[smem:$0x3FB3] =	sst s0;
	s0 =	simm.s32 @!p2 $0x0  }
0x16: {  	s3 =	sld [smem:$0x3FDB];
	s0 =	simm.s32 @p2 $0x1  }
0x17: {  	s4 =	simm.s32 $0x1BF5;
	[smem:$0x3FB5] =	sst s0  }
0x18: {  	s0 =	sld [smem:$0x3F98];
	_ =	swait.ge [sflag:s4], $0x0  }
0x19: {  	s7 =	sld [smem:$0x3F99]  }
0x1a: {  	s8 =	sadd.s32 $0xFFFFE003, lr  }
0x1b: {  	s9 =	sadd.s32 $0xFFFFFEF7, lr;
	s5 =	simm.s32 $0xFFFFFFFF;
	p2 =	slt.u32 s8, $0xFFFFF086  }
0x1c: {  	p1 =	slt.u32 s9, $0xF7A;
	s5 =	simm.s32 @!p2 $0x0  }
0x1d: {  	s5 =	simm.s32 @p1 $0x1;
	p0 =	seq.s32 s7, s2  }
0x1e: {  	s7 =	smul.u32 @!p0 $0xF7A, s2;
	p2 =	seq.s32 @!p0 s5, $0x0  }
0x1f: {  	s9 =	smul.u32 $0xF7A, s1;
	s8 =	simm.s32 @!p0 $0x1BF5;
	p2 =	por !p2, p0  }
0x20: {  	[sflag:s8] =	ssyncset.s32 @!p0 $0xFFFFF086;
	s6 =	sadd.s32 @!p0 s3, s7;
	s7 =	simm.s32 @!p0 $0x108  }
0x21: {  	s3 =	sadd.s32 s3, s9;
	s6 =	sadd.s32 @!p0 $0x88, s6;
	s7 =	simm.s32 @p2 $0x1082  }
0x22: {  	[simem:s7], [sflag:s8] =	dma.local @!p0 [hbm:s6], $0xF7A  }
0x23: {  	s9 =	sor.u32 $0xD0000000, s2;
	s6 =	simm.s32 $0x108;
	_ =	swait.ge @!p0 [sflag:s8], $0x0  }
0x24: {  	s3 =	sadd.s32 $0x88, s3;
	s6 =	simm.s32 @!p1 $0x1082;
	[sflag:s4] =	ssyncset.s32 $0xFFFFF086  }
0x25: {  	[simem:s6], [sflag:s4] =	dma.local [hbm:s3], $0xF7A  }
0x26: {  	[smem:$0x3F99] =	sst s1;
	(tag) =	ssettag s2;
	_ =	strace s9  }
0x27: {  	s1 =	sld [smem:$0x3FA9]  }
0x28: {  	s2 =	sld [smem:$0x3FAA]  }
0x29: {  	s4 =	sld [smem:$0x3FAC]  }
0x2a: {  	p0 =	seq.s32 s5, $0x0;
	s5 =	sld [smem:$0x3FAD]  }
0x2b: {  	s6 =	sld [smem:$0x3FAE]  }
0x2c: {  	s7 =	sld [smem:$0x3FAF]  }
0x2d: {  	s3 =	simm.s32 $0x108;
	s8 =	sld [smem:$0x3FB0]  }
0x2e: {  	s3 =	simm.s32 @!p0 $0x1082;
	s9 =	sld [smem:$0x3FB1]  }
0x2f: {  	lr =	sadd.s32 s0, s3;
	s0 =	sld [smem:$0x3FA8]  }
0x30: {  	s3 =	sld [smem:$0x3FAB]  }
0x31: {  	[smem:$0x3FB4] =	sst s10  }
0x32: {  	s10 =	sld [smem:$0x3FB2];
	_ =	sdelay $0x3  }
0x33: {  	p0 =	seq.s32 s10, $0x1;
	s10 =	sld [smem:$0x3FB4];
	_ =	sdelay $0x3  }
0x34: {  	[smem:$0x3FB4] =	sst s10  }
0x35: {  	s10 =	sld [smem:$0x3FB3];
	_ =	sdelay $0x3  }
0x36: {  	p1 =	seq.s32 s10, $0x1;
	s10 =	sld [smem:$0x3FB4];
	_ =	sdelay $0x3  }
0x37: {  	[smem:$0x3FB4] =	sst s10  }
0x38: {  	s10 =	sld [smem:$0x3FB5]  }
0x39: {  	_ = 	snop;
	(pc) =	sbr.ind lr, $3  }
0x3a: {  	_ = 	snop  }
0x3b: {  	_ = 	snop  }
0x3c: {  	p2 =	seq.s32 s10, $0x1;
	s10 =	sld [smem:$0x3FB4]  }
0x3d: {  	_ =	shalt  }
0x3e: {  	_ =	shalt  }
0x3f: {  	_ =	shalt  }
0x40: {  	_ =	shalt  }
0x41: {  	_ =	shalt  }
0x42: {  	_ =	shalt  }
0x43: {  	_ =	shalt  }
0x44: {  	_ =	shalt  }
0x45: {  	_ =	shalt  }
0x46: {  	_ =	shalt  }
0x47: {  	_ =	shalt  }
0x48: {  	_ =	shalt  }
0x49: {  	_ =	shalt  }
0x4a: {  	_ =	shalt  }
0x4b: {  	_ =	shalt  }
0x4c: {  	_ =	shalt  }
0x4d: {  	_ =	shalt  }
0x4e: {  	_ =	shalt  }
0x4f: {  	_ =	shalt  }
0x50: {  	_ =	shalt  }
0x51: {  	_ =	shalt  }
0x52: {  	_ =	shalt  }
0x53: {  	_ =	shalt  }
0x54: {  	_ =	shalt  }
0x55: {  	_ =	shalt  }
0x56: {  	_ =	shalt  }
0x57: {  	_ =	shalt  }
0x58: {  	_ =	shalt  }
0x59: {  	_ =	shalt  }
0x5a: {  	_ =	shalt  }
0x5b: {  	_ =	shalt  }
0x5c: {  	_ =	shalt  }
0x5d: {  	_ =	shalt  }
0x5e: {  	_ =	shalt  }
0x5f: {  	_ =	shalt  }
0x60: {  	_ =	shalt  }
0x61: {  	_ =	shalt  }
0x62: {  	_ =	shalt  }
0x63: {  	_ =	shalt  }
0x64: {  	_ =	shalt  }
0x65: {  	_ =	shalt  }
0x66: {  	_ =	shalt  }
0x67: {  	_ =	shalt  }
0x68: {  	_ =	shalt  }
0x69: {  	_ =	shalt  }
0x6a: {  	_ =	shalt  }
0x6b: {  	_ =	shalt  }
0x6c: {  	_ =	shalt  }
0x6d: {  	_ =	shalt  }
0x6e: {  	_ =	shalt  }
0x6f: {  	_ =	shalt  }
0x70: {  	_ =	shalt  }
0x71: {  	_ =	shalt  }
0x72: {  	_ =	shalt  }
0x73: {  	_ =	shalt  }
0x74: {  	_ =	shalt  }
0x75: {  	_ =	shalt  }
0x76: {  	_ =	shalt  }
0x77: {  	_ =	shalt  }
0x78: {  	_ =	shalt  }
0x79: {  	_ =	shalt  }
0x7a: {  	_ =	shalt  }
0x7b: {  	_ =	shalt  }
0x7c: {  	_ =	shalt  }
0x7d: {  	_ =	shalt  }
0x7e: {  	_ =	shalt  }
0x7f: {  	_ =	shalt  }
0x80: {  	_ =	shalt  }
0x81: {  	_ =	shalt  }
0x82: {  	_ =	shalt  }
0x83: {  	_ =	shalt  }
0x84: {  	_ =	shalt  }
0x85: {  	_ =	shalt  }
0x86: {  	_ =	shalt  }
0x87: {  	_ =	shalt  }
.Lfunc_end0:
.L_simem_size_0:
called_computation_lowered:
.L_overlay_start_0:
0x88: {  	s2 =	sld [smem:$0x3FD9]  }
0x89: {  	s3 =	sld [smem:$0x3FFE];
	_ =	sdelay $0x1  }
0x8a: {  	s1 =	srdreg.scid  }
0x8b: {  	s0 =	sand.u32 $0x1, s1  }
0x8c: {  	s17 =	sshll.u32 s0, $0xA;
	s2 =	sadd.s32 s3, s2  }
0x8d: {  	s2 =	sadd.s32 s2, s17  }
0x8e: {  	[smem:$0x3FC0] =	sst s2  }
0x8f: {  	_ = 	snop  }
0x90: {  	s2 =	sld [smem:$0x3FD0];
	(tm) =	ssettm $0x1  }
0x91: {  	s18 =	sld [smem:$0x3FFB];
	_ =	sdelay $0x3  }
0x92: {  	_ =	strace s18  }
0x93: {  	s3 =	sld [smem:$0x3FFC];
	_ =	sdelay $0x3  }
0x94: {  	_ =	strace s3  }
0x95: {  	s3 =	sld [smem:$0x3FFD];
	_ =	sdelay $0x3  }
0x96: {  	_ =	strace s3  }
0x97: {  	_ =	strace $0x8FFFFFFF  }
0x98: {  	s19 =	sld [smem:$0x3FDB];
	_ =	sdelay $0x1  }
0x99: {  	s4 =	simm.s32 $_scs_section_size  }
0x9a: {  	s5 =	simm.s32 $_size__tile_overlayer_lowered;
	s6 =	simm.s32 $_tile_overlayer_lowered  }
0x9b: {  	s22 =	simm.s32 $0x1BFF;
	s21 =	sshll.u32 s6, $0x1;
	s3 =	sadd.s32 s4, s19  }
0x9c: {  	s7 =	simm.s32 $0x0;
	s20 =	sshll.u32 s5, $0x1;
	s5 =	sadd.s32 s21, s3  }
0x9d: {  	[timem:s7], [sflag:s22] =	dma.local [hbm:s5], s20  }
0x9e: {  	_ =	swait.ge [sflag:s22], s20  }
0x9f: {  	s4 =	ssub.s32 $0x0, s20;
	[sflag:s22] =	ssyncset.done $0x0  }
0xa0: {  	[sflag:s22] =	ssyncadd.s32 s4;
	_ =	sdelay $0x1  }
0xa1: {  	s23 =	simm.s32 $0x1B8B  }
0xa2: {  	_ =	swait.ge [sflag:s23], $0x1  }
0xa3: {  	[sflag:s23] =	ssyncset.done $0x0  }
0xa4: {  	s25 =	simm.s32 $0x1B8E;
	s24 =	sld [smem:$0x3FFE];
	[sflag:s23] =	ssyncadd.s32 $0xFFFFFFFF  }
0xa5: {  	s26 =	simm.s32 $execute0_lowered;
	[smem:$0x3FD2] =	sst s25  }
0xa6: {  	s5 =	sshll.u32 s26, $0x1;
	_ =	strace $0x80000046;
	[dreg:$0x1] =	wrdreg $0xFFFFFFFF  }
0xa7: {  	s28 =	simm.s32 $_size_execute0_lowered;
	s3 =	sadd.s32 s3, s5;
	[dreg:$0x0] =	wrdreg $0x0  }
0xa8: {  	s5 =	sshll.u32 s28, $0x1;
	[dreg:$0x2] =	wrdreg s3  }
0xa9: {  	[dreg:$0x3] =	wrdreg s5  }
0xaa: {  	[dreg:$0x4] =	wrdreg $0xC0  }
0xab: {  	_ =	task [dreg:s7], $0x5FFFF  }
0xac: {  	[dreg:$0x1] =	wrdreg $0xFFFFFFFF  }
0xad: {  	[dreg:$0x0] =	wrdreg $0x60  }
0xae: {  	[dreg:$0x2] =	wrdreg s24  }
0xaf: {  	[dreg:$0x3] =	wrdreg s2  }
0xb0: {  	[dreg:$0x4] =	wrdreg $0xCF800  }
0xb1: {  	[dreg:$0x5] =	wrdreg $0xD3800  }
0xb2: {  	[dreg:$0x6] =	wrdreg $0x9  }
0xb3: {  	_ =	task.clear_ibuf [dreg:s7], $0x7FFFF;
	_ =	strace $0x90000046  }
0xb4: {  	s29 =	simm.s32 $0x9;
	_ =	strace $0x80000048  }
0xb5: {  	_ =	swait.ge [sflag:s29], $0x1  }
0xb6: {  	[sflag:s29] =	ssyncadd.s32 $0xFFFFFFFF  }
0xb7: {  	_ =	strace $0x90000048  }
0xb8: {  	_ =	sfence  }
0xb9: {  	s30 =	sld [smem:$0x0];
	_ =	sdelay $0x2  }
0xba: {  	s31 =	sshll.u32 s1, $0xD;
	s1 =	sshrl.u32 s1, $0x2  }
0xbb: {  	s3 =	sand.u32 $0x4000, s31;
	s1 =	sadd.s32 s1, s30  }
0xbc: {  	s0 =	sor.u32 s3, s0;
	s1 =	sshll.u32 s1, $0x11  }
0xbd: {  	s0 =	sor.u32 s1, s0  }
0xbe: {  	s0 =	sadd.s32 $0x8F2B, s0  }
0xbf: {  	[sflag:s0] =	ssyncadd.remote.s32 $0x1  }
0xc0: {  	_ =	sfence.sel $0xFFFF  }
0xc1: {  	[dreg:$0x0] =	wrdreg $0xFFFFFFFF;
	(pc) =	sbr.abs _section_cstart, $3  }
0xc2: {  	[dreg:$0x1] =	wrdreg $0xFFFFFFFF  }
0xc3: {  	_ =	task.clear_ibuf [dreg:s7], $0x2FFFF;
	_ =	strace $0x9FFFFFFF  }
0xc4: {  	(tm) =	ssettm $0x7FFFFFFF  }
0xc5: {  	_ =	shalt  }
tec
execute0_lowered:
.L_overlay_start_1:
0x0: {  	(tag) =	ssettag $0x1  }
0x1: {  	s7 =	rddreg [dreg:$0x0]  }
0x2: {  	s8 =	rddreg [dreg:$0x1]  }
0x3: {  	s1 =	srdreg.scid;
	s2 =	rddreg [dreg:$0x2]  }
0x4: {  	s0 =	stileid.u32;
	s3 =	rddreg [dreg:$0x3]  }
0x5: {  	s4 =	simm.s32 $0x0;
	s14 =	simm.s32 $0x1;
	s15 =	simm.s32 $0x8F00  }
0x6: {  	s16 =	simm.s32 $0xCF00;
	s17 =	simm.s32 $0x2780;
	s21 =	simm.s32 $0x80  }
0x7: {  	s22 =	simm.s32 $0x0;
	s6 =	sand.u32 $0x1, s1;
	s1 =	rddreg [dreg:$0x4]  }
0x8: {  	s28 =	sshll.u32 s0, $0x1;
	[smem:$0x7FF] =	sst s4;
	s10 =	sshll.u32 s0, $0xA  }
0x9: {  	s31 =	sshll.u32 s0, $0x7;
	s18 =	sshll.u32 s0, $0x6;
	s5 =	sor.u32 s6, s28  }
0xa: {  	s29 =	sshll.u32 s6, $0xF;
	_ =	strace $0x80000047;
	s13 =	ssub.s32 $0x2, s6  }
0xb: {  	s6 =	sadd.s32 $0xC600, s7;
	s19 =	sadd.s32 s10, s2;
	s20 =	sadd.s32 s10, s3  }
0xc: {  	s18 =	sor.u32 $0x1C01, s18;
	s9 =	smul.u32 $0x4E2, s5;
	s12 =	sor.u32 s10, s29  }
0xd: {  	s5 =	sadd.s32 $0xC800, s7;
	s30 =	sshrl.u32 s13, $0x1;
	s19 =	sshrl.u32 s19, $0x3  }
0xe: {  	s20 =	sshrl.u32 s20, $0x3;
	s12 =	sshrl.u32 s12, $0x3;
	s13 =	ssub.s32 s13, s30  }
0xf: {  	s11 =	sadd.s32 s9, s7;
	s12 =	sadd.s32 s12, s7;
	s8 =	sadd.s32 s8, s9  }
0x10: {  	s9 =	sadd.s32 s5, s31;
	s7 =	sadd.s32 $0x2800, s11;
	s10 =	sadd.s32 $0xD000, s12  }
0x11: {  	v0 =	vimm.f32 $1.000000000e+00;
	s11 =	sadd.s32 $0xD800, s12;
	s12 =	smax.u32 s13, $0x1;
	s13 =	simm.s32 $0x4F00  }
.LBB2_1:
0x12: {  	[tilespmem:s13], [sflag:$0x1] =	stream.linear.gather [hbm4b:s5+s4], $0x4000, $0x38;
	[tilespmem:$0xD780] =	vst v63  }
0x13: {  	_ =	swait.ge [sflag:s14], $0x4000  }
0x14: {  	[sflag:s14] =	ssyncset.done $0x0  }
0x15: {  	[sflag:s14] =	ssyncadd.s32 $0xFFFFC000  }
0x16: {  	[tilespmem:s15], [sflag:$0x1] =	stream.linear.gather [hbm4b:s5+s4], $0x4000, $0x38;
	[tilespmem:$0xD780] =	vst v63  }
0x17: {  	_ =	swait.ge [sflag:s14], $0x4000  }
0x18: {  	[sflag:s14] =	ssyncset.done $0x0  }
0x19: {  	[sflag:s14] =	ssyncadd.s32 $0xFFFFC000  }
0x1a: {  	[tilespmem:s16], [sflag:$0x1] =	stream.linear.gather [hbm4b:s6+s4], $0x80, $0x38;
	[tilespmem:$0xD780] =	vst v63  }
0x1b: {  	_ =	swait.ge [sflag:s14], $0x80  }
0x1c: {  	[sflag:s14] =	ssyncset.done $0x0  }
0x1d: {  	[sflag:s14] =	ssyncadd.s32 $0xFFFFFF80  }
0x1e: {  	[tilespmem:s4], [sflag:$0x1] =	stream.linear.gather [hbm4b:s7+s4], $0x2710, $0x38;
	[tilespmem:$0xD780] =	vst v63  }
0x1f: {  	_ =	swait.ge [sflag:s14], $0x2710  }
0x20: {  	[sflag:s14] =	ssyncset.done $0x0  }
0x21: {  	[sflag:s14] =	ssyncadd.s32 $0xFFFFD8F0  }
0x22: {  	[tilespmem:s17], [sflag:$0x1] =	stream.linear.gather [hbm4b:s8+s4], $0x2710, $0x38;
	[tilespmem:$0xD780] =	vst v63  }
0x23: {  	_ =	swait.ge [sflag:s14], $0x2710  }
0x24: {  	[sflag:s14] =	ssyncset.done $0x0  }
0x25: {  	[sflag:s14] =	ssyncadd.s32 $0xFFFFD8F0  }
0x26: {  	[spmem:s19], [sflag:s18] =	dma.local [hbm:s9], $0x80  }
0x27: {  	_ =	swait.ge [sflag:s14], $0x80  }
0x28: {  	[sflag:s14] =	ssyncset.done $0x0  }
0x29: {  	[sflag:s14] =	ssyncadd.s32 $0xFFFFFF80  }
0x2a: {  	[spmem:s20], [sflag:s18] =	dma.local [hbm:s9], $0x80  }
0x2b: {  	_ =	swait.ge [sflag:s14], $0x80  }
0x2c: {  	[sflag:s14] =	ssyncset.done $0x0  }
0x2d: {  	s24 =	simm.s32 $0x0;
	s23 =	simm.s32 $0x40;
	[sflag:s14] =	ssyncadd.s32 $0xFFFFFF80  }
.LBB2_2:
0x2e: {  	p0 =	sne.s32 s23, $0x9C00;
	v1 =	vld [tilespmem:s24+$0x0];
	_ =	sdelay $0x7  }
0x2f: {  	[tilespmem:v1+s13+$0x0] =	vst.idx.add.f32.msk $0xffff, v0  }
0x30: {  	v1 =	vld [tilespmem:s24+$0x2780];
	_ =	sdelay $0x3  }
.Ltmp0:
0x31: {  	(pc) =	sbr.rel @p0 .LBB2_2-.Ltmp0, $2  }
0x32: {  	_ =	sdelay $0x2  }
0x33: {  	s24 =	sshra.s32 s23, $0x2;
	s23 =	sadd.s32 $0x40, s23;
	[tilespmem:v1+s15+$0x0] =	vst.idx.add.f32.msk $0xffff, v0  }
0x34: {  	v1 =	vld [tilespmem:s24+$0x0];
	_ =	sdelay $0x7  }
0x35: {  	[tilespmem:v1+s13+$0x0] =	vst.idx.add.f32.msk $0xffff, v0  }
0x36: {  	v1 =	vld [tilespmem:s24+$0x2780];
	_ =	sdelay $0x7  }
0x37: {  	[tilespmem:v1+s15+$0x0] =	vst.idx.add.f32.msk $0xffff, v0  }
0x38: {  	[bflag:$0x0] =	sbarrier.arrive $0xFFFF  }
0x39: {  	[spmem:s2] =	stream.indirect.scatter.add.f32 [tilespmem:s13], [sflag:$0x1], $0x80, s16, s21, $0xb8;
	[tilespmem:$0xD780] =	vst v63  }
0x3a: {  	_ =	swait.ge [sflag:s14], $0x4000  }
0x3b: {  	[sflag:s14] =	ssyncset.done $0x0  }
0x3c: {  	[sflag:s14] =	ssyncadd.s32 $0xFFFFC000  }
0x3d: {  	[spmem:s3] =	stream.indirect.scatter.add.f32 [tilespmem:s15], [sflag:$0x1], $0x80, s16, s21, $0xb8;
	[tilespmem:$0xD780] =	vst v63  }
0x3e: {  	_ =	swait.ge [sflag:s14], $0x4000  }
0x3f: {  	[sflag:s14] =	ssyncset.done $0x0  }
0x40: {  	[sflag:s14] =	ssyncadd.s32 $0xFFFFC000  }
0x41: {  	[bflag:$0x0] =	sbarrier.arrive $0xFFFF  }
0x42: {  	[hbm:s10], [sflag:s18] =	dma.local [spmem:s19], $0x80  }
0x43: {  	s22 =	sadd.s32 $0x1, s22;
	_ =	swait.ge [sflag:s14], $0x80  }
0x44: {  	p0 =	sne.s32 s22, s12;
	[sflag:s14] =	ssyncset.done $0x0  }
.Ltmp1:
0x45: {  	[sflag:s14] =	ssyncadd.s32 $0xFFFFFF80;
	(pc) =	sbr.rel @p0 .LBB2_1-.Ltmp1, $4  }
0x46: {  	[hbm:s11], [sflag:s18] =	dma.local [spmem:s20], $0x80  }
0x47: {  	_ =	swait.ge [sflag:s14], $0x80  }
0x48: {  	[sflag:s14] =	ssyncset.done $0x0  }
0x49: {  	[sflag:s14] =	ssyncadd.s32 $0xFFFFFF80  }
0x4a: {  	_ =	sfence.sel $0x180000  }
0x4b: {  	[bflag:$0x0] =	sbarrier.arrive $0xFFFF  }
0x4c: {  	p0 =	sne.s32 s0, $0x0;
	_ =	strace $0x90000047  }
0x4d: {  	s0 =	sadd.s32 @!p0 $0x100000, s1;
	[bflag:$0x2] =	sbarrier.arrive $0xFFFF  }
0x4e: {  	[sflag:s0] =	ssyncadd.tile.s32 @!p0 $0x1;
	_ =	shalt  }
.Lfunc_end2:
_tile_overlayer_lowered:
.L_overlay_start_2:
0x4f: {  	(tag) =	ssettag $0x2  }
0x50: {  	s0 =	rddreg [dreg:$0x0];
	s2 =	stileid.u32  }
0x51: {  	s1 =	rddreg [dreg:$0x1];
	p0 =	sne.s32 s2, $0x0  }
0x52: {  	s3 =	rddreg [dreg:$0x2];
	[bflag:$0x3] =	sbarrier.arrive $0xFFFF;
	s2 =	simm.s32 @!p0 $0x1C01  }
0x53: {  	[timem:s3], [sflag:s2] =	dma.local @!p0 [hbm:s0], s1  }
0x54: {  	s0 =	simm.s32 @!p0 $0x1  }
0x55: {  	_ =	swait.ge @!p0 [sflag:s0], s1  }
0x56: {  	s1 =	ssub.s32 @!p0 $0x0, s1;
	[sflag:s0] =	ssyncset.done @!p0 $0x0  }
0x57: {  	[sflag:s0] =	ssyncadd.s32 @!p0 s1  }
0x58: {  	[bflag:$0x3] =	sbarrier.arrive $0xFFFF  }
0x59: {  	_ =	shalt  }

// kernel: kernel.15.cloned.1.call-start
scs
__scs_entry_jumppad:
0x0: {  	(pc) =	sbr.rel $0x88, $3  }
0x1: {  	(tag) =	ssettag $0x0;
	lr =	simm.s32 $0x1  }
0x2: {  	[smem:$0x3F99] =	sst lr;
	_ =	strace $0xD0000000  }
0x3: {  	_ = 	snop  }
0x4: {  	_ = 	snop  }
0x5: {  	_ = 	snop  }
0x6: {  	_ = 	snop  }
0x7: {  	_ = 	snop  }
__scs_overlays_trampoline_lowered:
0x8: {  	[smem:$0x3FA8] =	sst s0  }
0x9: {  	[smem:$0x3FA9] =	sst s1  }
0xa: {  	[smem:$0x3FAA] =	sst s2  }
0xb: {  	[smem:$0x3FAB] =	sst s3  }
0xc: {  	[smem:$0x3FAC] =	sst s4  }
0xd: {  	[smem:$0x3FAD] =	sst s5  }
0xe: {  	[smem:$0x3FAE] =	sst s6  }
0xf: {  	[smem:$0x3FAF] =	sst s7  }
0x10: {  	[smem:$0x3FB0] =	sst s8  }
0x11: {  	[smem:$0x3FB1] =	sst s9;
	s0 =	simm.s32 @!p0 $0x0  }
0x12: {  	s1 =	sld [smem:$0x3F97];
	s0 =	simm.s32 @p0 $0x1  }
0x13: {  	[smem:$0x3FB2] =	sst s0;
	s0 =	simm.s32 @!p1 $0x0  }
0x14: {  	s2 =	sld [smem:$0x3F96];
	s0 =	simm.s32 @p1 $0x1  }
0x15: {  	[smem:$0x3FB3] =	sst s0;
	s0 =	simm.s32 @!p2 $0x0  }
0x16: {  	s3 =	sld [smem:$0x3FDB];
	s0 =	simm.s32 @p2 $0x1  }
0x17: {  	s4 =	simm.s32 $0x1BF5;
	[smem:$0x3FB5] =	sst s0  }
0x18: {  	s0 =	sld [smem:$0x3F98];
	_ =	swait.ge [sflag:s4], $0x0  }
0x19: {  	s7 =	sld [smem:$0x3F99]  }
0x1a: {  	s8 =	sadd.s32 $0xFFFFE003, lr  }
0x1b: {  	s9 =	sadd.s32 $0xFFFFFEF7, lr;
	s5 =	simm.s32 $0xFFFFFFFF;
	p2 =	slt.u32 s8, $0xFFFFF086  }
0x1c: {  	p1 =	slt.u32 s9, $0xF7A;
	s5 =	simm.s32 @!p2 $0x0  }
0x1d: {  	s5 =	simm.s32 @p1 $0x1;
	p0 =	seq.s32 s7, s2  }
0x1e: {  	s7 =	smul.u32 @!p0 $0xF7A, s2;
	p2 =	seq.s32 @!p0 s5, $0x0  }
0x1f: {  	s9 =	smul.u32 $0xF7A, s1;
	s8 =	simm.s32 @!p0 $0x1BF5;
	p2 =	por !p2, p0  }
0x20: {  	[sflag:s8] =	ssyncset.s32 @!p0 $0xFFFFF086;
	s6 =	sadd.s32 @!p0 s3, s7;
	s7 =	simm.s32 @!p0 $0x108  }
0x21: {  	s3 =	sadd.s32 s3, s9;
	s6 =	sadd.s32 @!p0 $0x88, s6;
	s7 =	simm.s32 @p2 $0x1082  }
0x22: {  	[simem:s7], [sflag:s8] =	dma.local @!p0 [hbm:s6], $0xF7A  }
0x23: {  	s9 =	sor.u32 $0xD0000000, s2;
	s6 =	simm.s32 $0x108;
	_ =	swait.ge @!p0 [sflag:s8], $0x0  }
0x24: {  	s3 =	sadd.s32 $0x88, s3;
	s6 =	simm.s32 @!p1 $0x1082;
	[sflag:s4] =	ssyncset.s32 $0xFFFFF086  }
0x25: {  	[simem:s6], [sflag:s4] =	dma.local [hbm:s3], $0xF7A  }
0x26: {  	[smem:$0x3F99] =	sst s1;
	(tag) =	ssettag s2;
	_ =	strace s9  }
0x27: {  	s1 =	sld [smem:$0x3FA9]  }
0x28: {  	s2 =	sld [smem:$0x3FAA]  }
0x29: {  	s4 =	sld [smem:$0x3FAC]  }
0x2a: {  	p0 =	seq.s32 s5, $0x0;
	s5 =	sld [smem:$0x3FAD]  }
0x2b: {  	s6 =	sld [smem:$0x3FAE]  }
0x2c: {  	s7 =	sld [smem:$0x3FAF]  }
0x2d: {  	s3 =	simm.s32 $0x108;
	s8 =	sld [smem:$0x3FB0]  }
0x2e: {  	s3 =	simm.s32 @!p0 $0x1082;
	s9 =	sld [smem:$0x3FB1]  }
0x2f: {  	lr =	sadd.s32 s0, s3;
	s0 =	sld [smem:$0x3FA8]  }
0x30: {  	s3 =	sld [smem:$0x3FAB]  }
0x31: {  	[smem:$0x3FB4] =	sst s10  }
0x32: {  	s10 =	sld [smem:$0x3FB2];
	_ =	sdelay $0x3  }
0x33: {  	p0 =	seq.s32 s10, $0x1;
	s10 =	sld [smem:$0x3FB4];
	_ =	sdelay $0x3  }
0x34: {  	[smem:$0x3FB4] =	sst s10  }
0x35: {  	s10 =	sld [smem:$0x3FB3];
	_ =	sdelay $0x3  }
0x36: {  	p1 =	seq.s32 s10, $0x1;
	s10 =	sld [smem:$0x3FB4];
	_ =	sdelay $0x3  }
0x37: {  	[smem:$0x3FB4] =	sst s10  }
0x38: {  	s10 =	sld [smem:$0x3FB5]  }
0x39: {  	_ = 	snop;
	(pc) =	sbr.ind lr, $3  }
0x3a: {  	_ = 	snop  }
0x3b: {  	_ = 	snop  }
0x3c: {  	p2 =	seq.s32 s10, $0x1;
	s10 =	sld [smem:$0x3FB4]  }
0x3d: {  	_ =	shalt  }
0x3e: {  	_ =	shalt  }
0x3f: {  	_ =	shalt  }
0x40: {  	_ =	shalt  }
0x41: {  	_ =	shalt  }
0x42: {  	_ =	shalt  }
0x43: {  	_ =	shalt  }
0x44: {  	_ =	shalt  }
0x45: {  	_ =	shalt  }
0x46: {  	_ =	shalt  }
0x47: {  	_ =	shalt  }
0x48: {  	_ =	shalt  }
0x49: {  	_ =	shalt  }
0x4a: {  	_ =	shalt  }
0x4b: {  	_ =	shalt  }
0x4c: {  	_ =	shalt  }
0x4d: {  	_ =	shalt  }
0x4e: {  	_ =	shalt  }
0x4f: {  	_ =	shalt  }
0x50: {  	_ =	shalt  }
0x51: {  	_ =	shalt  }
0x52: {  	_ =	shalt  }
0x53: {  	_ =	shalt  }
0x54: {  	_ =	shalt  }
0x55: {  	_ =	shalt  }
0x56: {  	_ =	shalt  }
0x57: {  	_ =	shalt  }
0x58: {  	_ =	shalt  }
0x59: {  	_ =	shalt  }
0x5a: {  	_ =	shalt  }
0x5b: {  	_ =	shalt  }
0x5c: {  	_ =	shalt  }
0x5d: {  	_ =	shalt  }
0x5e: {  	_ =	shalt  }
0x5f: {  	_ =	shalt  }
0x60: {  	_ =	shalt  }
0x61: {  	_ =	shalt  }
0x62: {  	_ =	shalt  }
0x63: {  	_ =	shalt  }
0x64: {  	_ =	shalt  }
0x65: {  	_ =	shalt  }
0x66: {  	_ =	shalt  }
0x67: {  	_ =	shalt  }
0x68: {  	_ =	shalt  }
0x69: {  	_ =	shalt  }
0x6a: {  	_ =	shalt  }
0x6b: {  	_ =	shalt  }
0x6c: {  	_ =	shalt  }
0x6d: {  	_ =	shalt  }
0x6e: {  	_ =	shalt  }
0x6f: {  	_ =	shalt  }
0x70: {  	_ =	shalt  }
0x71: {  	_ =	shalt  }
0x72: {  	_ =	shalt  }
0x73: {  	_ =	shalt  }
0x74: {  	_ =	shalt  }
0x75: {  	_ =	shalt  }
0x76: {  	_ =	shalt  }
0x77: {  	_ =	shalt  }
0x78: {  	_ =	shalt  }
0x79: {  	_ =	shalt  }
0x7a: {  	_ =	shalt  }
0x7b: {  	_ =	shalt  }
0x7c: {  	_ =	shalt  }
0x7d: {  	_ =	shalt  }
0x7e: {  	_ =	shalt  }
0x7f: {  	_ =	shalt  }
0x80: {  	_ =	shalt  }
0x81: {  	_ =	shalt  }
0x82: {  	_ =	shalt  }
0x83: {  	_ =	shalt  }
0x84: {  	_ =	shalt  }
0x85: {  	_ =	shalt  }
0x86: {  	_ =	shalt  }
0x87: {  	_ =	shalt  }
.Lfunc_end0:
.L_simem_size_0:
called_computation.1_lowered:
.L_overlay_start_0:
0x88: {  	s2 =	sld [smem:$0x3FD9]  }
0x89: {  	s3 =	sld [smem:$0x3FFE];
	_ =	sdelay $0x1  }
0x8a: {  	s1 =	srdreg.scid  }
0x8b: {  	s0 =	sand.u32 $0x1, s1  }
0x8c: {  	s17 =	sshll.u32 s0, $0xA;
	s2 =	sadd.s32 s3, s2  }
0x8d: {  	s2 =	sadd.s32 s2, s17  }
0x8e: {  	[smem:$0x3FC0] =	sst s2  }
0x8f: {  	_ = 	snop  }
0x90: {  	s2 =	sld [smem:$0x3FD0];
	(tm) =	ssettm $0x1  }
0x91: {  	s18 =	sld [smem:$0x3FFB];
	_ =	sdelay $0x3  }
0x92: {  	_ =	strace s18  }
0x93: {  	s3 =	sld [smem:$0x3FFC];
	_ =	sdelay $0x3  }
0x94: {  	_ =	strace s3  }
0x95: {  	s3 =	sld [smem:$0x3FFD];
	_ =	sdelay $0x3  }
0x96: {  	_ =	strace s3  }
0x97: {  	_ =	strace $0x8FFFFFFF  }
0x98: {  	s19 =	sld [smem:$0x3FDB];
	_ =	sdelay $0x1  }
0x99: {  	s4 =	simm.s32 $_scs_section_size  }
0x9a: {  	s5 =	simm.s32 $_size__tile_overlayer_lowered;
	s6 =	simm.s32 $_tile_overlayer_lowered  }
0x9b: {  	s22 =	simm.s32 $0x1BFF;
	s21 =	sshll.u32 s6, $0x1;
	s3 =	sadd.s32 s4, s19  }
0x9c: {  	s7 =	simm.s32 $0x0;
	s20 =	sshll.u32 s5, $0x1;
	s5 =	sadd.s32 s21, s3  }
0x9d: {  	[timem:s7], [sflag:s22] =	dma.local [hbm:s5], s20  }
0x9e: {  	_ =	swait.ge [sflag:s22], s20  }
0x9f: {  	s4 =	ssub.s32 $0x0, s20;
	[sflag:s22] =	ssyncset.done $0x0  }
0xa0: {  	[sflag:s22] =	ssyncadd.s32 s4;
	_ =	sdelay $0x1  }
0xa1: {  	s23 =	simm.s32 $0x1B8B  }
0xa2: {  	_ =	swait.ge [sflag:s23], $0x1  }
0xa3: {  	[sflag:s23] =	ssyncset.done $0x0  }
0xa4: {  	s25 =	simm.s32 $0x1B8E;
	s24 =	sld [smem:$0x3FFE];
	[sflag:s23] =	ssyncadd.s32 $0xFFFFFFFF  }
0xa5: {  	s26 =	simm.s32 $execute0_lowered;
	[smem:$0x3FD2] =	sst s25  }
0xa6: {  	s5 =	sshll.u32 s26, $0x1;
	_ =	strace $0x80000049;
	[dreg:$0x1] =	wrdreg $0xFFFFFFFF  }
0xa7: {  	s28 =	simm.s32 $_size_execute0_lowered;
	s3 =	sadd.s32 s3, s5;
	[dreg:$0x0] =	wrdreg $0x0  }
0xa8: {  	s5 =	sshll.u32 s28, $0x1;
	[dreg:$0x2] =	wrdreg s3  }
0xa9: {  	[dreg:$0x3] =	wrdreg s5  }
0xaa: {  	[dreg:$0x4] =	wrdreg $0xC0  }
0xab: {  	_ =	task [dreg:s7], $0x5FFFF  }
0xac: {  	[dreg:$0x1] =	wrdreg $0xFFFFFFFF  }
0xad: {  	[dreg:$0x0] =	wrdreg $0x60  }
0xae: {  	[dreg:$0x2] =	wrdreg s24  }
0xaf: {  	[dreg:$0x3] =	wrdreg s2  }
0xb0: {  	[dreg:$0x4] =	wrdreg $0x27800  }
0xb1: {  	[dreg:$0x5] =	wrdreg $0x9  }
0xb2: {  	_ =	task.clear_ibuf [dreg:s7], $0x6FFFF;
	_ =	strace $0x90000049  }
0xb3: {  	s29 =	simm.s32 $0x9;
	_ =	strace $0x8000004B  }
0xb4: {  	_ =	swait.ge [sflag:s29], $0x1  }
0xb5: {  	[sflag:s29] =	ssyncadd.s32 $0xFFFFFFFF  }
0xb6: {  	_ =	strace $0x9000004B  }
0xb7: {  	_ =	sfence  }
0xb8: {  	s30 =	sld [smem:$0x0];
	_ =	sdelay $0x2  }
0xb9: {  	s31 =	sshll.u32 s1, $0xD;
	s1 =	sshrl.u32 s1, $0x2  }
0xba: {  	s3 =	sand.u32 $0x4000, s31;
	s1 =	sadd.s32 s1, s30  }
0xbb: {  	s0 =	sor.u32 s3, s0;
	s1 =	sshll.u32 s1, $0x11  }
0xbc: {  	s0 =	sor.u32 s1, s0  }
0xbd: {  	s0 =	sadd.s32 $0x8F2B, s0  }
0xbe: {  	[sflag:s0] =	ssyncadd.remote.s32 $0x1  }
0xbf: {  	_ =	sfence.sel $0xFFFF  }
0xc0: {  	[dreg:$0x0] =	wrdreg $0xFFFFFFFF;
	(pc) =	sbr.abs _section_cstart, $3  }
0xc1: {  	[dreg:$0x1] =	wrdreg $0xFFFFFFFF  }
0xc2: {  	_ =	task.clear_ibuf [dreg:s7], $0x2FFFF;
	_ =	strace $0x9FFFFFFF  }
0xc3: {  	(tm) =	ssettm $0x7FFFFFFF  }
tec
execute0_lowered:
.L_overlay_start_1:
0x0: {  	(tag) =	ssettag $0x1  }
0x1: {  	s0 =	srdreg.scid;
	s1 =	rddreg [dreg:$0x0]  }
0x2: {  	s13 =	stileid.u32;
	s22 =	rddreg [dreg:$0x1]  }
0x3: {  	s3 =	rddreg [dreg:$0x2];
	s4 =	simm.s32 $0x0;
	s6 =	smul.u32 $0x14000, s13  }
0x4: {  	s28 =	simm.s32 $0x1CB80;
	s0 =	sand.u32 $0x1, s0;
	s12 =	smul.u32 $0x50000, s13  }
0x5: {  	s2 =	sshll.u32 s13, $0x1;
	[smem:$0x7FF] =	sst s4;
	s8 =	smul.u32 $0x140000, s0  }
0x6: {  	s2 =	sor.u32 s0, s2;
	s30 =	ssub.s32 $0x2, s0;
	s0 =	smul.u32 $0x2710, s0  }
0x7: {  	s5 =	sadd.s32 $0xC600, s1;
	_ =	strace $0x8000004A;
	s2 =	smul.u32 $0x2710, s2  }
0x8: {  	s10 =	sshrl.u32 s6, $0x3;
	s11 =	sshrl.u32 s30, $0x1;
	s6 =	sadd.s32 s6, s8  }
0x9: {  	s10 =	sadd.s32 s10, s1;
	s31 =	ssub.s32 s30, s11;
	s11 =	sshrl.u32 s12, $0x2  }
0xa: {  	s12 =	smul.u32 $0x4E20, s13;
	s7 =	sshrl.u32 s2, $0x3;
	s6 =	sshrl.u32 s6, $0x3  }
0xb: {  	s8 =	sadd.s32 s11, s3;
	s14 =	sadd.s32 $0x28, s2;
	s10 =	sadd.s32 $0x34600, s10  }
0xc: {  	s2 =	sadd.s32 $0x78, s2;
	s21 =	smax.u32 s31, $0x1;
	s31 =	sshll.u32 s13, $0x6  }
0xd: {  	s11 =	simm.s32 $0x7;
	s13 =	simm.s32 $0x8;
	s9 =	sadd.s32 s7, s1  }
0xe: {  	s1 =	sadd.s32 s6, s1;
	[dreg:$0x5] =	wrdreg s10;
	s15 =	sadd.s32 s22, s7  }
0xf: {  	s16 =	sshrl.u32 s14, $0x3;
	s0 =	sadd.s32 s0, s12;
	s2 =	sshrl.u32 s2, $0x3  }
0x10: {  	[dreg:$0xc] =	wrdreg s21;
	s10 =	simm.s32 $0x2;
	s12 =	simm.s32 $0x3  }
0x11: {  	s14 =	simm.s32 $0x4;
	s9 =	sadd.s32 $0x2800, s9;
	[dreg:$0x6] =	wrdreg s15  }
0x12: {  	s7 =	sadd.s32 s22, s16;
	s17 =	sadd.s32 $0xA, s15;
	[dreg:$0x4] =	wrdreg s9  }
0x13: {  	s18 =	sadd.s32 $0x168, s0;
	s2 =	sadd.s32 s22, s2;
	[dreg:$0x7] =	wrdreg s7  }
0x14: {  	s19 =	sadd.s32 $0x14, s15;
	s1 =	sadd.s32 $0x5C600, s1;
	[dreg:$0x8] =	wrdreg s17  }
0x15: {  	s24 =	sadd.s32 $0x140, s0;
	s25 =	sadd.s32 $0x118, s0;
	[dreg:$0x9] =	wrdreg s2  }
0x16: {  	s26 =	sadd.s32 $0xF0, s0;
	s0 =	sadd.s32 $0xC8, s0;
	[dreg:$0xa] =	wrdreg s19  }
0x17: {  	s15 =	simm.s32 $0x5;
	s16 =	simm.s32 $0xA;
	[dreg:$0xb] =	wrdreg s1  }
0x18: {  	s20 =	sshrl.u32 s18, $0x3;
	[dreg:$0x11] =	wrdreg s0;
	s17 =	sor.u32 $0x1C0B, s31  }
0x19: {  	s1 =	sshrl.u32 s24, $0x3;
	s18 =	sshrl.u32 s8, $0x3;
	[dreg:$0x12] =	wrdreg s17  }
0x1a: {  	s2 =	sshrl.u32 s25, $0x3;
	s23 =	sadd.s32 s20, s22;
	[dreg:$0x13] =	wrdreg s18  }
0x1b: {  	s6 =	sshrl.u32 s26, $0x3;
	s1 =	sadd.s32 s1, s22;
	[dreg:$0xd] =	wrdreg s23  }
0x1c: {  	s24 =	simm.s32 $0x28;
	s29 =	sadd.s32 s2, s22;
	[dreg:$0xe] =	wrdreg s1  }
0x1d: {  	s8 =	simm.s32 $0x9;
	s30 =	sadd.s32 s6, s22;
	[dreg:$0xf] =	wrdreg s29  }
0x1e: {  	s0 =	simm.s32 $0x0;
	s20 =	simm.s32 $0xB;
	[dreg:$0x10] =	wrdreg s30  }
.LBB2_1:
0x1f: {  	[dreg:$0x14] =	wrdreg s0  }
0x20: {  	s2 =	rddreg [dreg:$0x4]  }
0x21: {  	[tilespmem:s4], [sflag:$0xB] =	stream.linear.gather [hbm4b:s2+s4], $0x2710, $0x38;
	[tilespmem:$0x1CE00] =	vst v63  }
0x22: {  	_ =	swait.ge [sflag:s20], $0x2710  }
0x23: {  	[sflag:s20] =	ssyncset.done $0x0  }
0x24: {  	s29 =	rddreg [dreg:$0x5];
	[sflag:s20] =	ssyncadd.s32 $0xFFFFD8F0  }
0x25: {  	[spmem:s18], [sflag:s17] =	dma.local [hbm:s29], $0x2800  }
0x26: {  	_ =	swait.ge [sflag:s20], $0x2800  }
0x27: {  	[sflag:s20] =	ssyncset.done $0x0  }
0x28: {  	s17 =	simm.s32 $0x1CB80;
	s30 =	rddreg [dreg:$0x6];
	[sflag:s20] =	ssyncadd.s32 $0xFFFFD800  }
0x29: {  	[tilespmem:s17], [sflag:$0x6] =	stream.linear.gather [hbm4b:s30+s4], $0x28, $0x38;
	[tilespmem:$0x1CE00] =	vst v63  }
0x2a: {  	s18 =	simm.s32 $0x16780  }
0x2b: {  	[tilespmem:s18], [sflag:$0x1] =	stream.indirect.gather [hbm4b:s5+s24], $0x80, s4, s24, $0xb8;
	[tilespmem:$0x1CE00] =	vst v63  }
0x2c: {  	s21 =	simm.s32 $0x1CC00;
	s31 =	rddreg [dreg:$0x7]  }
0x2d: {  	[tilespmem:s21], [sflag:$0x7] =	stream.linear.gather [hbm4b:s31+s4], $0x28, $0x38;
	[tilespmem:$0x1CE00] =	vst v63  }
0x2e: {  	s1 =	simm.s32 $0x17B80  }
0x2f: {  	[tilespmem:s1], [sflag:$0x2] =	stream.indirect.gather [hbm4b:s5+s24], $0x80, s24, s24, $0xb8;
	[tilespmem:$0x1CE00] =	vst v63  }
0x30: {  	s23 =	simm.s32 $0x1CC80;
	s0 =	rddreg [dreg:$0x8]  }
0x31: {  	[tilespmem:s23], [sflag:$0x8] =	stream.linear.gather [hbm4b:s0+s4], $0x28, $0x38;
	[tilespmem:$0x1CE00] =	vst v63  }
0x32: {  	s6 =	simm.s32 $0x50;
	s0 =	simm.s32 $0x18F80  }
0x33: {  	[tilespmem:s0], [sflag:$0x3] =	stream.indirect.gather [hbm4b:s5+s24], $0x80, s6, s24, $0xb8;
	[tilespmem:$0x1CE00] =	vst v63  }
0x34: {  	s7 =	rddreg [dreg:$0x9];
	s6 =	simm.s32 $0x1CD00  }
0x35: {  	[tilespmem:s6], [sflag:$0x9] =	stream.linear.gather [hbm4b:s7+s4], $0x28, $0x38;
	[tilespmem:$0x1CE00] =	vst v63  }
0x36: {  	s9 =	simm.s32 $0x78;
	s7 =	simm.s32 $0x1A380  }
0x37: {  	[tilespmem:s7], [sflag:$0x4] =	stream.indirect.gather [hbm4b:s5+s24], $0x80, s9, s24, $0xb8;
	[tilespmem:$0x1CE00] =	vst v63  }
0x38: {  	s26 =	simm.s32 $0x1CD80;
	s19 =	rddreg [dreg:$0xa]  }
0x39: {  	[tilespmem:s26], [sflag:$0xA] =	stream.linear.gather [hbm4b:s19+s4], $0x28, $0x38;
	[tilespmem:$0x1CE00] =	vst v63  }
0x3a: {  	s25 =	simm.s32 $0xA0;
	s9 =	simm.s32 $0x1B780  }
0x3b: {  	[tilespmem:s9], [sflag:$0x5] =	stream.indirect.gather [hbm4b:s5+s24], $0x80, s25, s24, $0xb8;
	[tilespmem:$0x1CE00] =	vst v63  }
0x3c: {  	s29 =	simm.s32 $0x1;
	[bflag:$0x0] =	sbarrier.arrive $0xFFFF  }
0x3d: {  	_ =	swait.ge [sflag:s29], $0x1400  }
0x3e: {  	[sflag:s29] =	ssyncset.done $0x0  }
0x3f: {  	s30 =	simm.s32 $0x6;
	[sflag:s29] =	ssyncadd.s32 $0xFFFFEC00  }
0x40: {  	_ =	swait.ge [sflag:s30], $0x28  }
0x41: {  	[sflag:s30] =	ssyncset.done $0x0  }
0x42: {  	[sflag:s30] =	ssyncadd.s32 $0xFFFFFFD8  }
0x43: {  	[spmem:s3] =	stream.indirect.scatter.add.f32 [tilespmem:s18], [sflag:$0xB], $0x80, s17, s24, $0xb8;
	[tilespmem:$0x1CE00] =	vst v63  }
0x44: {  	_ =	swait.ge [sflag:s20], $0x1400  }
0x45: {  	s19 =	rddreg [dreg:$0x11]  }
0x46: {  	[sflag:s20] =	ssyncset.done $0x0;
	s31 =	sshrl.u32 s19, $0x3  }
0x47: {  	[sflag:s20] =	ssyncadd.s32 $0xFFFFEC00;
	s2 =	sadd.s32 s22, s31  }
0x48: {  	[tilespmem:s17], [sflag:$0x6] =	stream.linear.gather [hbm4b:s2+s4], $0x28, $0x38;
	[tilespmem:$0x1CE00] =	vst v63  }
0x49: {  	s17 =	simm.s32 $0xC8  }
0x4a: {  	[tilespmem:s18], [sflag:$0x1] =	stream.indirect.gather [hbm4b:s5+s24], $0x80, s17, s24, $0xb8;
	[tilespmem:$0x1CE00] =	vst v63  }
0x4b: {  	_ =	swait.ge [sflag:s10], $0x1400  }
0x4c: {  	[sflag:s10] =	ssyncset.done $0x0  }
0x4d: {  	[sflag:s10] =	ssyncadd.s32 $0xFFFFEC00  }
0x4e: {  	_ =	swait.ge [sflag:s11], $0x28  }
0x4f: {  	[sflag:s11] =	ssyncset.done $0x0  }
0x50: {  	[sflag:s11] =	ssyncadd.s32 $0xFFFFFFD8  }
0x51: {  	[spmem:s3] =	stream.indirect.scatter.add.f32 [tilespmem:s1], [sflag:$0xB], $0x80, s21, s24, $0xb8;
	[tilespmem:$0x1CE00] =	vst v63  }
0x52: {  	_ =	swait.ge [sflag:s20], $0x1400  }
0x53: {  	[sflag:s20] =	ssyncset.done $0x0  }
0x54: {  	s22 =	rddreg [dreg:$0x10];
	[sflag:s20] =	ssyncadd.s32 $0xFFFFEC00  }
0x55: {  	[tilespmem:s21], [sflag:$0x7] =	stream.linear.gather [hbm4b:s22+s4], $0x28, $0x38;
	[tilespmem:$0x1CE00] =	vst v63  }
0x56: {  	s18 =	simm.s32 $0xF0  }
0x57: {  	[tilespmem:s1], [sflag:$0x2] =	stream.indirect.gather [hbm4b:s5+s24], $0x80, s18, s24, $0xb8;
	[tilespmem:$0x1CE00] =	vst v63  }
0x58: {  	_ =	swait.ge [sflag:s12], $0x1400  }
0x59: {  	[sflag:s12] =	ssyncset.done $0x0  }
0x5a: {  	[sflag:s12] =	ssyncadd.s32 $0xFFFFEC00  }
0x5b: {  	_ =	swait.ge [sflag:s13], $0x28  }
0x5c: {  	[sflag:s13] =	ssyncset.done $0x0  }
0x5d: {  	[sflag:s13] =	ssyncadd.s32 $0xFFFFFFD8  }
0x5e: {  	[spmem:s3] =	stream.indirect.scatter.add.f32 [tilespmem:s0], [sflag:$0xB], $0x80, s23, s24, $0xb8;
	[tilespmem:$0x1CE00] =	vst v63  }
0x5f: {  	_ =	swait.ge [sflag:s20], $0x1400  }
0x60: {  	[sflag:s20] =	ssyncset.done $0x0  }
0x61: {  	s21 =	rddreg [dreg:$0xf];
	[sflag:s20] =	ssyncadd.s32 $0xFFFFEC00  }
0x62: {  	[tilespmem:s23], [sflag:$0x8] =	stream.linear.gather [hbm4b:s21+s4], $0x28, $0x38;
	[tilespmem:$0x1CE00] =	vst v63  }
0x63: {  	s29 =	simm.s32 $0x118  }
0x64: {  	[tilespmem:s0], [sflag:$0x3] =	stream.indirect.gather [hbm4b:s5+s24], $0x80, s29, s24, $0xb8;
	[tilespmem:$0x1CE00] =	vst v63  }
0x65: {  	_ =	swait.ge [sflag:s14], $0x1400  }
0x66: {  	[sflag:s14] =	ssyncset.done $0x0  }
0x67: {  	[sflag:s14] =	ssyncadd.s32 $0xFFFFEC00  }
0x68: {  	_ =	swait.ge [sflag:s8], $0x28  }
0x69: {  	[sflag:s8] =	ssyncset.done $0x0  }
0x6a: {  	[sflag:s8] =	ssyncadd.s32 $0xFFFFFFD8  }
0x6b: {  	[spmem:s3] =	stream.indirect.scatter.add.f32 [tilespmem:s7], [sflag:$0xB], $0x80, s6, s24, $0xb8;
	[tilespmem:$0x1CE00] =	vst v63  }
0x6c: {  	_ =	swait.ge [sflag:s20], $0x1400  }
0x6d: {  	[sflag:s20] =	ssyncset.done $0x0  }
0x6e: {  	s25 =	rddreg [dreg:$0xe];
	[sflag:s20] =	ssyncadd.s32 $0xFFFFEC00  }
0x6f: {  	[tilespmem:s6], [sflag:$0x9] =	stream.linear.gather [hbm4b:s25+s4], $0x28, $0x38;
	[tilespmem:$0x1CE00] =	vst v63  }
0x70: {  	s30 =	simm.s32 $0x140  }
0x71: {  	[tilespmem:s7], [sflag:$0x4] =	stream.indirect.gather [hbm4b:s5+s24], $0x80, s30, s24, $0xb8;
	[tilespmem:$0x1CE00] =	vst v63  }
0x72: {  	_ =	swait.ge [sflag:s15], $0x1400  }
0x73: {  	[sflag:s15] =	ssyncset.done $0x0  }
0x74: {  	[sflag:s15] =	ssyncadd.s32 $0xFFFFEC00  }
0x75: {  	_ =	swait.ge [sflag:s16], $0x28  }
0x76: {  	[sflag:s16] =	ssyncset.done $0x0  }
0x77: {  	s19 =	sadd.s32 $0xC8, s19;
	s22 =	sadd.s32 $0x19, s22;
	[sflag:s16] =	ssyncadd.s32 $0xFFFFFFD8  }
0x78: {  	[spmem:s3] =	stream.indirect.scatter.add.f32 [tilespmem:s9], [sflag:$0xB], $0x80, s26, s24, $0xb8;
	[tilespmem:$0x1CE00] =	vst v63  }
0x79: {  	s18 =	simm.s32 $0x320;
	s21 =	sadd.s32 $0x19, s21;
	_ =	swait.ge [sflag:s20], $0x1400  }
0x7a: {  	s23 =	simm.s32 $0x168;
	[sflag:s20] =	ssyncset.done $0x0;
	s31 =	rddreg [dreg:$0xd]  }
0x7b: {  	s2 =	sadd.s32 $0x19, s25;
	[sflag:s20] =	ssyncadd.s32 $0xFFFFEC00;
	s17 =	sadd.s32 $0x19, s31  }
0x7c: {  	[tilespmem:s26], [sflag:$0xA] =	stream.linear.gather [hbm4b:s31+s4], $0x28, $0x38;
	[tilespmem:$0x1CE00] =	vst v63  }
.LBB2_2:
0x7d: {  	s9 =	simm.s32 $0x1B780;
	s0 =	simm.s32 $0x1  }
0x7e: {  	[tilespmem:s9], [sflag:$0x5] =	stream.indirect.gather [hbm4b:s5+s24], $0x80, s23, s24, $0xb8;
	[tilespmem:$0x1CE00] =	vst v63  }
0x7f: {  	_ =	swait.ge [sflag:s0], $0x1400  }
0x80: {  	[sflag:s0] =	ssyncset.done $0x0  }
0x81: {  	s25 =	simm.s32 $0x6;
	[sflag:s0] =	ssyncadd.s32 $0xFFFFEC00  }
0x82: {  	_ =	swait.ge [sflag:s25], $0x28  }
0x83: {  	[sflag:s25] =	ssyncset.done $0x0  }
0x84: {  	s29 =	simm.s32 $0x1CB80;
	s31 =	simm.s32 $0x16780;
	[sflag:s25] =	ssyncadd.s32 $0xFFFFFFD8  }
0x85: {  	[spmem:s3] =	stream.indirect.scatter.add.f32 [tilespmem:s31], [sflag:$0xB], $0x80, s29, s24, $0xb8;
	[tilespmem:$0x1CE00] =	vst v63  }
0x86: {  	_ =	swait.ge [sflag:s20], $0x1400  }
0x87: {  	[sflag:s20] =	ssyncset.done $0x0  }
0x88: {  	[sflag:s20] =	ssyncadd.s32 $0xFFFFEC00  }
0x89: {  	s7 =	smov.u32 s18;
	s25 =	sshrl.u32 s19, $0x3;
	s26 =	rddreg [dreg:$0x1]  }
0x8a: {  	s23 =	sshra.s32 s7, $0x2;
	s25 =	sadd.s32 s26, s25  }
0x8b: {  	[tilespmem:s29], [sflag:$0x6] =	stream.linear.gather [hbm4b:s25+s4], $0x28, $0x38;
	[tilespmem:$0x1CE00] =	vst v63  }
0x8c: {  	s0 =	sadd.s32 $0xC8, s23  }
0x8d: {  	[tilespmem:s31], [sflag:$0x1] =	stream.indirect.gather [hbm4b:s5+s24], $0x80, s0, s24, $0xb8;
	[tilespmem:$0x1CE00] =	vst v63  }
0x8e: {  	_ =	swait.ge [sflag:s10], $0x1400  }
0x8f: {  	[sflag:s10] =	ssyncset.done $0x0  }
0x90: {  	[sflag:s10] =	ssyncadd.s32 $0xFFFFEC00  }
0x91: {  	_ =	swait.ge [sflag:s11], $0x28  }
0x92: {  	[sflag:s11] =	ssyncset.done $0x0  }
0x93: {  	s1 =	simm.s32 $0x1CC00;
	s30 =	simm.s32 $0x17B80;
	[sflag:s11] =	ssyncadd.s32 $0xFFFFFFD8  }
0x94: {  	[spmem:s3] =	stream.indirect.scatter.add.f32 [tilespmem:s30], [sflag:$0xB], $0x80, s1, s24, $0xb8;
	[tilespmem:$0x1CE00] =	vst v63  }
0x95: {  	_ =	swait.ge [sflag:s20], $0x1400  }
0x96: {  	[sflag:s20] =	ssyncset.done $0x0  }
0x97: {  	[sflag:s20] =	ssyncadd.s32 $0xFFFFEC00  }
0x98: {  	[tilespmem:s1], [sflag:$0x7] =	stream.linear.gather [hbm4b:s22+s4], $0x28, $0x38;
	[tilespmem:$0x1CE00] =	vst v63  }
0x99: {  	s6 =	sadd.s32 $0xF0, s23  }
0x9a: {  	[tilespmem:s30], [sflag:$0x2] =	stream.indirect.gather [hbm4b:s5+s24], $0x80, s6, s24, $0xb8;
	[tilespmem:$0x1CE00] =	vst v63  }
0x9b: {  	_ =	swait.ge [sflag:s12], $0x1400  }
0x9c: {  	[sflag:s12] =	ssyncset.done $0x0  }
0x9d: {  	[sflag:s12] =	ssyncadd.s32 $0xFFFFEC00  }
0x9e: {  	_ =	swait.ge [sflag:s13], $0x28  }
0x9f: {  	[sflag:s13] =	ssyncset.done $0x0  }
0xa0: {  	s7 =	simm.s32 $0x1CC80;
	s6 =	simm.s32 $0x18F80;
	[sflag:s13] =	ssyncadd.s32 $0xFFFFFFD8  }
0xa1: {  	[spmem:s3] =	stream.indirect.scatter.add.f32 [tilespmem:s6], [sflag:$0xB], $0x80, s7, s24, $0xb8;
	[tilespmem:$0x1CE00] =	vst v63  }
0xa2: {  	_ =	swait.ge [sflag:s20], $0x1400  }
0xa3: {  	[sflag:s20] =	ssyncset.done $0x0  }
0xa4: {  	[sflag:s20] =	ssyncadd.s32 $0xFFFFEC00  }
0xa5: {  	[tilespmem:s7], [sflag:$0x8] =	stream.linear.gather [hbm4b:s21+s4], $0x28, $0x38;
	[tilespmem:$0x1CE00] =	vst v63  }
0xa6: {  	s26 =	sadd.s32 $0x118, s23  }
0xa7: {  	[tilespmem:s6], [sflag:$0x3] =	stream.indirect.gather [hbm4b:s5+s24], $0x80, s26, s24, $0xb8;
	[tilespmem:$0x1CE00] =	vst v63  }
0xa8: {  	_ =	swait.ge [sflag:s14], $0x1400  }
0xa9: {  	[sflag:s14] =	ssyncset.done $0x0  }
0xaa: {  	[sflag:s14] =	ssyncadd.s32 $0xFFFFEC00  }
0xab: {  	_ =	swait.ge [sflag:s8], $0x28  }
0xac: {  	[sflag:s8] =	ssyncset.done $0x0  }
0xad: {  	s7 =	simm.s32 $0x1CD00;
	s26 =	simm.s32 $0x1A380;
	[sflag:s8] =	ssyncadd.s32 $0xFFFFFFD8  }
0xae: {  	[spmem:s3] =	stream.indirect.scatter.add.f32 [tilespmem:s26], [sflag:$0xB], $0x80, s7, s24, $0xb8;
	[tilespmem:$0x1CE00] =	vst v63  }
0xaf: {  	_ =	swait.ge [sflag:s20], $0x1400  }
0xb0: {  	[sflag:s20] =	ssyncset.done $0x0  }
0xb1: {  	[sflag:s20] =	ssyncadd.s32 $0xFFFFEC00  }
0xb2: {  	[tilespmem:s7], [sflag:$0x9] =	stream.linear.gather [hbm4b:s2+s4], $0x28, $0x38;
	[tilespmem:$0x1CE00] =	vst v63  }
0xb3: {  	s25 =	sadd.s32 $0x140, s23  }
0xb4: {  	[tilespmem:s26], [sflag:$0x4] =	stream.indirect.gather [hbm4b:s5+s24], $0x80, s25, s24, $0xb8;
	[tilespmem:$0x1CE00] =	vst v63  }
0xb5: {  	_ =	swait.ge [sflag:s15], $0x1400  }
0xb6: {  	p0 =	sne.s32 s18, $0x9600;
	[sflag:s15] =	ssyncset.done $0x0  }
0xb7: {  	s18 =	sadd.s32 $0x320, s18;
	s19 =	sadd.s32 $0xC8, s19;
	[sflag:s15] =	ssyncadd.s32 $0xFFFFEC00  }
0xb8: {  	s29 =	simm.s32 $0x16780;
	s23 =	sadd.s32 $0x168, s23;
	_ =	swait.ge [sflag:s16], $0x28  }
0xb9: {  	s31 =	simm.s32 $0x1CC00;
	s0 =	simm.s32 $0x18F80;
	[sflag:s16] =	ssyncset.done $0x0  }
0xba: {  	s1 =	simm.s32 $0x17B80;
	s26 =	simm.s32 $0x1CD80;
	[sflag:s16] =	ssyncadd.s32 $0xFFFFFFD8  }
0xbb: {  	[spmem:s3] =	stream.indirect.scatter.add.f32 [tilespmem:s9], [sflag:$0xB], $0x80, s26, s24, $0xb8;
	[tilespmem:$0x1CE00] =	vst v63  }
.Ltmp0:
0xbc: {  	s22 =	sadd.s32 $0x19, s22;
	_ =	swait.ge [sflag:s20], $0x1400;
	(pc) =	sbr.rel @p0 .LBB2_2-.Ltmp0, $4  }
0xbd: {  	s30 =	simm.s32 $0x1CC80;
	s21 =	sadd.s32 $0x19, s21;
	[sflag:s20] =	ssyncset.done $0x0  }
0xbe: {  	s6 =	simm.s32 $0x1CD00;
	s7 =	simm.s32 $0x1A380;
	[sflag:s20] =	ssyncadd.s32 $0xFFFFEC00  }
0xbf: {  	[tilespmem:s26], [sflag:$0xA] =	stream.linear.gather [hbm4b:s17+s4], $0x28, $0x38;
	[tilespmem:$0x1CE00] =	vst v63  }
0xc0: {  	s2 =	sadd.s32 $0x19, s2;
	s25 =	simm.s32 $0x1CD80;
	s17 =	sadd.s32 $0x19, s17  }
0xc1: {  	s2 =	simm.s32 $0x1B780;
	s9 =	simm.s32 $0x1  }
0xc2: {  	[tilespmem:s2], [sflag:$0x5] =	stream.indirect.gather [hbm4b:s5+s24], $0x80, s23, s24, $0xb8;
	[tilespmem:$0x1CE00] =	vst v63  }
0xc3: {  	_ =	swait.ge [sflag:s9], $0x1400  }
0xc4: {  	[sflag:s9] =	ssyncset.done $0x0  }
0xc5: {  	s26 =	simm.s32 $0x6;
	[sflag:s9] =	ssyncadd.s32 $0xFFFFEC00  }
0xc6: {  	_ =	swait.ge [sflag:s26], $0x28  }
0xc7: {  	[sflag:s26] =	ssyncset.done $0x0  }
0xc8: {  	[sflag:s26] =	ssyncadd.s32 $0xFFFFFFD8  }
0xc9: {  	[spmem:s3] =	stream.indirect.scatter.add.f32 [tilespmem:s29], [sflag:$0xB], $0x80, s28, s24, $0xb8;
	[tilespmem:$0x1CE00] =	vst v63  }
0xca: {  	_ =	swait.ge [sflag:s20], $0x1400  }
0xcb: {  	[sflag:s20] =	ssyncset.done $0x0  }
0xcc: {  	[sflag:s20] =	ssyncadd.s32 $0xFFFFEC00  }
0xcd: {  	_ =	swait.ge [sflag:s10], $0x1400  }
0xce: {  	[sflag:s10] =	ssyncset.done $0x0  }
0xcf: {  	[sflag:s10] =	ssyncadd.s32 $0xFFFFEC00  }
0xd0: {  	_ =	swait.ge [sflag:s11], $0x28  }
0xd1: {  	[sflag:s11] =	ssyncset.done $0x0  }
0xd2: {  	[sflag:s11] =	ssyncadd.s32 $0xFFFFFFD8  }
0xd3: {  	[spmem:s3] =	stream.indirect.scatter.add.f32 [tilespmem:s1], [sflag:$0xB], $0x80, s31, s24, $0xb8;
	[tilespmem:$0x1CE00] =	vst v63  }
0xd4: {  	_ =	swait.ge [sflag:s20], $0x1400  }
0xd5: {  	[sflag:s20] =	ssyncset.done $0x0  }
0xd6: {  	[sflag:s20] =	ssyncadd.s32 $0xFFFFEC00  }
0xd7: {  	_ =	swait.ge [sflag:s12], $0x1400  }
0xd8: {  	[sflag:s12] =	ssyncset.done $0x0  }
0xd9: {  	[sflag:s12] =	ssyncadd.s32 $0xFFFFEC00  }
0xda: {  	_ =	swait.ge [sflag:s13], $0x28  }
0xdb: {  	[sflag:s13] =	ssyncset.done $0x0  }
0xdc: {  	[sflag:s13] =	ssyncadd.s32 $0xFFFFFFD8  }
0xdd: {  	[spmem:s3] =	stream.indirect.scatter.add.f32 [tilespmem:s0], [sflag:$0xB], $0x80, s30, s24, $0xb8;
	[tilespmem:$0x1CE00] =	vst v63  }
0xde: {  	_ =	swait.ge [sflag:s20], $0x1400  }
0xdf: {  	[sflag:s20] =	ssyncset.done $0x0  }
0xe0: {  	[sflag:s20] =	ssyncadd.s32 $0xFFFFEC00  }
0xe1: {  	_ =	swait.ge [sflag:s14], $0x1400  }
0xe2: {  	[sflag:s14] =	ssyncset.done $0x0  }
0xe3: {  	[sflag:s14] =	ssyncadd.s32 $0xFFFFEC00  }
0xe4: {  	_ =	swait.ge [sflag:s8], $0x28  }
0xe5: {  	[sflag:s8] =	ssyncset.done $0x0  }
0xe6: {  	[sflag:s8] =	ssyncadd.s32 $0xFFFFFFD8  }
0xe7: {  	[spmem:s3] =	stream.indirect.scatter.add.f32 [tilespmem:s7], [sflag:$0xB], $0x80, s6, s24, $0xb8;
	[tilespmem:$0x1CE00] =	vst v63  }
0xe8: {  	_ =	swait.ge [sflag:s20], $0x1400  }
0xe9: {  	[sflag:s20] =	ssyncset.done $0x0  }
0xea: {  	[sflag:s20] =	ssyncadd.s32 $0xFFFFEC00  }
0xeb: {  	_ =	swait.ge [sflag:s15], $0x1400  }
0xec: {  	[sflag:s15] =	ssyncset.done $0x0  }
0xed: {  	[sflag:s15] =	ssyncadd.s32 $0xFFFFEC00  }
0xee: {  	_ =	swait.ge [sflag:s16], $0x28  }
0xef: {  	[sflag:s16] =	ssyncset.done $0x0  }
0xf0: {  	[sflag:s16] =	ssyncadd.s32 $0xFFFFFFD8  }
0xf1: {  	[spmem:s3] =	stream.indirect.scatter.add.f32 [tilespmem:s2], [sflag:$0xB], $0x80, s25, s24, $0xb8;
	[tilespmem:$0x1CE00] =	vst v63  }
0xf2: {  	_ =	swait.ge [sflag:s20], $0x1400  }
0xf3: {  	[sflag:s20] =	ssyncset.done $0x0  }
0xf4: {  	[sflag:s20] =	ssyncadd.s32 $0xFFFFEC00  }
0xf5: {  	[bflag:$0x0] =	sbarrier.arrive $0xFFFF  }
0xf6: {  	s29 =	rddreg [dreg:$0xb]  }
0xf7: {  	s17 =	rddreg [dreg:$0x12]  }
0xf8: {  	s18 =	rddreg [dreg:$0x13]  }
0xf9: {  	[hbm:s29], [sflag:s17] =	dma.local [spmem:s18], $0x2800  }
0xfa: {  	_ =	swait.ge [sflag:s20], $0x2800  }
0xfb: {  	s30 =	rddreg [dreg:$0x14]  }
0xfc: {  	s31 =	rddreg [dreg:$0xc];
	s0 =	sadd.s32 $0x1, s30  }
0xfd: {  	p0 =	sne.s32 s0, s31  }
.Ltmp1:
0xfe: {  	_ = 	snop;
	(pc) =	sbr.rel @p0 .LBB2_1-.Ltmp1, $4  }
0xff: {  	_ = 	snop  }
0x100: {  	[sflag:s20] =	ssyncset.done $0x0  }
0x101: {  	[sflag:s20] =	ssyncadd.s32 $0xFFFFD800  }
0x102: {  	s22 =	rddreg [dreg:$0x1]  }
0x103: {  	_ =	sfence.sel $0x180000  }
0x104: {  	[bflag:$0x0] =	sbarrier.arrive $0xFFFF  }
0x105: {  	_ =	strace $0x9000004A  }
0x106: {  	s0 =	stileid.u32;
	[bflag:$0x2] =	sbarrier.arrive $0xFFFF  }
0x107: {  	p0 =	sne.s32 s0, $0x0;
	s0 =	rddreg [dreg:$0x3]  }
0x108: {  	s0 =	sadd.s32 @!p0 $0x100000, s0  }
0x109: {  	[sflag:s0] =	ssyncadd.tile.s32 @!p0 $0x1;
	_ =	shalt  }
.Lfunc_end2:
_tile_overlayer_lowered:
.L_overlay_start_2:
0x10a: {  	(tag) =	ssettag $0x2  }
0x10b: {  	s0 =	rddreg [dreg:$0x0];
	s2 =	stileid.u32  }
0x10c: {  	s1 =	rddreg [dreg:$0x1];
	p0 =	sne.s32 s2, $0x0  }
0x10d: {  	s3 =	rddreg [dreg:$0x2];
	[bflag:$0x3] =	sbarrier.arrive $0xFFFF;
	s2 =	simm.s32 @!p0 $0x1C0B  }
0x10e: {  	[timem:s3], [sflag:s2] =	dma.local @!p0 [hbm:s0], s1  }
0x10f: {  	s0 =	simm.s32 @!p0 $0xB  }
0x110: {  	_ =	swait.ge @!p0 [sflag:s0], s1  }
0x111: {  	s1 =	ssub.s32 @!p0 $0x0, s1;
	[sflag:s0] =	ssyncset.done @!p0 $0x0  }
0x112: {  	[sflag:s0] =	ssyncadd.s32 @!p0 s1  }
0x113: {  	[bflag:$0x3] =	sbarrier.arrive $0xFFFF  }
0x114: {  	_ =	shalt  }

// kernel: kernel.18.cloned.1.call-start
scs
__scs_entry_jumppad:
0x0: {  	(pc) =	sbr.rel $0x88, $3  }
0x1: {  	(tag) =	ssettag $0x0;
	lr =	simm.s32 $0x1  }
0x2: {  	[smem:$0x3F99] =	sst lr;
	_ =	strace $0xD0000000  }
0x3: {  	_ = 	snop  }
0x4: {  	_ = 	snop  }
0x5: {  	_ = 	snop  }
0x6: {  	_ = 	snop  }
0x7: {  	_ = 	snop  }
__scs_overlays_trampoline_lowered:
0x8: {  	[smem:$0x3FA8] =	sst s0  }
0x9: {  	[smem:$0x3FA9] =	sst s1  }
0xa: {  	[smem:$0x3FAA] =	sst s2  }
0xb: {  	[smem:$0x3FAB] =	sst s3  }
0xc: {  	[smem:$0x3FAC] =	sst s4  }
0xd: {  	[smem:$0x3FAD] =	sst s5  }
0xe: {  	[smem:$0x3FAE] =	sst s6  }
0xf: {  	[smem:$0x3FAF] =	sst s7  }
0x10: {  	[smem:$0x3FB0] =	sst s8  }
0x11: {  	[smem:$0x3FB1] =	sst s9;
	s0 =	simm.s32 @!p0 $0x0  }
0x12: {  	s1 =	sld [smem:$0x3F97];
	s0 =	simm.s32 @p0 $0x1  }
0x13: {  	[smem:$0x3FB2] =	sst s0;
	s0 =	simm.s32 @!p1 $0x0  }
0x14: {  	s2 =	sld [smem:$0x3F96];
	s0 =	simm.s32 @p1 $0x1  }
0x15: {  	[smem:$0x3FB3] =	sst s0;
	s0 =	simm.s32 @!p2 $0x0  }
0x16: {  	s3 =	sld [smem:$0x3FDB];
	s0 =	simm.s32 @p2 $0x1  }
0x17: {  	s4 =	simm.s32 $0x1BF5;
	[smem:$0x3FB5] =	sst s0  }
0x18: {  	s0 =	sld [smem:$0x3F98];
	_ =	swait.ge [sflag:s4], $0x0  }
0x19: {  	s7 =	sld [smem:$0x3F99]  }
0x1a: {  	s8 =	sadd.s32 $0xFFFFE003, lr  }
0x1b: {  	s9 =	sadd.s32 $0xFFFFFEF7, lr;
	s5 =	simm.s32 $0xFFFFFFFF;
	p2 =	slt.u32 s8, $0xFFFFF086  }
0x1c: {  	p1 =	slt.u32 s9, $0xF7A;
	s5 =	simm.s32 @!p2 $0x0  }
0x1d: {  	s5 =	simm.s32 @p1 $0x1;
	p0 =	seq.s32 s7, s2  }
0x1e: {  	s7 =	smul.u32 @!p0 $0xF7A, s2;
	p2 =	seq.s32 @!p0 s5, $0x0  }
0x1f: {  	s9 =	smul.u32 $0xF7A, s1;
	s8 =	simm.s32 @!p0 $0x1BF5;
	p2 =	por !p2, p0  }
0x20: {  	[sflag:s8] =	ssyncset.s32 @!p0 $0xFFFFF086;
	s6 =	sadd.s32 @!p0 s3, s7;
	s7 =	simm.s32 @!p0 $0x108  }
0x21: {  	s3 =	sadd.s32 s3, s9;
	s6 =	sadd.s32 @!p0 $0x88, s6;
	s7 =	simm.s32 @p2 $0x1082  }
0x22: {  	[simem:s7], [sflag:s8] =	dma.local @!p0 [hbm:s6], $0xF7A  }
0x23: {  	s9 =	sor.u32 $0xD0000000, s2;
	s6 =	simm.s32 $0x108;
	_ =	swait.ge @!p0 [sflag:s8], $0x0  }
0x24: {  	s3 =	sadd.s32 $0x88, s3;
	s6 =	simm.s32 @!p1 $0x1082;
	[sflag:s4] =	ssyncset.s32 $0xFFFFF086  }
0x25: {  	[simem:s6], [sflag:s4] =	dma.local [hbm:s3], $0xF7A  }
0x26: {  	[smem:$0x3F99] =	sst s1;
	(tag) =	ssettag s2;
	_ =	strace s9  }
0x27: {  	s1 =	sld [smem:$0x3FA9]  }
0x28: {  	s2 =	sld [smem:$0x3FAA]  }
0x29: {  	s4 =	sld [smem:$0x3FAC]  }
0x2a: {  	p0 =	seq.s32 s5, $0x0;
	s5 =	sld [smem:$0x3FAD]  }
0x2b: {  	s6 =	sld [smem:$0x3FAE]  }
0x2c: {  	s7 =	sld [smem:$0x3FAF]  }
0x2d: {  	s3 =	simm.s32 $0x108;
	s8 =	sld [smem:$0x3FB0]  }
0x2e: {  	s3 =	simm.s32 @!p0 $0x1082;
	s9 =	sld [smem:$0x3FB1]  }
0x2f: {  	lr =	sadd.s32 s0, s3;
	s0 =	sld [smem:$0x3FA8]  }
0x30: {  	s3 =	sld [smem:$0x3FAB]  }
0x31: {  	[smem:$0x3FB4] =	sst s10  }
0x32: {  	s10 =	sld [smem:$0x3FB2];
	_ =	sdelay $0x3  }
0x33: {  	p0 =	seq.s32 s10, $0x1;
	s10 =	sld [smem:$0x3FB4];
	_ =	sdelay $0x3  }
0x34: {  	[smem:$0x3FB4] =	sst s10  }
0x35: {  	s10 =	sld [smem:$0x3FB3];
	_ =	sdelay $0x3  }
0x36: {  	p1 =	seq.s32 s10, $0x1;
	s10 =	sld [smem:$0x3FB4];
	_ =	sdelay $0x3  }
0x37: {  	[smem:$0x3FB4] =	sst s10  }
0x38: {  	s10 =	sld [smem:$0x3FB5]  }
0x39: {  	_ = 	snop;
	(pc) =	sbr.ind lr, $3  }
0x3a: {  	_ = 	snop  }
0x3b: {  	_ = 	snop  }
0x3c: {  	p2 =	seq.s32 s10, $0x1;
	s10 =	sld [smem:$0x3FB4]  }
0x3d: {  	_ =	shalt  }
0x3e: {  	_ =	shalt  }
0x3f: {  	_ =	shalt  }
0x40: {  	_ =	shalt  }
0x41: {  	_ =	shalt  }
0x42: {  	_ =	shalt  }
0x43: {  	_ =	shalt  }
0x44: {  	_ =	shalt  }
0x45: {  	_ =	shalt  }
0x46: {  	_ =	shalt  }
0x47: {  	_ =	shalt  }
0x48: {  	_ =	shalt  }
0x49: {  	_ =	shalt  }
0x4a: {  	_ =	shalt  }
0x4b: {  	_ =	shalt  }
0x4c: {  	_ =	shalt  }
0x4d: {  	_ =	shalt  }
0x4e: {  	_ =	shalt  }
0x4f: {  	_ =	shalt  }
0x50: {  	_ =	shalt  }
0x51: {  	_ =	shalt  }
0x52: {  	_ =	shalt  }
0x53: {  	_ =	shalt  }
0x54: {  	_ =	shalt  }
0x55: {  	_ =	shalt  }
0x56: {  	_ =	shalt  }
0x57: {  	_ =	shalt  }
0x58: {  	_ =	shalt  }
0x59: {  	_ =	shalt  }
0x5a: {  	_ =	shalt  }
0x5b: {  	_ =	shalt  }
0x5c: {  	_ =	shalt  }
0x5d: {  	_ =	shalt  }
0x5e: {  	_ =	shalt  }
0x5f: {  	_ =	shalt  }
0x60: {  	_ =	shalt  }
0x61: {  	_ =	shalt  }
0x62: {  	_ =	shalt  }
0x63: {  	_ =	shalt  }
0x64: {  	_ =	shalt  }
0x65: {  	_ =	shalt  }
0x66: {  	_ =	shalt  }
0x67: {  	_ =	shalt  }
0x68: {  	_ =	shalt  }
0x69: {  	_ =	shalt  }
0x6a: {  	_ =	shalt  }
0x6b: {  	_ =	shalt  }
0x6c: {  	_ =	shalt  }
0x6d: {  	_ =	shalt  }
0x6e: {  	_ =	shalt  }
0x6f: {  	_ =	shalt  }
0x70: {  	_ =	shalt  }
0x71: {  	_ =	shalt  }
0x72: {  	_ =	shalt  }
0x73: {  	_ =	shalt  }
0x74: {  	_ =	shalt  }
0x75: {  	_ =	shalt  }
0x76: {  	_ =	shalt  }
0x77: {  	_ =	shalt  }
0x78: {  	_ =	shalt  }
0x79: {  	_ =	shalt  }
0x7a: {  	_ =	shalt  }
0x7b: {  	_ =	shalt  }
0x7c: {  	_ =	shalt  }
0x7d: {  	_ =	shalt  }
0x7e: {  	_ =	shalt  }
0x7f: {  	_ =	shalt  }
0x80: {  	_ =	shalt  }
0x81: {  	_ =	shalt  }
0x82: {  	_ =	shalt  }
0x83: {  	_ =	shalt  }
0x84: {  	_ =	shalt  }
0x85: {  	_ =	shalt  }
0x86: {  	_ =	shalt  }
0x87: {  	_ =	shalt  }
.Lfunc_end0:
.L_simem_size_0:
called_computation.2_lowered:
.L_overlay_start_0:
0x88: {  	s2 =	sld [smem:$0x3FD9]  }
0x89: {  	s3 =	sld [smem:$0x3FFE];
	_ =	sdelay $0x1  }
0x8a: {  	s1 =	srdreg.scid  }
0x8b: {  	s0 =	sand.u32 $0x1, s1  }
0x8c: {  	s17 =	sshll.u32 s0, $0xA;
	s2 =	sadd.s32 s3, s2  }
0x8d: {  	s2 =	sadd.s32 s2, s17  }
0x8e: {  	[smem:$0x3FC0] =	sst s2  }
0x8f: {  	_ = 	snop  }
0x90: {  	s2 =	sld [smem:$0x3FD0];
	(tm) =	ssettm $0x1  }
0x91: {  	s18 =	sld [smem:$0x3FFB];
	_ =	sdelay $0x3  }
0x92: {  	_ =	strace s18  }
0x93: {  	s3 =	sld [smem:$0x3FFC];
	_ =	sdelay $0x3  }
0x94: {  	_ =	strace s3  }
0x95: {  	s3 =	sld [smem:$0x3FFD];
	_ =	sdelay $0x3  }
0x96: {  	_ =	strace s3  }
0x97: {  	_ =	strace $0x8FFFFFFF  }
0x98: {  	s19 =	sld [smem:$0x3FDB];
	_ =	sdelay $0x1  }
0x99: {  	s4 =	simm.s32 $_scs_section_size  }
0x9a: {  	s5 =	simm.s32 $_size__tile_overlayer_lowered;
	s6 =	simm.s32 $_tile_overlayer_lowered  }
0x9b: {  	s22 =	simm.s32 $0x1BFF;
	s21 =	sshll.u32 s6, $0x1;
	s3 =	sadd.s32 s4, s19  }
0x9c: {  	s7 =	simm.s32 $0x0;
	s20 =	sshll.u32 s5, $0x1;
	s5 =	sadd.s32 s21, s3  }
0x9d: {  	[timem:s7], [sflag:s22] =	dma.local [hbm:s5], s20  }
0x9e: {  	_ =	swait.ge [sflag:s22], s20  }
0x9f: {  	s4 =	ssub.s32 $0x0, s20;
	[sflag:s22] =	ssyncset.done $0x0  }
0xa0: {  	[sflag:s22] =	ssyncadd.s32 s4;
	_ =	sdelay $0x1  }
0xa1: {  	s23 =	simm.s32 $0x1B8B  }
0xa2: {  	_ =	swait.ge [sflag:s23], $0x1  }
0xa3: {  	[sflag:s23] =	ssyncset.done $0x0  }
0xa4: {  	s25 =	simm.s32 $0x1B8E;
	s24 =	sld [smem:$0x3FFE];
	[sflag:s23] =	ssyncadd.s32 $0xFFFFFFFF  }
0xa5: {  	s26 =	simm.s32 $execute0_lowered;
	[smem:$0x3FD2] =	sst s25  }
0xa6: {  	s5 =	sshll.u32 s26, $0x1;
	_ =	strace $0x8000004C;
	[dreg:$0x1] =	wrdreg $0xFFFFFFFF  }
0xa7: {  	s28 =	simm.s32 $_size_execute0_lowered;
	s3 =	sadd.s32 s3, s5;
	[dreg:$0x0] =	wrdreg $0x0  }
0xa8: {  	s5 =	sshll.u32 s28, $0x1;
	[dreg:$0x2] =	wrdreg s3  }
0xa9: {  	[dreg:$0x3] =	wrdreg s5  }
0xaa: {  	[dreg:$0x4] =	wrdreg $0xC0  }
0xab: {  	_ =	task [dreg:s7], $0x5FFFF  }
0xac: {  	[dreg:$0x1] =	wrdreg $0xFFFFFFFF  }
0xad: {  	[dreg:$0x0] =	wrdreg $0x60  }
0xae: {  	[dreg:$0x2] =	wrdreg s24  }
0xaf: {  	[dreg:$0x3] =	wrdreg s2  }
0xb0: {  	[dreg:$0x4] =	wrdreg $0x27800  }
0xb1: {  	[dreg:$0x5] =	wrdreg $0x9  }
0xb2: {  	_ =	task.clear_ibuf [dreg:s7], $0x6FFFF;
	_ =	strace $0x9000004C  }
0xb3: {  	s29 =	simm.s32 $0x9;
	_ =	strace $0x8000004E  }
0xb4: {  	_ =	swait.ge [sflag:s29], $0x1  }
0xb5: {  	[sflag:s29] =	ssyncadd.s32 $0xFFFFFFFF  }
0xb6: {  	_ =	strace $0x9000004E  }
0xb7: {  	_ =	sfence  }
0xb8: {  	s30 =	sld [smem:$0x0];
	_ =	sdelay $0x2  }
0xb9: {  	s31 =	sshll.u32 s1, $0xD;
	s1 =	sshrl.u32 s1, $0x2  }
0xba: {  	s3 =	sand.u32 $0x4000, s31;
	s1 =	sadd.s32 s1, s30  }
0xbb: {  	s0 =	sor.u32 s3, s0;
	s1 =	sshll.u32 s1, $0x11  }
0xbc: {  	s0 =	sor.u32 s1, s0  }
0xbd: {  	s0 =	sadd.s32 $0x8F2B, s0  }
0xbe: {  	[sflag:s0] =	ssyncadd.remote.s32 $0x1  }
0xbf: {  	_ =	sfence.sel $0xFFFF  }
0xc0: {  	[dreg:$0x0] =	wrdreg $0xFFFFFFFF;
	(pc) =	sbr.abs _section_cstart, $3  }
0xc1: {  	[dreg:$0x1] =	wrdreg $0xFFFFFFFF  }
0xc2: {  	_ =	task.clear_ibuf [dreg:s7], $0x2FFFF;
	_ =	strace $0x9FFFFFFF  }
0xc3: {  	(tm) =	ssettm $0x7FFFFFFF  }
tec
execute0_lowered:
.L_overlay_start_1:
0x0: {  	(tag) =	ssettag $0x1  }
0x1: {  	s0 =	srdreg.scid;
	s1 =	rddreg [dreg:$0x0]  }
0x2: {  	s13 =	stileid.u32;
	s22 =	rddreg [dreg:$0x1]  }
0x3: {  	s3 =	rddreg [dreg:$0x2];
	s4 =	simm.s32 $0x0;
	s6 =	smul.u32 $0x14000, s13  }
0x4: {  	s28 =	simm.s32 $0x1CB80;
	s0 =	sand.u32 $0x1, s0;
	s12 =	smul.u32 $0x50000, s13  }
0x5: {  	s2 =	sshll.u32 s13, $0x1;
	[smem:$0x7FF] =	sst s4;
	s8 =	smul.u32 $0x140000, s0  }
0x6: {  	s2 =	sor.u32 s0, s2;
	s30 =	ssub.s32 $0x2, s0;
	s0 =	smul.u32 $0x2710, s0  }
0x7: {  	s5 =	sadd.s32 $0xC600, s1;
	_ =	strace $0x8000004D;
	s2 =	smul.u32 $0x2710, s2  }
0x8: {  	s10 =	sshrl.u32 s6, $0x3;
	s11 =	sshrl.u32 s30, $0x1;
	s6 =	sadd.s32 s6, s8  }
0x9: {  	s10 =	sadd.s32 s10, s1;
	s31 =	ssub.s32 s30, s11;
	s11 =	sshrl.u32 s12, $0x2  }
0xa: {  	s12 =	smul.u32 $0x4E20, s13;
	s7 =	sshrl.u32 s2, $0x3;
	s6 =	sshrl.u32 s6, $0x3  }
0xb: {  	s8 =	sadd.s32 s11, s3;
	s14 =	sadd.s32 $0x28, s2;
	s10 =	sadd.s32 $0x34600, s10  }
0xc: {  	s2 =	sadd.s32 $0x78, s2;
	s21 =	smax.u32 s31, $0x1;
	s31 =	sshll.u32 s13, $0x6  }
0xd: {  	s11 =	simm.s32 $0x7;
	s13 =	simm.s32 $0x8;
	s9 =	sadd.s32 s7, s1  }
0xe: {  	s1 =	sadd.s32 s6, s1;
	[dreg:$0x5] =	wrdreg s10;
	s15 =	sadd.s32 s22, s7  }
0xf: {  	s16 =	sshrl.u32 s14, $0x3;
	s0 =	sadd.s32 s0, s12;
	s2 =	sshrl.u32 s2, $0x3  }
0x10: {  	[dreg:$0xc] =	wrdreg s21;
	s10 =	simm.s32 $0x2;
	s12 =	simm.s32 $0x3  }
0x11: {  	s14 =	simm.s32 $0x4;
	s9 =	sadd.s32 $0x2800, s9;
	[dreg:$0x6] =	wrdreg s15  }
0x12: {  	s7 =	sadd.s32 s22, s16;
	s17 =	sadd.s32 $0xA, s15;
	[dreg:$0x4] =	wrdreg s9  }
0x13: {  	s18 =	sadd.s32 $0x168, s0;
	s2 =	sadd.s32 s22, s2;
	[dreg:$0x7] =	wrdreg s7  }
0x14: {  	s19 =	sadd.s32 $0x14, s15;
	s1 =	sadd.s32 $0x5C600, s1;
	[dreg:$0x8] =	wrdreg s17  }
0x15: {  	s24 =	sadd.s32 $0x140, s0;
	s25 =	sadd.s32 $0x118, s0;
	[dreg:$0x9] =	wrdreg s2  }
0x16: {  	s26 =	sadd.s32 $0xF0, s0;
	s0 =	sadd.s32 $0xC8, s0;
	[dreg:$0xa] =	wrdreg s19  }
0x17: {  	s15 =	simm.s32 $0x5;
	s16 =	simm.s32 $0xA;
	[dreg:$0xb] =	wrdreg s1  }
0x18: {  	s20 =	sshrl.u32 s18, $0x3;
	[dreg:$0x11] =	wrdreg s0;
	s17 =	sor.u32 $0x1C0B, s31  }
0x19: {  	s1 =	sshrl.u32 s24, $0x3;
	s18 =	sshrl.u32 s8, $0x3;
	[dreg:$0x12] =	wrdreg s17  }
0x1a: {  	s2 =	sshrl.u32 s25, $0x3;
	s23 =	sadd.s32 s20, s22;
	[dreg:$0x13] =	wrdreg s18  }
0x1b: {  	s6 =	sshrl.u32 s26, $0x3;
	s1 =	sadd.s32 s1, s22;
	[dreg:$0xd] =	wrdreg s23  }
0x1c: {  	s24 =	simm.s32 $0x28;
	s29 =	sadd.s32 s2, s22;
	[dreg:$0xe] =	wrdreg s1  }
0x1d: {  	s8 =	simm.s32 $0x9;
	s30 =	sadd.s32 s6, s22;
	[dreg:$0xf] =	wrdreg s29  }
0x1e: {  	s0 =	simm.s32 $0x0;
	s20 =	simm.s32 $0xB;
	[dreg:$0x10] =	wrdreg s30  }
.LBB2_1:
0x1f: {  	[dreg:$0x14] =	wrdreg s0  }
0x20: {  	s2 =	rddreg [dreg:$0x4]  }
0x21: {  	[tilespmem:s4], [sflag:$0xB] =	stream.linear.gather [hbm4b:s2+s4], $0x2710, $0x38;
	[tilespmem:$0x1CE00] =	vst v63  }
0x22: {  	_ =	swait.ge [sflag:s20], $0x2710  }
0x23: {  	[sflag:s20] =	ssyncset.done $0x0  }
0x24: {  	s29 =	rddreg [dreg:$0x5];
	[sflag:s20] =	ssyncadd.s32 $0xFFFFD8F0  }
0x25: {  	[spmem:s18], [sflag:s17] =	dma.local [hbm:s29], $0x2800  }
0x26: {  	_ =	swait.ge [sflag:s20], $0x2800  }
0x27: {  	[sflag:s20] =	ssyncset.done $0x0  }
0x28: {  	s17 =	simm.s32 $0x1CB80;
	s30 =	rddreg [dreg:$0x6];
	[sflag:s20] =	ssyncadd.s32 $0xFFFFD800  }
0x29: {  	[tilespmem:s17], [sflag:$0x6] =	stream.linear.gather [hbm4b:s30+s4], $0x28, $0x38;
	[tilespmem:$0x1CE00] =	vst v63  }
0x2a: {  	s18 =	simm.s32 $0x16780  }
0x2b: {  	[tilespmem:s18], [sflag:$0x1] =	stream.indirect.gather [hbm4b:s5+s24], $0x80, s4, s24, $0xb8;
	[tilespmem:$0x1CE00] =	vst v63  }
0x2c: {  	s21 =	simm.s32 $0x1CC00;
	s31 =	rddreg [dreg:$0x7]  }
0x2d: {  	[tilespmem:s21], [sflag:$0x7] =	stream.linear.gather [hbm4b:s31+s4], $0x28, $0x38;
	[tilespmem:$0x1CE00] =	vst v63  }
0x2e: {  	s1 =	simm.s32 $0x17B80  }
0x2f: {  	[tilespmem:s1], [sflag:$0x2] =	stream.indirect.gather [hbm4b:s5+s24], $0x80, s24, s24, $0xb8;
	[tilespmem:$0x1CE00] =	vst v63  }
0x30: {  	s23 =	simm.s32 $0x1CC80;
	s0 =	rddreg [dreg:$0x8]  }
0x31: {  	[tilespmem:s23], [sflag:$0x8] =	stream.linear.gather [hbm4b:s0+s4], $0x28, $0x38;
	[tilespmem:$0x1CE00] =	vst v63  }
0x32: {  	s6 =	simm.s32 $0x50;
	s0 =	simm.s32 $0x18F80  }
0x33: {  	[tilespmem:s0], [sflag:$0x3] =	stream.indirect.gather [hbm4b:s5+s24], $0x80, s6, s24, $0xb8;
	[tilespmem:$0x1CE00] =	vst v63  }
0x34: {  	s7 =	rddreg [dreg:$0x9];
	s6 =	simm.s32 $0x1CD00  }
0x35: {  	[tilespmem:s6], [sflag:$0x9] =	stream.linear.gather [hbm4b:s7+s4], $0x28, $0x38;
	[tilespmem:$0x1CE00] =	vst v63  }
0x36: {  	s9 =	simm.s32 $0x78;
	s7 =	simm.s32 $0x1A380  }
0x37: {  	[tilespmem:s7], [sflag:$0x4] =	stream.indirect.gather [hbm4b:s5+s24], $0x80, s9, s24, $0xb8;
	[tilespmem:$0x1CE00] =	vst v63  }
0x38: {  	s26 =	simm.s32 $0x1CD80;
	s19 =	rddreg [dreg:$0xa]  }
0x39: {  	[tilespmem:s26], [sflag:$0xA] =	stream.linear.gather [hbm4b:s19+s4], $0x28, $0x38;
	[tilespmem:$0x1CE00] =	vst v63  }
0x3a: {  	s25 =	simm.s32 $0xA0;
	s9 =	simm.s32 $0x1B780  }
0x3b: {  	[tilespmem:s9], [sflag:$0x5] =	stream.indirect.gather [hbm4b:s5+s24], $0x80, s25, s24, $0xb8;
	[tilespmem:$0x1CE00] =	vst v63  }
0x3c: {  	s29 =	simm.s32 $0x1;
	[bflag:$0x0] =	sbarrier.arrive $0xFFFF  }
0x3d: {  	_ =	swait.ge [sflag:s29], $0x1400  }
0x3e: {  	[sflag:s29] =	ssyncset.done $0x0  }
0x3f: {  	s30 =	simm.s32 $0x6;
	[sflag:s29] =	ssyncadd.s32 $0xFFFFEC00  }
0x40: {  	_ =	swait.ge [sflag:s30], $0x28  }
0x41: {  	[sflag:s30] =	ssyncset.done $0x0  }
0x42: {  	[sflag:s30] =	ssyncadd.s32 $0xFFFFFFD8  }
0x43: {  	[spmem:s3] =	stream.indirect.scatter.add.f32 [tilespmem:s18], [sflag:$0xB], $0x80, s17, s24, $0xb8;
	[tilespmem:$0x1CE00] =	vst v63  }
0x44: {  	_ =	swait.ge [sflag:s20], $0x1400  }
0x45: {  	s19 =	rddreg [dreg:$0x11]  }
0x46: {  	[sflag:s20] =	ssyncset.done $0x0;
	s31 =	sshrl.u32 s19, $0x3  }
0x47: {  	[sflag:s20] =	ssyncadd.s32 $0xFFFFEC00;
	s2 =	sadd.s32 s22, s31  }
0x48: {  	[tilespmem:s17], [sflag:$0x6] =	stream.linear.gather [hbm4b:s2+s4], $0x28, $0x38;
	[tilespmem:$0x1CE00] =	vst v63  }
0x49: {  	s17 =	simm.s32 $0xC8  }
0x4a: {  	[tilespmem:s18], [sflag:$0x1] =	stream.indirect.gather [hbm4b:s5+s24], $0x80, s17, s24, $0xb8;
	[tilespmem:$0x1CE00] =	vst v63  }
0x4b: {  	_ =	swait.ge [sflag:s10], $0x1400  }
0x4c: {  	[sflag:s10] =	ssyncset.done $0x0  }
0x4d: {  	[sflag:s10] =	ssyncadd.s32 $0xFFFFEC00  }
0x4e: {  	_ =	swait.ge [sflag:s11], $0x28  }
0x4f: {  	[sflag:s11] =	ssyncset.done $0x0  }
0x50: {  	[sflag:s11] =	ssyncadd.s32 $0xFFFFFFD8  }
0x51: {  	[spmem:s3] =	stream.indirect.scatter.add.f32 [tilespmem:s1], [sflag:$0xB], $0x80, s21, s24, $0xb8;
	[tilespmem:$0x1CE00] =	vst v63  }
0x52: {  	_ =	swait.ge [sflag:s20], $0x1400  }
0x53: {  	[sflag:s20] =	ssyncset.done $0x0  }
0x54: {  	s22 =	rddreg [dreg:$0x10];
	[sflag:s20] =	ssyncadd.s32 $0xFFFFEC00  }
0x55: {  	[tilespmem:s21], [sflag:$0x7] =	stream.linear.gather [hbm4b:s22+s4], $0x28, $0x38;
	[tilespmem:$0x1CE00] =	vst v63  }
0x56: {  	s18 =	simm.s32 $0xF0  }
0x57: {  	[tilespmem:s1], [sflag:$0x2] =	stream.indirect.gather [hbm4b:s5+s24], $0x80, s18, s24, $0xb8;
	[tilespmem:$0x1CE00] =	vst v63  }
0x58: {  	_ =	swait.ge [sflag:s12], $0x1400  }
0x59: {  	[sflag:s12] =	ssyncset.done $0x0  }
0x5a: {  	[sflag:s12] =	ssyncadd.s32 $0xFFFFEC00  }
0x5b: {  	_ =	swait.ge [sflag:s13], $0x28  }
0x5c: {  	[sflag:s13] =	ssyncset.done $0x0  }
0x5d: {  	[sflag:s13] =	ssyncadd.s32 $0xFFFFFFD8  }
0x5e: {  	[spmem:s3] =	stream.indirect.scatter.add.f32 [tilespmem:s0], [sflag:$0xB], $0x80, s23, s24, $0xb8;
	[tilespmem:$0x1CE00] =	vst v63  }
0x5f: {  	_ =	swait.ge [sflag:s20], $0x1400  }
0x60: {  	[sflag:s20] =	ssyncset.done $0x0  }
0x61: {  	s21 =	rddreg [dreg:$0xf];
	[sflag:s20] =	ssyncadd.s32 $0xFFFFEC00  }
0x62: {  	[tilespmem:s23], [sflag:$0x8] =	stream.linear.gather [hbm4b:s21+s4], $0x28, $0x38;
	[tilespmem:$0x1CE00] =	vst v63  }
0x63: {  	s29 =	simm.s32 $0x118  }
0x64: {  	[tilespmem:s0], [sflag:$0x3] =	stream.indirect.gather [hbm4b:s5+s24], $0x80, s29, s24, $0xb8;
	[tilespmem:$0x1CE00] =	vst v63  }
0x65: {  	_ =	swait.ge [sflag:s14], $0x1400  }
0x66: {  	[sflag:s14] =	ssyncset.done $0x0  }
0x67: {  	[sflag:s14] =	ssyncadd.s32 $0xFFFFEC00  }
0x68: {  	_ =	swait.ge [sflag:s8], $0x28  }
0x69: {  	[sflag:s8] =	ssyncset.done $0x0  }
0x6a: {  	[sflag:s8] =	ssyncadd.s32 $0xFFFFFFD8  }
0x6b: {  	[spmem:s3] =	stream.indirect.scatter.add.f32 [tilespmem:s7], [sflag:$0xB], $0x80, s6, s24, $0xb8;
	[tilespmem:$0x1CE00] =	vst v63  }
0x6c: {  	_ =	swait.ge [sflag:s20], $0x1400  }
0x6d: {  	[sflag:s20] =	ssyncset.done $0x0  }
0x6e: {  	s25 =	rddreg [dreg:$0xe];
	[sflag:s20] =	ssyncadd.s32 $0xFFFFEC00  }
0x6f: {  	[tilespmem:s6], [sflag:$0x9] =	stream.linear.gather [hbm4b:s25+s4], $0x28, $0x38;
	[tilespmem:$0x1CE00] =	vst v63  }
0x70: {  	s30 =	simm.s32 $0x140  }
0x71: {  	[tilespmem:s7], [sflag:$0x4] =	stream.indirect.gather [hbm4b:s5+s24], $0x80, s30, s24, $0xb8;
	[tilespmem:$0x1CE00] =	vst v63  }
0x72: {  	_ =	swait.ge [sflag:s15], $0x1400  }
0x73: {  	[sflag:s15] =	ssyncset.done $0x0  }
0x74: {  	[sflag:s15] =	ssyncadd.s32 $0xFFFFEC00  }
0x75: {  	_ =	swait.ge [sflag:s16], $0x28  }
0x76: {  	[sflag:s16] =	ssyncset.done $0x0  }
0x77: {  	s19 =	sadd.s32 $0xC8, s19;
	s22 =	sadd.s32 $0x19, s22;
	[sflag:s16] =	ssyncadd.s32 $0xFFFFFFD8  }
0x78: {  	[spmem:s3] =	stream.indirect.scatter.add.f32 [tilespmem:s9], [sflag:$0xB], $0x80, s26, s24, $0xb8;
	[tilespmem:$0x1CE00] =	vst v63  }
0x79: {  	s18 =	simm.s32 $0x320;
	s21 =	sadd.s32 $0x19, s21;
	_ =	swait.ge [sflag:s20], $0x1400  }
0x7a: {  	s23 =	simm.s32 $0x168;
	[sflag:s20] =	ssyncset.done $0x0;
	s31 =	rddreg [dreg:$0xd]  }
0x7b: {  	s2 =	sadd.s32 $0x19, s25;
	[sflag:s20] =	ssyncadd.s32 $0xFFFFEC00;
	s17 =	sadd.s32 $0x19, s31  }
0x7c: {  	[tilespmem:s26], [sflag:$0xA] =	stream.linear.gather [hbm4b:s31+s4], $0x28, $0x38;
	[tilespmem:$0x1CE00] =	vst v63  }
.LBB2_2:
0x7d: {  	s9 =	simm.s32 $0x1B780;
	s0 =	simm.s32 $0x1  }
0x7e: {  	[tilespmem:s9], [sflag:$0x5] =	stream.indirect.gather [hbm4b:s5+s24], $0x80, s23, s24, $0xb8;
	[tilespmem:$0x1CE00] =	vst v63  }
0x7f: {  	_ =	swait.ge [sflag:s0], $0x1400  }
0x80: {  	[sflag:s0] =	ssyncset.done $0x0  }
0x81: {  	s25 =	simm.s32 $0x6;
	[sflag:s0] =	ssyncadd.s32 $0xFFFFEC00  }
0x82: {  	_ =	swait.ge [sflag:s25], $0x28  }
0x83: {  	[sflag:s25] =	ssyncset.done $0x0  }
0x84: {  	s29 =	simm.s32 $0x1CB80;
	s31 =	simm.s32 $0x16780;
	[sflag:s25] =	ssyncadd.s32 $0xFFFFFFD8  }
0x85: {  	[spmem:s3] =	stream.indirect.scatter.add.f32 [tilespmem:s31], [sflag:$0xB], $0x80, s29, s24, $0xb8;
	[tilespmem:$0x1CE00] =	vst v63  }
0x86: {  	_ =	swait.ge [sflag:s20], $0x1400  }
0x87: {  	[sflag:s20] =	ssyncset.done $0x0  }
0x88: {  	[sflag:s20] =	ssyncadd.s32 $0xFFFFEC00  }
0x89: {  	s7 =	smov.u32 s18;
	s25 =	sshrl.u32 s19, $0x3;
	s26 =	rddreg [dreg:$0x1]  }
0x8a: {  	s23 =	sshra.s32 s7, $0x2;
	s25 =	sadd.s32 s26, s25  }
0x8b: {  	[tilespmem:s29], [sflag:$0x6] =	stream.linear.gather [hbm4b:s25+s4], $0x28, $0x38;
	[tilespmem:$0x1CE00] =	vst v63  }
0x8c: {  	s0 =	sadd.s32 $0xC8, s23  }
0x8d: {  	[tilespmem:s31], [sflag:$0x1] =	stream.indirect.gather [hbm4b:s5+s24], $0x80, s0, s24, $0xb8;
	[tilespmem:$0x1CE00] =	vst v63  }
0x8e: {  	_ =	swait.ge [sflag:s10], $0x1400  }
0x8f: {  	[sflag:s10] =	ssyncset.done $0x0  }
0x90: {  	[sflag:s10] =	ssyncadd.s32 $0xFFFFEC00  }
0x91: {  	_ =	swait.ge [sflag:s11], $0x28  }
0x92: {  	[sflag:s11] =	ssyncset.done $0x0  }
0x93: {  	s1 =	simm.s32 $0x1CC00;
	s30 =	simm.s32 $0x17B80;
	[sflag:s11] =	ssyncadd.s32 $0xFFFFFFD8  }
0x94: {  	[spmem:s3] =	stream.indirect.scatter.add.f32 [tilespmem:s30], [sflag:$0xB], $0x80, s1, s24, $0xb8;
	[tilespmem:$0x1CE00] =	vst v63  }
0x95: {  	_ =	swait.ge [sflag:s20], $0x1400  }
0x96: {  	[sflag:s20] =	ssyncset.done $0x0  }
0x97: {  	[sflag:s20] =	ssyncadd.s32 $0xFFFFEC00  }
0x98: {  	[tilespmem:s1], [sflag:$0x7] =	stream.linear.gather [hbm4b:s22+s4], $0x28, $0x38;
	[tilespmem:$0x1CE00] =	vst v63  }
0x99: {  	s6 =	sadd.s32 $0xF0, s23  }
0x9a: {  	[tilespmem:s30], [sflag:$0x2] =	stream.indirect.gather [hbm4b:s5+s24], $0x80, s6, s24, $0xb8;
	[tilespmem:$0x1CE00] =	vst v63  }
0x9b: {  	_ =	swait.ge [sflag:s12], $0x1400  }
0x9c: {  	[sflag:s12] =	ssyncset.done $0x0  }
0x9d: {  	[sflag:s12] =	ssyncadd.s32 $0xFFFFEC00  }
0x9e: {  	_ =	swait.ge [sflag:s13], $0x28  }
0x9f: {  	[sflag:s13] =	ssyncset.done $0x0  }
0xa0: {  	s7 =	simm.s32 $0x1CC80;
	s6 =	simm.s32 $0x18F80;
	[sflag:s13] =	ssyncadd.s32 $0xFFFFFFD8  }
0xa1: {  	[spmem:s3] =	stream.indirect.scatter.add.f32 [tilespmem:s6], [sflag:$0xB], $0x80, s7, s24, $0xb8;
	[tilespmem:$0x1CE00] =	vst v63  }
0xa2: {  	_ =	swait.ge [sflag:s20], $0x1400  }
0xa3: {  	[sflag:s20] =	ssyncset.done $0x0  }
0xa4: {  	[sflag:s20] =	ssyncadd.s32 $0xFFFFEC00  }
0xa5: {  	[tilespmem:s7], [sflag:$0x8] =	stream.linear.gather [hbm4b:s21+s4], $0x28, $0x38;
	[tilespmem:$0x1CE00] =	vst v63  }
0xa6: {  	s26 =	sadd.s32 $0x118, s23  }
0xa7: {  	[tilespmem:s6], [sflag:$0x3] =	stream.indirect.gather [hbm4b:s5+s24], $0x80, s26, s24, $0xb8;
	[tilespmem:$0x1CE00] =	vst v63  }
0xa8: {  	_ =	swait.ge [sflag:s14], $0x1400  }
0xa9: {  	[sflag:s14] =	ssyncset.done $0x0  }
0xaa: {  	[sflag:s14] =	ssyncadd.s32 $0xFFFFEC00  }
0xab: {  	_ =	swait.ge [sflag:s8], $0x28  }
0xac: {  	[sflag:s8] =	ssyncset.done $0x0  }
0xad: {  	s7 =	simm.s32 $0x1CD00;
	s26 =	simm.s32 $0x1A380;
	[sflag:s8] =	ssyncadd.s32 $0xFFFFFFD8  }
0xae: {  	[spmem:s3] =	stream.indirect.scatter.add.f32 [tilespmem:s26], [sflag:$0xB], $0x80, s7, s24, $0xb8;
	[tilespmem:$0x1CE00] =	vst v63  }
0xaf: {  	_ =	swait.ge [sflag:s20], $0x1400  }
0xb0: {  	[sflag:s20] =	ssyncset.done $0x0  }
0xb1: {  	[sflag:s20] =	ssyncadd.s32 $0xFFFFEC00  }
0xb2: {  	[tilespmem:s7], [sflag:$0x9] =	stream.linear.gather [hbm4b:s2+s4], $0x28, $0x38;
	[tilespmem:$0x1CE00] =	vst v63  }
0xb3: {  	s25 =	sadd.s32 $0x140, s23  }
0xb4: {  	[tilespmem:s26], [sflag:$0x4] =	stream.indirect.gather [hbm4b:s5+s24], $0x80, s25, s24, $0xb8;
	[tilespmem:$0x1CE00] =	vst v63  }
0xb5: {  	_ =	swait.ge [sflag:s15], $0x1400  }
0xb6: {  	p0 =	sne.s32 s18, $0x9600;
	[sflag:s15] =	ssyncset.done $0x0  }
0xb7: {  	s18 =	sadd.s32 $0x320, s18;
	s19 =	sadd.s32 $0xC8, s19;
	[sflag:s15] =	ssyncadd.s32 $0xFFFFEC00  }
0xb8: {  	s29 =	simm.s32 $0x16780;
	s23 =	sadd.s32 $0x168, s23;
	_ =	swait.ge [sflag:s16], $0x28  }
0xb9: {  	s31 =	simm.s32 $0x1CC00;
	s0 =	simm.s32 $0x18F80;
	[sflag:s16] =	ssyncset.done $0x0  }
0xba: {  	s1 =	simm.s32 $0x17B80;
	s26 =	simm.s32 $0x1CD80;
	[sflag:s16] =	ssyncadd.s32 $0xFFFFFFD8  }
0xbb: {  	[spmem:s3] =	stream.indirect.scatter.add.f32 [tilespmem:s9], [sflag:$0xB], $0x80, s26, s24, $0xb8;
	[tilespmem:$0x1CE00] =	vst v63  }
.Ltmp0:
0xbc: {  	s22 =	sadd.s32 $0x19, s22;
	_ =	swait.ge [sflag:s20], $0x1400;
	(pc) =	sbr.rel @p0 .LBB2_2-.Ltmp0, $4  }
0xbd: {  	s30 =	simm.s32 $0x1CC80;
	s21 =	sadd.s32 $0x19, s21;
	[sflag:s20] =	ssyncset.done $0x0  }
0xbe: {  	s6 =	simm.s32 $0x1CD00;
	s7 =	simm.s32 $0x1A380;
	[sflag:s20] =	ssyncadd.s32 $0xFFFFEC00  }
0xbf: {  	[tilespmem:s26], [sflag:$0xA] =	stream.linear.gather [hbm4b:s17+s4], $0x28, $0x38;
	[tilespmem:$0x1CE00] =	vst v63  }
0xc0: {  	s2 =	sadd.s32 $0x19, s2;
	s25 =	simm.s32 $0x1CD80;
	s17 =	sadd.s32 $0x19, s17  }
0xc1: {  	s2 =	simm.s32 $0x1B780;
	s9 =	simm.s32 $0x1  }
0xc2: {  	[tilespmem:s2], [sflag:$0x5] =	stream.indirect.gather [hbm4b:s5+s24], $0x80, s23, s24, $0xb8;
	[tilespmem:$0x1CE00] =	vst v63  }
0xc3: {  	_ =	swait.ge [sflag:s9], $0x1400  }
0xc4: {  	[sflag:s9] =	ssyncset.done $0x0  }
0xc5: {  	s26 =	simm.s32 $0x6;
	[sflag:s9] =	ssyncadd.s32 $0xFFFFEC00  }
0xc6: {  	_ =	swait.ge [sflag:s26], $0x28  }
0xc7: {  	[sflag:s26] =	ssyncset.done $0x0  }
0xc8: {  	[sflag:s26] =	ssyncadd.s32 $0xFFFFFFD8  }
0xc9: {  	[spmem:s3] =	stream.indirect.scatter.add.f32 [tilespmem:s29], [sflag:$0xB], $0x80, s28, s24, $0xb8;
	[tilespmem:$0x1CE00] =	vst v63  }
0xca: {  	_ =	swait.ge [sflag:s20], $0x1400  }
0xcb: {  	[sflag:s20] =	ssyncset.done $0x0  }
0xcc: {  	[sflag:s20] =	ssyncadd.s32 $0xFFFFEC00  }
0xcd: {  	_ =	swait.ge [sflag:s10], $0x1400  }
0xce: {  	[sflag:s10] =	ssyncset.done $0x0  }
0xcf: {  	[sflag:s10] =	ssyncadd.s32 $0xFFFFEC00  }
0xd0: {  	_ =	swait.ge [sflag:s11], $0x28  }
0xd1: {  	[sflag:s11] =	ssyncset.done $0x0  }
0xd2: {  	[sflag:s11] =	ssyncadd.s32 $0xFFFFFFD8  }
0xd3: {  	[spmem:s3] =	stream.indirect.scatter.add.f32 [tilespmem:s1], [sflag:$0xB], $0x80, s31, s24, $0xb8;
	[tilespmem:$0x1CE00] =	vst v63  }
0xd4: {  	_ =	swait.ge [sflag:s20], $0x1400  }
0xd5: {  	[sflag:s20] =	ssyncset.done $0x0  }
0xd6: {  	[sflag:s20] =	ssyncadd.s32 $0xFFFFEC00  }
0xd7: {  	_ =	swait.ge [sflag:s12], $0x1400  }
0xd8: {  	[sflag:s12] =	ssyncset.done $0x0  }
0xd9: {  	[sflag:s12] =	ssyncadd.s32 $0xFFFFEC00  }
0xda: {  	_ =	swait.ge [sflag:s13], $0x28  }
0xdb: {  	[sflag:s13] =	ssyncset.done $0x0  }
0xdc: {  	[sflag:s13] =	ssyncadd.s32 $0xFFFFFFD8  }
0xdd: {  	[spmem:s3] =	stream.indirect.scatter.add.f32 [tilespmem:s0], [sflag:$0xB], $0x80, s30, s24, $0xb8;
	[tilespmem:$0x1CE00] =	vst v63  }
0xde: {  	_ =	swait.ge [sflag:s20], $0x1400  }
0xdf: {  	[sflag:s20] =	ssyncset.done $0x0  }
0xe0: {  	[sflag:s20] =	ssyncadd.s32 $0xFFFFEC00  }
0xe1: {  	_ =	swait.ge [sflag:s14], $0x1400  }
0xe2: {  	[sflag:s14] =	ssyncset.done $0x0  }
0xe3: {  	[sflag:s14] =	ssyncadd.s32 $0xFFFFEC00  }
0xe4: {  	_ =	swait.ge [sflag:s8], $0x28  }
0xe5: {  	[sflag:s8] =	ssyncset.done $0x0  }
0xe6: {  	[sflag:s8] =	ssyncadd.s32 $0xFFFFFFD8  }
0xe7: {  	[spmem:s3] =	stream.indirect.scatter.add.f32 [tilespmem:s7], [sflag:$0xB], $0x80, s6, s24, $0xb8;
	[tilespmem:$0x1CE00] =	vst v63  }
0xe8: {  	_ =	swait.ge [sflag:s20], $0x1400  }
0xe9: {  	[sflag:s20] =	ssyncset.done $0x0  }
0xea: {  	[sflag:s20] =	ssyncadd.s32 $0xFFFFEC00  }
0xeb: {  	_ =	swait.ge [sflag:s15], $0x1400  }
0xec: {  	[sflag:s15] =	ssyncset.done $0x0  }
0xed: {  	[sflag:s15] =	ssyncadd.s32 $0xFFFFEC00  }
0xee: {  	_ =	swait.ge [sflag:s16], $0x28  }
0xef: {  	[sflag:s16] =	ssyncset.done $0x0  }
0xf0: {  	[sflag:s16] =	ssyncadd.s32 $0xFFFFFFD8  }
0xf1: {  	[spmem:s3] =	stream.indirect.scatter.add.f32 [tilespmem:s2], [sflag:$0xB], $0x80, s25, s24, $0xb8;
	[tilespmem:$0x1CE00] =	vst v63  }
0xf2: {  	_ =	swait.ge [sflag:s20], $0x1400  }
0xf3: {  	[sflag:s20] =	ssyncset.done $0x0  }
0xf4: {  	[sflag:s20] =	ssyncadd.s32 $0xFFFFEC00  }
0xf5: {  	[bflag:$0x0] =	sbarrier.arrive $0xFFFF  }
0xf6: {  	s29 =	rddreg [dreg:$0xb]  }
0xf7: {  	s17 =	rddreg [dreg:$0x12]  }
0xf8: {  	s18 =	rddreg [dreg:$0x13]  }
0xf9: {  	[hbm:s29], [sflag:s17] =	dma.local [spmem:s18], $0x2800  }
0xfa: {  	_ =	swait.ge [sflag:s20], $0x2800  }
0xfb: {  	s30 =	rddreg [dreg:$0x14]  }
0xfc: {  	s31 =	rddreg [dreg:$0xc];
	s0 =	sadd.s32 $0x1, s30  }
0xfd: {  	p0 =	sne.s32 s0, s31  }
.Ltmp1:
0xfe: {  	_ = 	snop;
	(pc) =	sbr.rel @p0 .LBB2_1-.Ltmp1, $4  }
0xff: {  	_ = 	snop  }
0x100: {  	[sflag:s20] =	ssyncset.done $0x0  }
0x101: {  	[sflag:s20] =	ssyncadd.s32 $0xFFFFD800  }
0x102: {  	s22 =	rddreg [dreg:$0x1]  }
0x103: {  	_ =	sfence.sel $0x180000  }
0x104: {  	[bflag:$0x0] =	sbarrier.arrive $0xFFFF  }
0x105: {  	_ =	strace $0x9000004D  }
0x106: {  	s0 =	stileid.u32;
	[bflag:$0x2] =	sbarrier.arrive $0xFFFF  }
0x107: {  	p0 =	sne.s32 s0, $0x0;
	s0 =	rddreg [dreg:$0x3]  }
0x108: {  	s0 =	sadd.s32 @!p0 $0x100000, s0  }
0x109: {  	[sflag:s0] =	ssyncadd.tile.s32 @!p0 $0x1;
	_ =	shalt  }
.Lfunc_end2:
_tile_overlayer_lowered:
.L_overlay_start_2:
0x10a: {  	(tag) =	ssettag $0x2  }
0x10b: {  	s0 =	rddreg [dreg:$0x0];
	s2 =	stileid.u32  }
0x10c: {  	s1 =	rddreg [dreg:$0x1];
	p0 =	sne.s32 s2, $0x0  }
0x10d: {  	s3 =	rddreg [dreg:$0x2];
	[bflag:$0x3] =	sbarrier.arrive $0xFFFF;
	s2 =	simm.s32 @!p0 $0x1C0B  }
0x10e: {  	[timem:s3], [sflag:s2] =	dma.local @!p0 [hbm:s0], s1  }
0x10f: {  	s0 =	simm.s32 @!p0 $0xB  }
0x110: {  	_ =	swait.ge @!p0 [sflag:s0], s1  }
0x111: {  	s1 =	ssub.s32 @!p0 $0x0, s1;
	[sflag:s0] =	ssyncset.done @!p0 $0x0  }
0x112: {  	[sflag:s0] =	ssyncadd.s32 @!p0 s1  }
0x113: {  	[bflag:$0x3] =	sbarrier.arrive $0xFFFF  }
0x114: {  	_ =	shalt  }

// kernel: kernel.21.cloned.1.call-start
scs
__scs_entry_jumppad:
0x0: {  	(pc) =	sbr.rel $0x88, $3  }
0x1: {  	(tag) =	ssettag $0x0;
	lr =	simm.s32 $0x1  }
0x2: {  	[smem:$0x3F99] =	sst lr;
	_ =	strace $0xD0000000  }
0x3: {  	_ = 	snop  }
0x4: {  	_ = 	snop  }
0x5: {  	_ = 	snop  }
0x6: {  	_ = 	snop  }
0x7: {  	_ = 	snop  }
__scs_overlays_trampoline_lowered:
0x8: {  	[smem:$0x3FA8] =	sst s0  }
0x9: {  	[smem:$0x3FA9] =	sst s1  }
0xa: {  	[smem:$0x3FAA] =	sst s2  }
0xb: {  	[smem:$0x3FAB] =	sst s3  }
0xc: {  	[smem:$0x3FAC] =	sst s4  }
0xd: {  	[smem:$0x3FAD] =	sst s5  }
0xe: {  	[smem:$0x3FAE] =	sst s6  }
0xf: {  	[smem:$0x3FAF] =	sst s7  }
0x10: {  	[smem:$0x3FB0] =	sst s8  }
0x11: {  	[smem:$0x3FB1] =	sst s9;
	s0 =	simm.s32 @!p0 $0x0  }
0x12: {  	s1 =	sld [smem:$0x3F97];
	s0 =	simm.s32 @p0 $0x1  }
0x13: {  	[smem:$0x3FB2] =	sst s0;
	s0 =	simm.s32 @!p1 $0x0  }
0x14: {  	s2 =	sld [smem:$0x3F96];
	s0 =	simm.s32 @p1 $0x1  }
0x15: {  	[smem:$0x3FB3] =	sst s0;
	s0 =	simm.s32 @!p2 $0x0  }
0x16: {  	s3 =	sld [smem:$0x3FDB];
	s0 =	simm.s32 @p2 $0x1  }
0x17: {  	s4 =	simm.s32 $0x1BF5;
	[smem:$0x3FB5] =	sst s0  }
0x18: {  	s0 =	sld [smem:$0x3F98];
	_ =	swait.ge [sflag:s4], $0x0  }
0x19: {  	s7 =	sld [smem:$0x3F99]  }
0x1a: {  	s8 =	sadd.s32 $0xFFFFE003, lr  }
0x1b: {  	s9 =	sadd.s32 $0xFFFFFEF7, lr;
	s5 =	simm.s32 $0xFFFFFFFF;
	p2 =	slt.u32 s8, $0xFFFFF086  }
0x1c: {  	p1 =	slt.u32 s9, $0xF7A;
	s5 =	simm.s32 @!p2 $0x0  }
0x1d: {  	s5 =	simm.s32 @p1 $0x1;
	p0 =	seq.s32 s7, s2  }
0x1e: {  	s7 =	smul.u32 @!p0 $0xF7A, s2;
	p2 =	seq.s32 @!p0 s5, $0x0  }
0x1f: {  	s9 =	smul.u32 $0xF7A, s1;
	s8 =	simm.s32 @!p0 $0x1BF5;
	p2 =	por !p2, p0  }
0x20: {  	[sflag:s8] =	ssyncset.s32 @!p0 $0xFFFFF086;
	s6 =	sadd.s32 @!p0 s3, s7;
	s7 =	simm.s32 @!p0 $0x108  }
0x21: {  	s3 =	sadd.s32 s3, s9;
	s6 =	sadd.s32 @!p0 $0x88, s6;
	s7 =	simm.s32 @p2 $0x1082  }
0x22: {  	[simem:s7], [sflag:s8] =	dma.local @!p0 [hbm:s6], $0xF7A  }
0x23: {  	s9 =	sor.u32 $0xD0000000, s2;
	s6 =	simm.s32 $0x108;
	_ =	swait.ge @!p0 [sflag:s8], $0x0  }
0x24: {  	s3 =	sadd.s32 $0x88, s3;
	s6 =	simm.s32 @!p1 $0x1082;
	[sflag:s4] =	ssyncset.s32 $0xFFFFF086  }
0x25: {  	[simem:s6], [sflag:s4] =	dma.local [hbm:s3], $0xF7A  }
0x26: {  	[smem:$0x3F99] =	sst s1;
	(tag) =	ssettag s2;
	_ =	strace s9  }
0x27: {  	s1 =	sld [smem:$0x3FA9]  }
0x28: {  	s2 =	sld [smem:$0x3FAA]  }
0x29: {  	s4 =	sld [smem:$0x3FAC]  }
0x2a: {  	p0 =	seq.s32 s5, $0x0;
	s5 =	sld [smem:$0x3FAD]  }
0x2b: {  	s6 =	sld [smem:$0x3FAE]  }
0x2c: {  	s7 =	sld [smem:$0x3FAF]  }
0x2d: {  	s3 =	simm.s32 $0x108;
	s8 =	sld [smem:$0x3FB0]  }
0x2e: {  	s3 =	simm.s32 @!p0 $0x1082;
	s9 =	sld [smem:$0x3FB1]  }
0x2f: {  	lr =	sadd.s32 s0, s3;
	s0 =	sld [smem:$0x3FA8]  }
0x30: {  	s3 =	sld [smem:$0x3FAB]  }
0x31: {  	[smem:$0x3FB4] =	sst s10  }
0x32: {  	s10 =	sld [smem:$0x3FB2];
	_ =	sdelay $0x3  }
0x33: {  	p0 =	seq.s32 s10, $0x1;
	s10 =	sld [smem:$0x3FB4];
	_ =	sdelay $0x3  }
0x34: {  	[smem:$0x3FB4] =	sst s10  }
0x35: {  	s10 =	sld [smem:$0x3FB3];
	_ =	sdelay $0x3  }
0x36: {  	p1 =	seq.s32 s10, $0x1;
	s10 =	sld [smem:$0x3FB4];
	_ =	sdelay $0x3  }
0x37: {  	[smem:$0x3FB4] =	sst s10  }
0x38: {  	s10 =	sld [smem:$0x3FB5]  }
0x39: {  	_ = 	snop;
	(pc) =	sbr.ind lr, $3  }
0x3a: {  	_ = 	snop  }
0x3b: {  	_ = 	snop  }
0x3c: {  	p2 =	seq.s32 s10, $0x1;
	s10 =	sld [smem:$0x3FB4]  }
0x3d: {  	_ =	shalt  }
0x3e: {  	_ =	shalt  }
0x3f: {  	_ =	shalt  }
0x40: {  	_ =	shalt  }
0x41: {  	_ =	shalt  }
0x42: {  	_ =	shalt  }
0x43: {  	_ =	shalt  }
0x44: {  	_ =	shalt  }
0x45: {  	_ =	shalt  }
0x46: {  	_ =	shalt  }
0x47: {  	_ =	shalt  }
0x48: {  	_ =	shalt  }
0x49: {  	_ =	shalt  }
0x4a: {  	_ =	shalt  }
0x4b: {  	_ =	shalt  }
0x4c: {  	_ =	shalt  }
0x4d: {  	_ =	shalt  }
0x4e: {  	_ =	shalt  }
0x4f: {  	_ =	shalt  }
0x50: {  	_ =	shalt  }
0x51: {  	_ =	shalt  }
0x52: {  	_ =	shalt  }
0x53: {  	_ =	shalt  }
0x54: {  	_ =	shalt  }
0x55: {  	_ =	shalt  }
0x56: {  	_ =	shalt  }
0x57: {  	_ =	shalt  }
0x58: {  	_ =	shalt  }
0x59: {  	_ =	shalt  }
0x5a: {  	_ =	shalt  }
0x5b: {  	_ =	shalt  }
0x5c: {  	_ =	shalt  }
0x5d: {  	_ =	shalt  }
0x5e: {  	_ =	shalt  }
0x5f: {  	_ =	shalt  }
0x60: {  	_ =	shalt  }
0x61: {  	_ =	shalt  }
0x62: {  	_ =	shalt  }
0x63: {  	_ =	shalt  }
0x64: {  	_ =	shalt  }
0x65: {  	_ =	shalt  }
0x66: {  	_ =	shalt  }
0x67: {  	_ =	shalt  }
0x68: {  	_ =	shalt  }
0x69: {  	_ =	shalt  }
0x6a: {  	_ =	shalt  }
0x6b: {  	_ =	shalt  }
0x6c: {  	_ =	shalt  }
0x6d: {  	_ =	shalt  }
0x6e: {  	_ =	shalt  }
0x6f: {  	_ =	shalt  }
0x70: {  	_ =	shalt  }
0x71: {  	_ =	shalt  }
0x72: {  	_ =	shalt  }
0x73: {  	_ =	shalt  }
0x74: {  	_ =	shalt  }
0x75: {  	_ =	shalt  }
0x76: {  	_ =	shalt  }
0x77: {  	_ =	shalt  }
0x78: {  	_ =	shalt  }
0x79: {  	_ =	shalt  }
0x7a: {  	_ =	shalt  }
0x7b: {  	_ =	shalt  }
0x7c: {  	_ =	shalt  }
0x7d: {  	_ =	shalt  }
0x7e: {  	_ =	shalt  }
0x7f: {  	_ =	shalt  }
0x80: {  	_ =	shalt  }
0x81: {  	_ =	shalt  }
0x82: {  	_ =	shalt  }
0x83: {  	_ =	shalt  }
0x84: {  	_ =	shalt  }
0x85: {  	_ =	shalt  }
0x86: {  	_ =	shalt  }
0x87: {  	_ =	shalt  }
.Lfunc_end0:
.L_simem_size_0:
called_computation.3_lowered:
.L_overlay_start_0:
0x88: {  	s2 =	sld [smem:$0x3FD9]  }
0x89: {  	s3 =	sld [smem:$0x3FFE];
	_ =	sdelay $0x1  }
0x8a: {  	s1 =	srdreg.scid  }
0x8b: {  	s0 =	sand.u32 $0x1, s1  }
0x8c: {  	s17 =	sshll.u32 s0, $0xA;
	s2 =	sadd.s32 s3, s2  }
0x8d: {  	s2 =	sadd.s32 s2, s17  }
0x8e: {  	[smem:$0x3FC0] =	sst s2  }
0x8f: {  	_ = 	snop  }
0x90: {  	s2 =	sld [smem:$0x3FD0];
	(tm) =	ssettm $0x1  }
0x91: {  	s18 =	sld [smem:$0x3FFB];
	_ =	sdelay $0x3  }
0x92: {  	_ =	strace s18  }
0x93: {  	s3 =	sld [smem:$0x3FFC];
	_ =	sdelay $0x3  }
0x94: {  	_ =	strace s3  }
0x95: {  	s3 =	sld [smem:$0x3FFD];
	_ =	sdelay $0x3  }
0x96: {  	_ =	strace s3  }
0x97: {  	_ =	strace $0x8FFFFFFF  }
0x98: {  	s19 =	sld [smem:$0x3FDB];
	_ =	sdelay $0x1  }
0x99: {  	s4 =	simm.s32 $_scs_section_size  }
0x9a: {  	s5 =	simm.s32 $_size__tile_overlayer_lowered;
	s6 =	simm.s32 $_tile_overlayer_lowered  }
0x9b: {  	s22 =	simm.s32 $0x1BFF;
	s21 =	sshll.u32 s6, $0x1;
	s3 =	sadd.s32 s4, s19  }
0x9c: {  	s7 =	simm.s32 $0x0;
	s20 =	sshll.u32 s5, $0x1;
	s5 =	sadd.s32 s21, s3  }
0x9d: {  	[timem:s7], [sflag:s22] =	dma.local [hbm:s5], s20  }
0x9e: {  	_ =	swait.ge [sflag:s22], s20  }
0x9f: {  	s4 =	ssub.s32 $0x0, s20;
	[sflag:s22] =	ssyncset.done $0x0  }
0xa0: {  	[sflag:s22] =	ssyncadd.s32 s4;
	_ =	sdelay $0x1  }
0xa1: {  	s23 =	simm.s32 $0x1B8B  }
0xa2: {  	_ =	swait.ge [sflag:s23], $0x1  }
0xa3: {  	[sflag:s23] =	ssyncset.done $0x0  }
0xa4: {  	s25 =	simm.s32 $0x1B8E;
	s24 =	sld [smem:$0x3FFE];
	[sflag:s23] =	ssyncadd.s32 $0xFFFFFFFF  }
0xa5: {  	s26 =	simm.s32 $execute0_lowered;
	[smem:$0x3FD2] =	sst s25  }
0xa6: {  	s5 =	sshll.u32 s26, $0x1;
	_ =	strace $0x8000004F;
	[dreg:$0x1] =	wrdreg $0xFFFFFFFF  }
0xa7: {  	s28 =	simm.s32 $_size_execute0_lowered;
	s3 =	sadd.s32 s3, s5;
	[dreg:$0x0] =	wrdreg $0x0  }
0xa8: {  	s5 =	sshll.u32 s28, $0x1;
	[dreg:$0x2] =	wrdreg s3  }
0xa9: {  	[dreg:$0x3] =	wrdreg s5  }
0xaa: {  	[dreg:$0x4] =	wrdreg $0xC0  }
0xab: {  	_ =	task [dreg:s7], $0x5FFFF  }
0xac: {  	[dreg:$0x1] =	wrdreg $0xFFFFFFFF  }
0xad: {  	[dreg:$0x0] =	wrdreg $0x60  }
0xae: {  	[dreg:$0x2] =	wrdreg s24  }
0xaf: {  	[dreg:$0x3] =	wrdreg s2  }
0xb0: {  	[dreg:$0x4] =	wrdreg $0x27800  }
0xb1: {  	[dreg:$0x5] =	wrdreg $0x9  }
0xb2: {  	_ =	task.clear_ibuf [dreg:s7], $0x6FFFF;
	_ =	strace $0x9000004F  }
0xb3: {  	s29 =	simm.s32 $0x9;
	_ =	strace $0x80000051  }
0xb4: {  	_ =	swait.ge [sflag:s29], $0x1  }
0xb5: {  	[sflag:s29] =	ssyncadd.s32 $0xFFFFFFFF  }
0xb6: {  	_ =	strace $0x90000051  }
0xb7: {  	_ =	sfence  }
0xb8: {  	s30 =	sld [smem:$0x0];
	_ =	sdelay $0x2  }
0xb9: {  	s31 =	sshll.u32 s1, $0xD;
	s1 =	sshrl.u32 s1, $0x2  }
0xba: {  	s3 =	sand.u32 $0x4000, s31;
	s1 =	sadd.s32 s1, s30  }
0xbb: {  	s0 =	sor.u32 s3, s0;
	s1 =	sshll.u32 s1, $0x11  }
0xbc: {  	s0 =	sor.u32 s1, s0  }
0xbd: {  	s0 =	sadd.s32 $0x8F2B, s0  }
0xbe: {  	[sflag:s0] =	ssyncadd.remote.s32 $0x1  }
0xbf: {  	_ =	sfence.sel $0xFFFF  }
0xc0: {  	[dreg:$0x0] =	wrdreg $0xFFFFFFFF;
	(pc) =	sbr.abs _section_cstart, $3  }
0xc1: {  	[dreg:$0x1] =	wrdreg $0xFFFFFFFF  }
0xc2: {  	_ =	task.clear_ibuf [dreg:s7], $0x2FFFF;
	_ =	strace $0x9FFFFFFF  }
0xc3: {  	(tm) =	ssettm $0x7FFFFFFF  }
tec
execute0_lowered:
.L_overlay_start_1:
0x0: {  	(tag) =	ssettag $0x1  }
0x1: {  	s0 =	srdreg.scid;
	s1 =	rddreg [dreg:$0x0]  }
0x2: {  	s13 =	stileid.u32;
	s22 =	rddreg [dreg:$0x1]  }
0x3: {  	s3 =	rddreg [dreg:$0x2];
	s4 =	simm.s32 $0x0;
	s6 =	smul.u32 $0x14000, s13  }
0x4: {  	s28 =	simm.s32 $0x1CB80;
	s0 =	sand.u32 $0x1, s0;
	s12 =	smul.u32 $0x50000, s13  }
0x5: {  	s2 =	sshll.u32 s13, $0x1;
	[smem:$0x7FF] =	sst s4;
	s8 =	smul.u32 $0x140000, s0  }
0x6: {  	s2 =	sor.u32 s0, s2;
	s30 =	ssub.s32 $0x2, s0;
	s0 =	smul.u32 $0x2710, s0  }
0x7: {  	s5 =	sadd.s32 $0xC600, s1;
	_ =	strace $0x80000050;
	s2 =	smul.u32 $0x2710, s2  }
0x8: {  	s10 =	sshrl.u32 s6, $0x3;
	s11 =	sshrl.u32 s30, $0x1;
	s6 =	sadd.s32 s6, s8  }
0x9: {  	s10 =	sadd.s32 s10, s1;
	s31 =	ssub.s32 s30, s11;
	s11 =	sshrl.u32 s12, $0x2  }
0xa: {  	s12 =	smul.u32 $0x4E20, s13;
	s7 =	sshrl.u32 s2, $0x3;
	s6 =	sshrl.u32 s6, $0x3  }
0xb: {  	s8 =	sadd.s32 s11, s3;
	s14 =	sadd.s32 $0x28, s2;
	s10 =	sadd.s32 $0x34600, s10  }
0xc: {  	s2 =	sadd.s32 $0x78, s2;
	s21 =	smax.u32 s31, $0x1;
	s31 =	sshll.u32 s13, $0x6  }
0xd: {  	s11 =	simm.s32 $0x7;
	s13 =	simm.s32 $0x8;
	s9 =	sadd.s32 s7, s1  }
0xe: {  	s1 =	sadd.s32 s6, s1;
	[dreg:$0x5] =	wrdreg s10;
	s15 =	sadd.s32 s22, s7  }
0xf: {  	s16 =	sshrl.u32 s14, $0x3;
	s0 =	sadd.s32 s0, s12;
	s2 =	sshrl.u32 s2, $0x3  }
0x10: {  	[dreg:$0xc] =	wrdreg s21;
	s10 =	simm.s32 $0x2;
	s12 =	simm.s32 $0x3  }
0x11: {  	s14 =	simm.s32 $0x4;
	s9 =	sadd.s32 $0x2800, s9;
	[dreg:$0x6] =	wrdreg s15  }
0x12: {  	s7 =	sadd.s32 s22, s16;
	s17 =	sadd.s32 $0xA, s15;
	[dreg:$0x4] =	wrdreg s9  }
0x13: {  	s18 =	sadd.s32 $0x168, s0;
	s2 =	sadd.s32 s22, s2;
	[dreg:$0x7] =	wrdreg s7  }
0x14: {  	s19 =	sadd.s32 $0x14, s15;
	s1 =	sadd.s32 $0x5C600, s1;
	[dreg:$0x8] =	wrdreg s17  }
0x15: {  	s24 =	sadd.s32 $0x140, s0;
	s25 =	sadd.s32 $0x118, s0;
	[dreg:$0x9] =	wrdreg s2  }
0x16: {  	s26 =	sadd.s32 $0xF0, s0;
	s0 =	sadd.s32 $0xC8, s0;
	[dreg:$0xa] =	wrdreg s19  }
0x17: {  	s15 =	simm.s32 $0x5;
	s16 =	simm.s32 $0xA;
	[dreg:$0xb] =	wrdreg s1  }
0x18: {  	s20 =	sshrl.u32 s18, $0x3;
	[dreg:$0x11] =	wrdreg s0;
	s17 =	sor.u32 $0x1C0B, s31  }
0x19: {  	s1 =	sshrl.u32 s24, $0x3;
	s18 =	sshrl.u32 s8, $0x3;
	[dreg:$0x12] =	wrdreg s17  }
0x1a: {  	s2 =	sshrl.u32 s25, $0x3;
	s23 =	sadd.s32 s20, s22;
	[dreg:$0x13] =	wrdreg s18  }
0x1b: {  	s6 =	sshrl.u32 s26, $0x3;
	s1 =	sadd.s32 s1, s22;
	[dreg:$0xd] =	wrdreg s23  }
0x1c: {  	s24 =	simm.s32 $0x28;
	s29 =	sadd.s32 s2, s22;
	[dreg:$0xe] =	wrdreg s1  }
0x1d: {  	s8 =	simm.s32 $0x9;
	s30 =	sadd.s32 s6, s22;
	[dreg:$0xf] =	wrdreg s29  }
0x1e: {  	s0 =	simm.s32 $0x0;
	s20 =	simm.s32 $0xB;
	[dreg:$0x10] =	wrdreg s30  }
.LBB2_1:
0x1f: {  	[dreg:$0x14] =	wrdreg s0  }
0x20: {  	s2 =	rddreg [dreg:$0x4]  }
0x21: {  	[tilespmem:s4], [sflag:$0xB] =	stream.linear.gather [hbm4b:s2+s4], $0x2710, $0x38;
	[tilespmem:$0x1CE00] =	vst v63  }
0x22: {  	_ =	swait.ge [sflag:s20], $0x2710  }
0x23: {  	[sflag:s20] =	ssyncset.done $0x0  }
0x24: {  	s29 =	rddreg [dreg:$0x5];
	[sflag:s20] =	ssyncadd.s32 $0xFFFFD8F0  }
0x25: {  	[spmem:s18], [sflag:s17] =	dma.local [hbm:s29], $0x2800  }
0x26: {  	_ =	swait.ge [sflag:s20], $0x2800  }
0x27: {  	[sflag:s20] =	ssyncset.done $0x0  }
0x28: {  	s17 =	simm.s32 $0x1CB80;
	s30 =	rddreg [dreg:$0x6];
	[sflag:s20] =	ssyncadd.s32 $0xFFFFD800  }
0x29: {  	[tilespmem:s17], [sflag:$0x6] =	stream.linear.gather [hbm4b:s30+s4], $0x28, $0x38;
	[tilespmem:$0x1CE00] =	vst v63  }
0x2a: {  	s18 =	simm.s32 $0x16780  }
0x2b: {  	[tilespmem:s18], [sflag:$0x1] =	stream.indirect.gather [hbm4b:s5+s24], $0x80, s4, s24, $0xb8;
	[tilespmem:$0x1CE00] =	vst v63  }
0x2c: {  	s21 =	simm.s32 $0x1CC00;
	s31 =	rddreg [dreg:$0x7]  }
0x2d: {  	[tilespmem:s21], [sflag:$0x7] =	stream.linear.gather [hbm4b:s31+s4], $0x28, $0x38;
	[tilespmem:$0x1CE00] =	vst v63  }
0x2e: {  	s1 =	simm.s32 $0x17B80  }
0x2f: {  	[tilespmem:s1], [sflag:$0x2] =	stream.indirect.gather [hbm4b:s5+s24], $0x80, s24, s24, $0xb8;
	[tilespmem:$0x1CE00] =	vst v63  }
0x30: {  	s23 =	simm.s32 $0x1CC80;
	s0 =	rddreg [dreg:$0x8]  }
0x31: {  	[tilespmem:s23], [sflag:$0x8] =	stream.linear.gather [hbm4b:s0+s4], $0x28, $0x38;
	[tilespmem:$0x1CE00] =	vst v63  }
0x32: {  	s6 =	simm.s32 $0x50;
	s0 =	simm.s32 $0x18F80  }
0x33: {  	[tilespmem:s0], [sflag:$0x3] =	stream.indirect.gather [hbm4b:s5+s24], $0x80, s6, s24, $0xb8;
	[tilespmem:$0x1CE00] =	vst v63  }
0x34: {  	s7 =	rddreg [dreg:$0x9];
	s6 =	simm.s32 $0x1CD00  }
0x35: {  	[tilespmem:s6], [sflag:$0x9] =	stream.linear.gather [hbm4b:s7+s4], $0x28, $0x38;
	[tilespmem:$0x1CE00] =	vst v63  }
0x36: {  	s9 =	simm.s32 $0x78;
	s7 =	simm.s32 $0x1A380  }
0x37: {  	[tilespmem:s7], [sflag:$0x4] =	stream.indirect.gather [hbm4b:s5+s24], $0x80, s9, s24, $0xb8;
	[tilespmem:$0x1CE00] =	vst v63  }
0x38: {  	s26 =	simm.s32 $0x1CD80;
	s19 =	rddreg [dreg:$0xa]  }
0x39: {  	[tilespmem:s26], [sflag:$0xA] =	stream.linear.gather [hbm4b:s19+s4], $0x28, $0x38;
	[tilespmem:$0x1CE00] =	vst v63  }
0x3a: {  	s25 =	simm.s32 $0xA0;
	s9 =	simm.s32 $0x1B780  }
0x3b: {  	[tilespmem:s9], [sflag:$0x5] =	stream.indirect.gather [hbm4b:s5+s24], $0x80, s25, s24, $0xb8;
	[tilespmem:$0x1CE00] =	vst v63  }
0x3c: {  	s29 =	simm.s32 $0x1;
	[bflag:$0x0] =	sbarrier.arrive $0xFFFF  }
0x3d: {  	_ =	swait.ge [sflag:s29], $0x1400  }
0x3e: {  	[sflag:s29] =	ssyncset.done $0x0  }
0x3f: {  	s30 =	simm.s32 $0x6;
	[sflag:s29] =	ssyncadd.s32 $0xFFFFEC00  }
0x40: {  	_ =	swait.ge [sflag:s30], $0x28  }
0x41: {  	[sflag:s30] =	ssyncset.done $0x0  }
0x42: {  	[sflag:s30] =	ssyncadd.s32 $0xFFFFFFD8  }
0x43: {  	[spmem:s3] =	stream.indirect.scatter.add.f32 [tilespmem:s18], [sflag:$0xB], $0x80, s17, s24, $0xb8;
	[tilespmem:$0x1CE00] =	vst v63  }
0x44: {  	_ =	swait.ge [sflag:s20], $0x1400  }
0x45: {  	s19 =	rddreg [dreg:$0x11]  }
0x46: {  	[sflag:s20] =	ssyncset.done $0x0;
	s31 =	sshrl.u32 s19, $0x3  }
0x47: {  	[sflag:s20] =	ssyncadd.s32 $0xFFFFEC00;
	s2 =	sadd.s32 s22, s31  }
0x48: {  	[tilespmem:s17], [sflag:$0x6] =	stream.linear.gather [hbm4b:s2+s4], $0x28, $0x38;
	[tilespmem:$0x1CE00] =	vst v63  }
0x49: {  	s17 =	simm.s32 $0xC8  }
0x4a: {  	[tilespmem:s18], [sflag:$0x1] =	stream.indirect.gather [hbm4b:s5+s24], $0x80, s17, s24, $0xb8;
	[tilespmem:$0x1CE00] =	vst v63  }
0x4b: {  	_ =	swait.ge [sflag:s10], $0x1400  }
0x4c: {  	[sflag:s10] =	ssyncset.done $0x0  }
0x4d: {  	[sflag:s10] =	ssyncadd.s32 $0xFFFFEC00  }
0x4e: {  	_ =	swait.ge [sflag:s11], $0x28  }
0x4f: {  	[sflag:s11] =	ssyncset.done $0x0  }
0x50: {  	[sflag:s11] =	ssyncadd.s32 $0xFFFFFFD8  }
0x51: {  	[spmem:s3] =	stream.indirect.scatter.add.f32 [tilespmem:s1], [sflag:$0xB], $0x80, s21, s24, $0xb8;
	[tilespmem:$0x1CE00] =	vst v63  }
0x52: {  	_ =	swait.ge [sflag:s20], $0x1400  }
0x53: {  	[sflag:s20] =	ssyncset.done $0x0  }
0x54: {  	s22 =	rddreg [dreg:$0x10];
	[sflag:s20] =	ssyncadd.s32 $0xFFFFEC00  }
0x55: {  	[tilespmem:s21], [sflag:$0x7] =	stream.linear.gather [hbm4b:s22+s4], $0x28, $0x38;
	[tilespmem:$0x1CE00] =	vst v63  }
0x56: {  	s18 =	simm.s32 $0xF0  }
0x57: {  	[tilespmem:s1], [sflag:$0x2] =	stream.indirect.gather [hbm4b:s5+s24], $0x80, s18, s24, $0xb8;
	[tilespmem:$0x1CE00] =	vst v63  }
0x58: {  	_ =	swait.ge [sflag:s12], $0x1400  }
0x59: {  	[sflag:s12] =	ssyncset.done $0x0  }
0x5a: {  	[sflag:s12] =	ssyncadd.s32 $0xFFFFEC00  }
0x5b: {  	_ =	swait.ge [sflag:s13], $0x28  }
0x5c: {  	[sflag:s13] =	ssyncset.done $0x0  }
0x5d: {  	[sflag:s13] =	ssyncadd.s32 $0xFFFFFFD8  }
0x5e: {  	[spmem:s3] =	stream.indirect.scatter.add.f32 [tilespmem:s0], [sflag:$0xB], $0x80, s23, s24, $0xb8;
	[tilespmem:$0x1CE00] =	vst v63  }
0x5f: {  	_ =	swait.ge [sflag:s20], $0x1400  }
0x60: {  	[sflag:s20] =	ssyncset.done $0x0  }
0x61: {  	s21 =	rddreg [dreg:$0xf];
	[sflag:s20] =	ssyncadd.s32 $0xFFFFEC00  }
0x62: {  	[tilespmem:s23], [sflag:$0x8] =	stream.linear.gather [hbm4b:s21+s4], $0x28, $0x38;
	[tilespmem:$0x1CE00] =	vst v63  }
0x63: {  	s29 =	simm.s32 $0x118  }
0x64: {  	[tilespmem:s0], [sflag:$0x3] =	stream.indirect.gather [hbm4b:s5+s24], $0x80, s29, s24, $0xb8;
	[tilespmem:$0x1CE00] =	vst v63  }
0x65: {  	_ =	swait.ge [sflag:s14], $0x1400  }
0x66: {  	[sflag:s14] =	ssyncset.done $0x0  }
0x67: {  	[sflag:s14] =	ssyncadd.s32 $0xFFFFEC00  }
0x68: {  	_ =	swait.ge [sflag:s8], $0x28  }
0x69: {  	[sflag:s8] =	ssyncset.done $0x0  }
0x6a: {  	[sflag:s8] =	ssyncadd.s32 $0xFFFFFFD8  }
0x6b: {  	[spmem:s3] =	stream.indirect.scatter.add.f32 [tilespmem:s7], [sflag:$0xB], $0x80, s6, s24, $0xb8;
	[tilespmem:$0x1CE00] =	vst v63  }
0x6c: {  	_ =	swait.ge [sflag:s20], $0x1400  }
0x6d: {  	[sflag:s20] =	ssyncset.done $0x0  }
0x6e: {  	s25 =	rddreg [dreg:$0xe];
	[sflag:s20] =	ssyncadd.s32 $0xFFFFEC00  }
0x6f: {  	[tilespmem:s6], [sflag:$0x9] =	stream.linear.gather [hbm4b:s25+s4], $0x28, $0x38;
	[tilespmem:$0x1CE00] =	vst v63  }
0x70: {  	s30 =	simm.s32 $0x140  }
0x71: {  	[tilespmem:s7], [sflag:$0x4] =	stream.indirect.gather [hbm4b:s5+s24], $0x80, s30, s24, $0xb8;
	[tilespmem:$0x1CE00] =	vst v63  }
0x72: {  	_ =	swait.ge [sflag:s15], $0x1400  }
0x73: {  	[sflag:s15] =	ssyncset.done $0x0  }
0x74: {  	[sflag:s15] =	ssyncadd.s32 $0xFFFFEC00  }
0x75: {  	_ =	swait.ge [sflag:s16], $0x28  }
0x76: {  	[sflag:s16] =	ssyncset.done $0x0  }
0x77: {  	s19 =	sadd.s32 $0xC8, s19;
	s22 =	sadd.s32 $0x19, s22;
	[sflag:s16] =	ssyncadd.s32 $0xFFFFFFD8  }
0x78: {  	[spmem:s3] =	stream.indirect.scatter.add.f32 [tilespmem:s9], [sflag:$0xB], $0x80, s26, s24, $0xb8;
	[tilespmem:$0x1CE00] =	vst v63  }
0x79: {  	s18 =	simm.s32 $0x320;
	s21 =	sadd.s32 $0x19, s21;
	_ =	swait.ge [sflag:s20], $0x1400  }
0x7a: {  	s23 =	simm.s32 $0x168;
	[sflag:s20] =	ssyncset.done $0x0;
	s31 =	rddreg [dreg:$0xd]  }
0x7b: {  	s2 =	sadd.s32 $0x19, s25;
	[sflag:s20] =	ssyncadd.s32 $0xFFFFEC00;
	s17 =	sadd.s32 $0x19, s31  }
0x7c: {  	[tilespmem:s26], [sflag:$0xA] =	stream.linear.gather [hbm4b:s31+s4], $0x28, $0x38;
	[tilespmem:$0x1CE00] =	vst v63  }
.LBB2_2:
0x7d: {  	s9 =	simm.s32 $0x1B780;
	s0 =	simm.s32 $0x1  }
0x7e: {  	[tilespmem:s9], [sflag:$0x5] =	stream.indirect.gather [hbm4b:s5+s24], $0x80, s23, s24, $0xb8;
	[tilespmem:$0x1CE00] =	vst v63  }
0x7f: {  	_ =	swait.ge [sflag:s0], $0x1400  }
0x80: {  	[sflag:s0] =	ssyncset.done $0x0  }
0x81: {  	s25 =	simm.s32 $0x6;
	[sflag:s0] =	ssyncadd.s32 $0xFFFFEC00  }
0x82: {  	_ =	swait.ge [sflag:s25], $0x28  }
0x83: {  	[sflag:s25] =	ssyncset.done $0x0  }
0x84: {  	s29 =	simm.s32 $0x1CB80;
	s31 =	simm.s32 $0x16780;
	[sflag:s25] =	ssyncadd.s32 $0xFFFFFFD8  }
0x85: {  	[spmem:s3] =	stream.indirect.scatter.add.f32 [tilespmem:s31], [sflag:$0xB], $0x80, s29, s24, $0xb8;
	[tilespmem:$0x1CE00] =	vst v63  }
0x86: {  	_ =	swait.ge [sflag:s20], $0x1400  }
0x87: {  	[sflag:s20] =	ssyncset.done $0x0  }
0x88: {  	[sflag:s20] =	ssyncadd.s32 $0xFFFFEC00  }
0x89: {  	s7 =	smov.u32 s18;
	s25 =	sshrl.u32 s19, $0x3;
	s26 =	rddreg [dreg:$0x1]  }
0x8a: {  	s23 =	sshra.s32 s7, $0x2;
	s25 =	sadd.s32 s26, s25  }
0x8b: {  	[tilespmem:s29], [sflag:$0x6] =	stream.linear.gather [hbm4b:s25+s4], $0x28, $0x38;
	[tilespmem:$0x1CE00] =	vst v63  }
0x8c: {  	s0 =	sadd.s32 $0xC8, s23  }
0x8d: {  	[tilespmem:s31], [sflag:$0x1] =	stream.indirect.gather [hbm4b:s5+s24], $0x80, s0, s24, $0xb8;
	[tilespmem:$0x1CE00] =	vst v63  }
0x8e: {  	_ =	swait.ge [sflag:s10], $0x1400  }
0x8f: {  	[sflag:s10] =	ssyncset.done $0x0  }
0x90: {  	[sflag:s10] =	ssyncadd.s32 $0xFFFFEC00  }
0x91: {  	_ =	swait.ge [sflag:s11], $0x28  }
0x92: {  	[sflag:s11] =	ssyncset.done $0x0  }
0x93: {  	s1 =	simm.s32 $0x1CC00;
	s30 =	simm.s32 $0x17B80;
	[sflag:s11] =	ssyncadd.s32 $0xFFFFFFD8  }
0x94: {  	[spmem:s3] =	stream.indirect.scatter.add.f32 [tilespmem:s30], [sflag:$0xB], $0x80, s1, s24, $0xb8;
	[tilespmem:$0x1CE00] =	vst v63  }
0x95: {  	_ =	swait.ge [sflag:s20], $0x1400  }
0x96: {  	[sflag:s20] =	ssyncset.done $0x0  }
0x97: {  	[sflag:s20] =	ssyncadd.s32 $0xFFFFEC00  }
0x98: {  	[tilespmem:s1], [sflag:$0x7] =	stream.linear.gather [hbm4b:s22+s4], $0x28, $0x38;
	[tilespmem:$0x1CE00] =	vst v63  }
0x99: {  	s6 =	sadd.s32 $0xF0, s23  }
0x9a: {  	[tilespmem:s30], [sflag:$0x2] =	stream.indirect.gather [hbm4b:s5+s24], $0x80, s6, s24, $0xb8;
	[tilespmem:$0x1CE00] =	vst v63  }
0x9b: {  	_ =	swait.ge [sflag:s12], $0x1400  }
0x9c: {  	[sflag:s12] =	ssyncset.done $0x0  }
0x9d: {  	[sflag:s12] =	ssyncadd.s32 $0xFFFFEC00  }
0x9e: {  	_ =	swait.ge [sflag:s13], $0x28  }
0x9f: {  	[sflag:s13] =	ssyncset.done $0x0  }
0xa0: {  	s7 =	simm.s32 $0x1CC80;
	s6 =	simm.s32 $0x18F80;
	[sflag:s13] =	ssyncadd.s32 $0xFFFFFFD8  }
0xa1: {  	[spmem:s3] =	stream.indirect.scatter.add.f32 [tilespmem:s6], [sflag:$0xB], $0x80, s7, s24, $0xb8;
	[tilespmem:$0x1CE00] =	vst v63  }
0xa2: {  	_ =	swait.ge [sflag:s20], $0x1400  }
0xa3: {  	[sflag:s20] =	ssyncset.done $0x0  }
0xa4: {  	[sflag:s20] =	ssyncadd.s32 $0xFFFFEC00  }
0xa5: {  	[tilespmem:s7], [sflag:$0x8] =	stream.linear.gather [hbm4b:s21+s4], $0x28, $0x38;
	[tilespmem:$0x1CE00] =	vst v63  }
0xa6: {  	s26 =	sadd.s32 $0x118, s23  }
0xa7: {  	[tilespmem:s6], [sflag:$0x3] =	stream.indirect.gather [hbm4b:s5+s24], $0x80, s26, s24, $0xb8;
	[tilespmem:$0x1CE00] =	vst v63  }
0xa8: {  	_ =	swait.ge [sflag:s14], $0x1400  }
0xa9: {  	[sflag:s14] =	ssyncset.done $0x0  }
0xaa: {  	[sflag:s14] =	ssyncadd.s32 $0xFFFFEC00  }
0xab: {  	_ =	swait.ge [sflag:s8], $0x28  }
0xac: {  	[sflag:s8] =	ssyncset.done $0x0  }
0xad: {  	s7 =	simm.s32 $0x1CD00;
	s26 =	simm.s32 $0x1A380;
	[sflag:s8] =	ssyncadd.s32 $0xFFFFFFD8  }
0xae: {  	[spmem:s3] =	stream.indirect.scatter.add.f32 [tilespmem:s26], [sflag:$0xB], $0x80, s7, s24, $0xb8;
	[tilespmem:$0x1CE00] =	vst v63  }
0xaf: {  	_ =	swait.ge [sflag:s20], $0x1400  }
0xb0: {  	[sflag:s20] =	ssyncset.done $0x0  }
0xb1: {  	[sflag:s20] =	ssyncadd.s32 $0xFFFFEC00  }
0xb2: {  	[tilespmem:s7], [sflag:$0x9] =	stream.linear.gather [hbm4b:s2+s4], $0x28, $0x38;
	[tilespmem:$0x1CE00] =	vst v63  }
0xb3: {  	s25 =	sadd.s32 $0x140, s23  }
0xb4: {  	[tilespmem:s26], [sflag:$0x4] =	stream.indirect.gather [hbm4b:s5+s24], $0x80, s25, s24, $0xb8;
	[tilespmem:$0x1CE00] =	vst v63  }
0xb5: {  	_ =	swait.ge [sflag:s15], $0x1400  }
0xb6: {  	p0 =	sne.s32 s18, $0x9600;
	[sflag:s15] =	ssyncset.done $0x0  }
0xb7: {  	s18 =	sadd.s32 $0x320, s18;
	s19 =	sadd.s32 $0xC8, s19;
	[sflag:s15] =	ssyncadd.s32 $0xFFFFEC00  }
0xb8: {  	s29 =	simm.s32 $0x16780;
	s23 =	sadd.s32 $0x168, s23;
	_ =	swait.ge [sflag:s16], $0x28  }
0xb9: {  	s31 =	simm.s32 $0x1CC00;
	s0 =	simm.s32 $0x18F80;
	[sflag:s16] =	ssyncset.done $0x0  }
0xba: {  	s1 =	simm.s32 $0x17B80;
	s26 =	simm.s32 $0x1CD80;
	[sflag:s16] =	ssyncadd.s32 $0xFFFFFFD8  }
0xbb: {  	[spmem:s3] =	stream.indirect.scatter.add.f32 [tilespmem:s9], [sflag:$0xB], $0x80, s26, s24, $0xb8;
	[tilespmem:$0x1CE00] =	vst v63  }
.Ltmp0:
0xbc: {  	s22 =	sadd.s32 $0x19, s22;
	_ =	swait.ge [sflag:s20], $0x1400;
	(pc) =	sbr.rel @p0 .LBB2_2-.Ltmp0, $4  }
0xbd: {  	s30 =	simm.s32 $0x1CC80;
	s21 =	sadd.s32 $0x19, s21;
	[sflag:s20] =	ssyncset.done $0x0  }
0xbe: {  	s6 =	simm.s32 $0x1CD00;
	s7 =	simm.s32 $0x1A380;
	[sflag:s20] =	ssyncadd.s32 $0xFFFFEC00  }
0xbf: {  	[tilespmem:s26], [sflag:$0xA] =	stream.linear.gather [hbm4b:s17+s4], $0x28, $0x38;
	[tilespmem:$0x1CE00] =	vst v63  }
0xc0: {  	s2 =	sadd.s32 $0x19, s2;
	s25 =	simm.s32 $0x1CD80;
	s17 =	sadd.s32 $0x19, s17  }
0xc1: {  	s2 =	simm.s32 $0x1B780;
	s9 =	simm.s32 $0x1  }
0xc2: {  	[tilespmem:s2], [sflag:$0x5] =	stream.indirect.gather [hbm4b:s5+s24], $0x80, s23, s24, $0xb8;
	[tilespmem:$0x1CE00] =	vst v63  }
0xc3: {  	_ =	swait.ge [sflag:s9], $0x1400  }
0xc4: {  	[sflag:s9] =	ssyncset.done $0x0  }
0xc5: {  	s26 =	simm.s32 $0x6;
	[sflag:s9] =	ssyncadd.s32 $0xFFFFEC00  }
0xc6: {  	_ =	swait.ge [sflag:s26], $0x28  }
0xc7: {  	[sflag:s26] =	ssyncset.done $0x0  }
0xc8: {  	[sflag:s26] =	ssyncadd.s32 $0xFFFFFFD8  }
0xc9: {  	[spmem:s3] =	stream.indirect.scatter.add.f32 [tilespmem:s29], [sflag:$0xB], $0x80, s28, s24, $0xb8;
	[tilespmem:$0x1CE00] =	vst v63  }
0xca: {  	_ =	swait.ge [sflag:s20], $0x1400  }
0xcb: {  	[sflag:s20] =	ssyncset.done $0x0  }
0xcc: {  	[sflag:s20] =	ssyncadd.s32 $0xFFFFEC00  }
0xcd: {  	_ =	swait.ge [sflag:s10], $0x1400  }
0xce: {  	[sflag:s10] =	ssyncset.done $0x0  }
0xcf: {  	[sflag:s10] =	ssyncadd.s32 $0xFFFFEC00  }
0xd0: {  	_ =	swait.ge [sflag:s11], $0x28  }
0xd1: {  	[sflag:s11] =	ssyncset.done $0x0  }
0xd2: {  	[sflag:s11] =	ssyncadd.s32 $0xFFFFFFD8  }
0xd3: {  	[spmem:s3] =	stream.indirect.scatter.add.f32 [tilespmem:s1], [sflag:$0xB], $0x80, s31, s24, $0xb8;
	[tilespmem:$0x1CE00] =	vst v63  }
0xd4: {  	_ =	swait.ge [sflag:s20], $0x1400  }
0xd5: {  	[sflag:s20] =	ssyncset.done $0x0  }
0xd6: {  	[sflag:s20] =	ssyncadd.s32 $0xFFFFEC00  }
0xd7: {  	_ =	swait.ge [sflag:s12], $0x1400  }
0xd8: {  	[sflag:s12] =	ssyncset.done $0x0  }
0xd9: {  	[sflag:s12] =	ssyncadd.s32 $0xFFFFEC00  }
0xda: {  	_ =	swait.ge [sflag:s13], $0x28  }
0xdb: {  	[sflag:s13] =	ssyncset.done $0x0  }
0xdc: {  	[sflag:s13] =	ssyncadd.s32 $0xFFFFFFD8  }
0xdd: {  	[spmem:s3] =	stream.indirect.scatter.add.f32 [tilespmem:s0], [sflag:$0xB], $0x80, s30, s24, $0xb8;
	[tilespmem:$0x1CE00] =	vst v63  }
0xde: {  	_ =	swait.ge [sflag:s20], $0x1400  }
0xdf: {  	[sflag:s20] =	ssyncset.done $0x0  }
0xe0: {  	[sflag:s20] =	ssyncadd.s32 $0xFFFFEC00  }
0xe1: {  	_ =	swait.ge [sflag:s14], $0x1400  }
0xe2: {  	[sflag:s14] =	ssyncset.done $0x0  }
0xe3: {  	[sflag:s14] =	ssyncadd.s32 $0xFFFFEC00  }
0xe4: {  	_ =	swait.ge [sflag:s8], $0x28  }
0xe5: {  	[sflag:s8] =	ssyncset.done $0x0  }
0xe6: {  	[sflag:s8] =	ssyncadd.s32 $0xFFFFFFD8  }
0xe7: {  	[spmem:s3] =	stream.indirect.scatter.add.f32 [tilespmem:s7], [sflag:$0xB], $0x80, s6, s24, $0xb8;
	[tilespmem:$0x1CE00] =	vst v63  }
0xe8: {  	_ =	swait.ge [sflag:s20], $0x1400  }
0xe9: {  	[sflag:s20] =	ssyncset.done $0x0  }
0xea: {  	[sflag:s20] =	ssyncadd.s32 $0xFFFFEC00  }
0xeb: {  	_ =	swait.ge [sflag:s15], $0x1400  }
0xec: {  	[sflag:s15] =	ssyncset.done $0x0  }
0xed: {  	[sflag:s15] =	ssyncadd.s32 $0xFFFFEC00  }
0xee: {  	_ =	swait.ge [sflag:s16], $0x28  }
0xef: {  	[sflag:s16] =	ssyncset.done $0x0  }
0xf0: {  	[sflag:s16] =	ssyncadd.s32 $0xFFFFFFD8  }
0xf1: {  	[spmem:s3] =	stream.indirect.scatter.add.f32 [tilespmem:s2], [sflag:$0xB], $0x80, s25, s24, $0xb8;
	[tilespmem:$0x1CE00] =	vst v63  }
0xf2: {  	_ =	swait.ge [sflag:s20], $0x1400  }
0xf3: {  	[sflag:s20] =	ssyncset.done $0x0  }
0xf4: {  	[sflag:s20] =	ssyncadd.s32 $0xFFFFEC00  }
0xf5: {  	[bflag:$0x0] =	sbarrier.arrive $0xFFFF  }
0xf6: {  	s29 =	rddreg [dreg:$0xb]  }
0xf7: {  	s17 =	rddreg [dreg:$0x12]  }
0xf8: {  	s18 =	rddreg [dreg:$0x13]  }
0xf9: {  	[hbm:s29], [sflag:s17] =	dma.local [spmem:s18], $0x2800  }
0xfa: {  	_ =	swait.ge [sflag:s20], $0x2800  }
0xfb: {  	s30 =	rddreg [dreg:$0x14]  }
0xfc: {  	s31 =	rddreg [dreg:$0xc];
	s0 =	sadd.s32 $0x1, s30  }
0xfd: {  	p0 =	sne.s32 s0, s31  }
.Ltmp1:
0xfe: {  	_ = 	snop;
	(pc) =	sbr.rel @p0 .LBB2_1-.Ltmp1, $4  }
0xff: {  	_ = 	snop  }
0x100: {  	[sflag:s20] =	ssyncset.done $0x0  }
0x101: {  	[sflag:s20] =	ssyncadd.s32 $0xFFFFD800  }
0x102: {  	s22 =	rddreg [dreg:$0x1]  }
0x103: {  	_ =	sfence.sel $0x180000  }
0x104: {  	[bflag:$0x0] =	sbarrier.arrive $0xFFFF  }
0x105: {  	_ =	strace $0x90000050  }
0x106: {  	s0 =	stileid.u32;
	[bflag:$0x2] =	sbarrier.arrive $0xFFFF  }
0x107: {  	p0 =	sne.s32 s0, $0x0;
	s0 =	rddreg [dreg:$0x3]  }
0x108: {  	s0 =	sadd.s32 @!p0 $0x100000, s0  }
0x109: {  	[sflag:s0] =	ssyncadd.tile.s32 @!p0 $0x1;
	_ =	shalt  }
.Lfunc_end2:
_tile_overlayer_lowered:
.L_overlay_start_2:
0x10a: {  	(tag) =	ssettag $0x2  }
0x10b: {  	s0 =	rddreg [dreg:$0x0];
	s2 =	stileid.u32  }
0x10c: {  	s1 =	rddreg [dreg:$0x1];
	p0 =	sne.s32 s2, $0x0  }
0x10d: {  	s3 =	rddreg [dreg:$0x2];
	[bflag:$0x3] =	sbarrier.arrive $0xFFFF;
	s2 =	simm.s32 @!p0 $0x1C0B  }
0x10e: {  	[timem:s3], [sflag:s2] =	dma.local @!p0 [hbm:s0], s1  }
0x10f: {  	s0 =	simm.s32 @!p0 $0xB  }
0x110: {  	_ =	swait.ge @!p0 [sflag:s0], s1  }
0x111: {  	s1 =	ssub.s32 @!p0 $0x0, s1;
	[sflag:s0] =	ssyncset.done @!p0 $0x0  }
0x112: {  	[sflag:s0] =	ssyncadd.s32 @!p0 s1  }
0x113: {  	[bflag:$0x3] =	sbarrier.arrive $0xFFFF  }
0x114: {  	_ =	shalt  }

</sc_bundles>
